<compile_context>
chip_gen: v7x
topology: tpu7x:2x2x1
jax: 0.10.2.dev20260603
libtpu: 0.0.44.dev20260713+nightly
codegen_flags: <defaults>
</compile_context>

<pallas_src>
import functools

import jax
import jax.numpy as jnp
from jax import lax
from jax.experimental import pallas as pl
from jax.experimental.pallas import tpu as pltpu
from jax.experimental.pallas import tpu_sc as plsc

B = 8192
D = 1024
E = 32
K = 3
H = 256
O = 64
O2 = 128
Q = 11399

T = 128
NT = (B * K) // T + E
P = NT * T
TB1 = 512
TB2 = 1024
TQ = 1024

NW = 32
RPW = P // NW
CH = 32
NCH = RPW // CH
BKW = (B * K) // NW

_F32 = jnp.float32
_I32 = jnp.int32


def _gelu(x):
    return 0.5 * x * (1.0 + lax.erf(x * 0.7071067811865476))


def _router_shared_body(x_ref, rw_ref, rb_ref, w1_ref, b1_ref, w2_ref, b2_ref,
                        idx_ref, w_ref, sh_ref, stats_ref, xb_ref):
    i = pl.program_id(0)
    x = x_ref[...]
    u1 = lax.bitcast_convert_type(x[:, :D // 2], jnp.uint32) + jnp.uint32(0x8000)
    u2 = lax.bitcast_convert_type(x[:, D // 2:], jnp.uint32) + jnp.uint32(0x8000)
    packed = (u1 & jnp.uint32(0xFFFF0000)) | (u2 >> 16)
    xb_ref[...] = lax.bitcast_convert_type(packed, _F32)
    logits = jnp.dot(x, rw_ref[...], preferred_element_type=_F32) + rb_ref[...]
    m = jnp.max(logits, axis=1, keepdims=True)
    ex = jnp.exp(logits - m)
    probs = ex / jnp.sum(ex, axis=1, keepdims=True)

    @pl.when(i == 0)
    def _():
        stats_ref[...] = jnp.zeros_like(stats_ref)

    stats_ref[0:1, 0:E] += jnp.sum(probs, axis=0, keepdims=True)

    iota = lax.broadcasted_iota(_I32, probs.shape, 1)
    pw = probs
    cols_i = []
    cols_w = []
    for _ in range(K):
        mk = jnp.max(pw, axis=1, keepdims=True)
        a = jnp.min(jnp.where(pw == mk, iota, E), axis=1, keepdims=True)
        cols_i.append(a)
        cols_w.append(mk)
        pw = jnp.where(iota == a, -1.0, pw)
    zi = jnp.zeros_like(cols_i[0])
    zw = jnp.zeros_like(cols_w[0])
    idx_full = jnp.concatenate(cols_i + [zi], axis=1)
    w_full = jnp.concatenate(cols_w + [zw], axis=1)
    wsum = cols_w[0] + cols_w[1] + cols_w[2]
    idx_ref[...] = idx_full
    w_ref[...] = w_full / wsum

    mid = _gelu(jnp.dot(x, w1_ref[...], preferred_element_type=_F32) + b1_ref[...])
    sh_ref[...] = jnp.dot(mid, w2_ref[...], preferred_element_type=_F32) + b2_ref[...]


def _router_shared(x, router_W, router_b, sh_W1, sh_b1, sh_W2, sh_b2):
    grid = (B // TB1,)
    return pl.pallas_call(
        _router_shared_body,
        grid=grid,
        in_specs=[
            pl.BlockSpec((TB1, D), lambda i: (i, 0)),
            pl.BlockSpec((D, E), lambda i: (0, 0)),
            pl.BlockSpec((1, E), lambda i: (0, 0)),
            pl.BlockSpec((D, H), lambda i: (0, 0)),
            pl.BlockSpec((1, H), lambda i: (0, 0)),
            pl.BlockSpec((H, O), lambda i: (0, 0)),
            pl.BlockSpec((1, O), lambda i: (0, 0)),
        ],
        out_specs=[
            pl.BlockSpec((TB1, 4), lambda i: (i, 0)),
            pl.BlockSpec((TB1, 4), lambda i: (i, 0)),
            pl.BlockSpec((TB1, O), lambda i: (i, 0)),
            pl.BlockSpec((8, 128), lambda i: (0, 0)),
            pl.BlockSpec((TB1, D // 2), lambda i: (i, 0)),
        ],
        out_shape=[
            jax.ShapeDtypeStruct((B, 4), _I32),
            jax.ShapeDtypeStruct((B, 4), _F32),
            jax.ShapeDtypeStruct((B, O), _F32),
            jax.ShapeDtypeStruct((8, 128), _F32),
            jax.ShapeDtypeStruct((B, D // 2), _F32),
        ],
    )(x, router_W, router_b.reshape(1, E), sh_W1, sh_b1.reshape(1, H),
      sh_W2, sh_b2.reshape(1, O))


@functools.cache
def _make_sc_gather(n_rows, width, chunk, nbuf=4, dtype=_F32):
    rpw = n_rows // NW
    nch = rpw // chunk
    mesh = plsc.VectorSubcoreMesh(core_axis_name="c", subcore_axis_name="s")
    buf_types = [pltpu.VMEM((chunk, width), dtype) for _ in range(nbuf)]
    gsem_types = [pltpu.SemaphoreType.DMA for _ in range(nbuf)]
    ssem_types = [pltpu.SemaphoreType.DMA for _ in range(nbuf)]

    @functools.partial(
        pl.kernel,
        mesh=mesh,
        out_type=jax.ShapeDtypeStruct((n_rows, width), dtype),
        scratch_types=[pltpu.VMEM((rpw,), _I32)] + buf_types + gsem_types + ssem_types,
    )
    def sc_gather(src_hbm, idx_hbm, out_hbm, idx_v, *rest):
        bufs = rest[:nbuf]
        gsems = rest[nbuf:2 * nbuf]
        ssems = rest[2 * nbuf:]
        wid = lax.axis_index("s") * 2 + lax.axis_index("c")
        base = wid * rpw
        pltpu.sync_copy(idx_hbm.at[pl.ds(base, rpw)], idx_v)

        def gather(c):
            return pltpu.async_copy(
                src_hbm.at[idx_v.at[pl.ds(c * chunk, chunk)]],
                bufs[c % nbuf], gsems[c % nbuf])

        g_h = [None] * nch
        s_h = [None] * nch
        for c in range(min(nbuf, nch)):
            g_h[c] = gather(c)
        for c in range(nch):
            g_h[c].wait()
            s_h[c] = pltpu.async_copy(
                bufs[c % nbuf], out_hbm.at[pl.ds(base + c * chunk, chunk)],
                ssems[c % nbuf])
            if c + nbuf < nch:
                s_h[c].wait()
                g_h[c + nbuf] = gather(c + nbuf)
        for c in range(max(0, nch - nbuf), nch):
            s_h[c].wait()

    return sc_gather


def _expert_mlp_body(te_ref, xs_ref, w1_ref, b1_ref, w2_ref, b2_ref, out_ref):
    v = lax.bitcast_convert_type(xs_ref[...], jnp.uint32)
    xa = lax.bitcast_convert_type(v & jnp.uint32(0xFFFF0000), _F32)
    xb = lax.bitcast_convert_type(v << 16, _F32)
    xs = jnp.concatenate([xa, xb], axis=1)
    h = _gelu(jnp.dot(xs, w1_ref[0], preferred_element_type=_F32)
              + b1_ref[0])
    out_ref[...] = jnp.dot(h, w2_ref[0], preferred_element_type=_F32) + b2_ref[0]


def _expert_mlp(x_sorted, tile_expert, ex_W1, ex_b1, ex_W2, ex_b2):
    grid_spec = pltpu.PrefetchScalarGridSpec(
        num_scalar_prefetch=1,
        grid=(NT,),
        in_specs=[
            pl.BlockSpec((T, D // 2), lambda t, te: (t, 0)),
            pl.BlockSpec((1, D, H), lambda t, te: (te[t], 0, 0)),
            pl.BlockSpec((1, 1, H), lambda t, te: (te[t], 0, 0)),
            pl.BlockSpec((1, H, O2), lambda t, te: (te[t], 0, 0)),
            pl.BlockSpec((1, 1, O2), lambda t, te: (te[t], 0, 0)),
        ],
        out_specs=pl.BlockSpec((T, O2), lambda t, te: (t, 0)),
    )
    w2p = jnp.pad(ex_W2, ((0, 0), (0, 0), (0, O2 - O)))
    b2p = jnp.pad(ex_b2, ((0, 0), (0, O2 - O))).reshape(E, 1, O2)
    return pl.pallas_call(
        _expert_mlp_body,
        grid_spec=grid_spec,
        out_shape=jax.ShapeDtypeStruct((P, O2), _F32),
    )(tile_expert, x_sorted, ex_W1, ex_b1.reshape(E, 1, H), w2p, b2p)


def _heads_body(sh_ref, r3_ref, w_ref, qw_ref, qb_ref, lw_ref, lb_ref,
                quad_ref, ll_ref, comb_ref):
    j = pl.program_id(1)

    @pl.when(j == 0)
    def _():
        r3 = r3_ref[...]
        w = w_ref[...]
        routed = (r3[:, 0, :] * w[:, 0:1]
                  + r3[:, 1, :] * w[:, 1:2]
                  + r3[:, 2, :] * w[:, 2:3])
        comb = sh_ref[...] + routed[:, 0:O]
        comb_ref[...] = comb
        ll_ref[...] = jnp.dot(comb, lw_ref[...], preferred_element_type=_F32) + lb_ref[...]

    quad_ref[...] = (jnp.dot(comb_ref[...], qw_ref[...], preferred_element_type=_F32)
                     + qb_ref[...])


def _heads(shared, routed3, topk_w, qt_W, qt_b, ll_W, ll_b):
    grid = (B // TB2, pl.cdiv(Q, TQ))
    return pl.pallas_call(
        _heads_body,
        grid=grid,
        in_specs=[
            pl.BlockSpec((TB2, O), lambda i, j: (i, 0)),
            pl.BlockSpec((TB2, K, O2), lambda i, j: (i, 0, 0)),
            pl.BlockSpec((TB2, 4), lambda i, j: (i, 0)),
            pl.BlockSpec((O, TQ), lambda i, j: (0, j)),
            pl.BlockSpec((1, TQ), lambda i, j: (0, j)),
            pl.BlockSpec((O, 2), lambda i, j: (0, 0)),
            pl.BlockSpec((1, 2), lambda i, j: (0, 0)),
        ],
        out_specs=[
            pl.BlockSpec((TB2, TQ), lambda i, j: (i, j)),
            pl.BlockSpec((TB2, 2), lambda i, j: (i, 0)),
        ],
        out_shape=[
            jax.ShapeDtypeStruct((B, Q), _F32),
            jax.ShapeDtypeStruct((B, 2), _F32),
        ],
        scratch_shapes=[pltpu.VMEM((TB2, O), _F32)],
    )(shared, routed3, topk_w, qt_W, qt_b.reshape(1, Q), ll_W, ll_b.reshape(1, 2))


def _dispatch_meta(topk_idx):
    mask_be = (topk_idx[:, :, None] == jnp.arange(E)[None, None, :]).any(axis=1)
    mask_be = mask_be.astype(_I32)
    csum = jnp.cumsum(mask_be, axis=0)
    rank_be = csum - mask_be
    counts = csum[-1]
    tiles_e = (counts + T - 1) // T
    tile_start = jnp.concatenate([jnp.zeros((1,), _I32),
                                  jnp.cumsum(tiles_e).astype(_I32)])
    pstart = tile_start[:E] * T
    dest_be = pstart[None, :] + rank_be
    dest3 = jnp.take_along_axis(dest_be, topk_idx, axis=1).astype(_I32)
    slot_token = jnp.zeros((P,), _I32).at[dest3.reshape(-1)].set(
        jnp.repeat(jnp.arange(B, dtype=_I32), K), mode="drop")
    tile_expert = jnp.searchsorted(
        jnp.cumsum(tiles_e), jnp.arange(NT, dtype=_I32), side="right")
    tile_expert = jnp.minimum(tile_expert, E - 1).astype(_I32)
    return dest3, slot_token, tile_expert, counts


def kernel(x, router_W, router_b, sh_W1, sh_b1, sh_W2, sh_b2,
           ex_W1, ex_b1, ex_W2, ex_b2, ll_W, ll_b, qt_W, qt_b):
    topk_idx8, topk_w, shared, stats, x_bf = _router_shared(
        x, router_W, router_b, sh_W1, sh_b1, sh_W2, sh_b2)
    topk_idx = topk_idx8[:, :K]
    dest3, slot_token, tile_expert, counts = _dispatch_meta(topk_idx)

    x_sorted = _make_sc_gather(P, D // 2, CH)(x_bf, slot_token)
    out_sorted = _expert_mlp(x_sorted, tile_expert, ex_W1, ex_b1, ex_W2, ex_b2)
    routed3 = _make_sc_gather(B * K, O2, BKW, nbuf=1)(
        out_sorted, dest3.reshape(-1)).reshape(B, K, O2)

    quad, ll = _heads(shared, routed3, topk_w, qt_W, qt_b, ll_W, ll_b)

    p_mean = stats[0, 0:E] / B
    f_i = (E / (K * B)) * counts.astype(_F32)
    balance_loss = jnp.sum(f_i * p_mean) * 0.001
    return ll[:, 0], ll[:, 1], quad, balance_loss

# --- scband reference (transcript-rebuilt; emitter-appended) ---
"""Pipeline reference for scband-geoformer-41618233098784 (READ-ONLY COPY).

The authoritative reference and input builder live on the scoring server;
editing this copy changes nothing except your own understanding.
"""

import jax, jax.numpy as jnp
import numpy as np

B = 8192
D = 1024
E = 32
K = 3
H = 256
O = 64
Q = 11399


def setup_inputs(seed: int = 0) -> dict:
    key = jax.random.key(seed)
    ks = jax.random.split(key, 10)
    s = 0.02
    return {
        "x": jax.random.normal(ks[0], (B, D), jnp.float32),
        "router_W": jax.random.normal(ks[1], (D, E), jnp.float32) * s,
        "router_b": jnp.zeros((E,), jnp.float32),
        "sh_W1": jax.random.normal(ks[2], (D, H), jnp.float32) * s,
        "sh_b1": jnp.zeros((H,), jnp.float32),
        "sh_W2": jax.random.normal(ks[3], (H, O), jnp.float32) * s,
        "sh_b2": jnp.zeros((O,), jnp.float32),
        "ex_W1": jax.random.normal(ks[4], (E, D, H), jnp.float32) * s,
        "ex_b1": jnp.zeros((E, H), jnp.float32),
        "ex_W2": jax.random.normal(ks[5], (E, H, O), jnp.float32) * s,
        "ex_b2": jnp.zeros((E, O), jnp.float32),
        "ll_W": jax.random.normal(ks[6], (O, 2), jnp.float32) * s,
        "ll_b": jnp.zeros((2,), jnp.float32),
        "qt_W": jax.random.normal(ks[7], (O, Q), jnp.float32) * s,
        "qt_b": jnp.zeros((Q,), jnp.float32),
    }


def _forward(x, router_W, router_b, sh_W1, sh_b1, sh_W2, sh_b2,
             ex_W1, ex_b1, ex_W2, ex_b2, ll_W, ll_b, qt_W, qt_b):
    n = x.shape[0]
    routing_logits = x @ router_W + router_b
    routing_probs = jax.nn.softmax(routing_logits, axis=-1)
    top_k_probs, top_k_indices = jax.lax.top_k(routing_probs, K)
    normalized_probs = top_k_probs / jnp.sum(top_k_probs, axis=-1, keepdims=True)
    # shared expert
    shared_output = jax.nn.gelu(x @ sh_W1 + sh_b1, approximate=False) @ sh_W2 + sh_b2
    # routed experts: dense-equivalent formulation of the per-expert gather/index_add loop
    hid = jax.nn.gelu(jnp.einsum('bd,edh->ebh', x, ex_W1) + ex_b1[:, None, :], approximate=False)
    eout = jnp.einsum('ebh,eho->ebo', hid, ex_W2) + ex_b2[:, None, :]
    rows = jnp.arange(n)[:, None]
    comb = jnp.zeros((n, E), routing_probs.dtype).at[rows, top_k_indices].add(normalized_probs)
    routed_output = jnp.einsum('be,ebo->bo', comb, eout)
    combined = shared_output + routed_output
    lat_lon = combined @ ll_W + ll_b
    quad = combined @ qt_W + qt_b
    # expert balance loss
    expert_mask = jnp.zeros_like(routing_probs).at[rows, top_k_indices].set(1.0)
    f_i = E / (K * n) * expert_mask.sum(axis=0)
    P_i = routing_probs.mean(axis=0)
    balance_loss = jnp.sum(f_i * P_i) * 0.001
    return lat_lon[:, 0], lat_lon[:, 1], quad, balance_loss


def reference(x, router_W, router_b, sh_W1, sh_b1, sh_W2, sh_b2,
              ex_W1, ex_b1, ex_W2, ex_b2, ll_W, ll_b, qt_W, qt_b):
    return _forward(
        x, router_W, router_b,
        sh_W1, sh_b1, sh_W2, sh_b2,
        ex_W1, ex_b1, ex_W2, ex_b2,
        ll_W, ll_b, qt_W, qt_b)

if __name__ == "__main__":
    import jax
    _d = setup_inputs()
    print(jax.jit(kernel)(*tuple(_d.values())))

</pallas_src>

<mosaic_0001>
#map = affine_map<(d0, d1) -> (0, 0)>
#map1 = affine_map<(d0, d1) -> (0)>
module attributes {stable_mosaic.version = 14 : i64} {
  func.func @sc_gather(%arg0: i32, %arg1: i32, %arg2: memref<8192x512xf32, #tpu.memory_space<hbm>>, %arg3: memref<28672xi32, #tpu.memory_space<hbm>>, %arg4: memref<28672x512xf32, #tpu.memory_space<hbm>>, %arg5: memref<896xi32, #tpu.memory_space<vmem>>, %arg6: memref<32x512xf32, #tpu.memory_space<vmem>>, %arg7: memref<32x512xf32, #tpu.memory_space<vmem>>, %arg8: memref<32x512xf32, #tpu.memory_space<vmem>>, %arg9: memref<32x512xf32, #tpu.memory_space<vmem>>, %arg10: memref<!tpu.dma_semaphore, #tpu.memory_space<semaphore_mem>>, %arg11: memref<!tpu.dma_semaphore, #tpu.memory_space<semaphore_mem>>, %arg12: memref<!tpu.dma_semaphore, #tpu.memory_space<semaphore_mem>>, %arg13: memref<!tpu.dma_semaphore, #tpu.memory_space<semaphore_mem>>, %arg14: memref<!tpu.dma_semaphore, #tpu.memory_space<semaphore_mem>>, %arg15: memref<!tpu.dma_semaphore, #tpu.memory_space<semaphore_mem>>, %arg16: memref<!tpu.dma_semaphore, #tpu.memory_space<semaphore_mem>>, %arg17: memref<!tpu.dma_semaphore, #tpu.memory_space<semaphore_mem>>) attributes {dimension_semantics = [#tpu.dimension_semantics<core_parallel>, #tpu.dimension_semantics<subcore_parallel>], iteration_bounds = array<i64: 2, 16>, scalar_prefetch = 0 : i64, scratch_operands = 13 : i64, tpu.core_type = #tpu.core_type<sc_vector_subcore>, window_params = [{transform_indices = #map}, {transform_indices = #map1}, {transform_indices = #map}]} {
    %mul3A = arith.constant 2 : i32
    %mul3A_0 = arith.muli %arg1, %mul3A : i32
    %add3A = arith.addi %mul3A_0, %arg0 : i32
    %mul3A_1 = arith.constant 896 : i32
    %mul3A_2 = arith.muli %add3A, %mul3A_1 : i32
    "tpu.region"() ({
      %run_scoped3A = tpu.sem_alloc : memref<!tpu.dma_semaphore, #tpu.memory_space<semaphore_mem>>
      %dma_start3A_561 = tpu.memref_slice %arg3[%mul3A_2] : memref<28672xi32, #tpu.memory_space<hbm>> -> memref<896xi32, #tpu.memory_space<hbm>>
      %dma_start3A_562 = tpu.memref_slice %arg3[%mul3A_2] : memref<28672xi32, #tpu.memory_space<hbm>> -> memref<896xi32, #tpu.memory_space<hbm>>
      tpu.enqueue_dma source(%dma_start3A_562 : memref<896xi32, #tpu.memory_space<hbm>>) target(%arg5 : memref<896xi32, #tpu.memory_space<vmem>>) target_semaphore(%run_scoped3A : memref<!tpu.dma_semaphore, #tpu.memory_space<semaphore_mem>>)
      %dma_wait3A_563 = tpu.memref_slice %arg3[%mul3A_2] : memref<28672xi32, #tpu.memory_space<hbm>> -> memref<896xi32, #tpu.memory_space<hbm>>
      %dma_wait3A_564 = tpu.memref_slice %arg3[%mul3A_2] : memref<28672xi32, #tpu.memory_space<hbm>> -> memref<896xi32, #tpu.memory_space<hbm>>
      tpu.wait_dma2 semaphore(%run_scoped3A : memref<!tpu.dma_semaphore, #tpu.memory_space<semaphore_mem>>) src(%dma_wait3A_564 : memref<896xi32, #tpu.memory_space<hbm>>) dst(%arg5 : memref<896xi32, #tpu.memory_space<vmem>>)
      tpu.yield
    }) : () -> ()
    %dma_start3A = arith.constant 0 : i32
    %dma_start3A_3 = tpu.memref_slice %arg5[%dma_start3A] : memref<896xi32, #tpu.memory_space<vmem>> -> memref<32xi32, #tpu.memory_space<vmem>>
    %dma_start3A_4 = arith.constant 0 : i32
    %dma_start3A_5 = arith.constant 0 : i32
    %dma_start3A_6 = tpu.memref_slice %arg2[%dma_start3A_4, %dma_start3A_5] : memref<8192x512xf32, #tpu.memory_space<hbm>> -> memref<8192x512xf32, #tpu.memory_space<hbm>>
    tpu.enqueue_indirect_dma source(%dma_start3A_6 : memref<8192x512xf32, #tpu.memory_space<hbm>>) target(%arg6 : memref<32x512xf32, #tpu.memory_space<vmem>>) offsets(%dma_start3A_3 : memref<32xi32, #tpu.memory_space<vmem>>) semaphore(%arg10 : memref<!tpu.dma_semaphore, #tpu.memory_space<semaphore_mem>>)
    %dma_start3A_7 = arith.constant 32 : i32
    %dma_start3A_8 = tpu.memref_slice %arg5[%dma_start3A_7] : memref<896xi32, #tpu.memory_space<vmem>> -> memref<32xi32, #tpu.memory_space<vmem>>
    %dma_start3A_9 = arith.constant 0 : i32
    %dma_start3A_10 = arith.constant 0 : i32
    %dma_start3A_11 = tpu.memref_slice %arg2[%dma_start3A_9, %dma_start3A_10] : memref<8192x512xf32, #tpu.memory_space<hbm>> -> memref<8192x512xf32, #tpu.memory_space<hbm>>
    tpu.enqueue_indirect_dma source(%dma_start3A_11 : memref<8192x512xf32, #tpu.memory_space<hbm>>) target(%arg7 : memref<32x512xf32, #tpu.memory_space<vmem>>) offsets(%dma_start3A_8 : memref<32xi32, #tpu.memory_space<vmem>>) semaphore(%arg11 : memref<!tpu.dma_semaphore, #tpu.memory_space<semaphore_mem>>)
    %dma_start3A_12 = arith.constant 64 : i32
    %dma_start3A_13 = tpu.memref_slice %arg5[%dma_start3A_12] : memref<896xi32, #tpu.memory_space<vmem>> -> memref<32xi32, #tpu.memory_space<vmem>>
    %dma_start3A_14 = arith.constant 0 : i32
    %dma_start3A_15 = arith.constant 0 : i32
    %dma_start3A_16 = tpu.memref_slice %arg2[%dma_start3A_14, %dma_start3A_15] : memref<8192x512xf32, #tpu.memory_space<hbm>> -> memref<8192x512xf32, #tpu.memory_space<hbm>>
    tpu.enqueue_indirect_dma source(%dma_start3A_16 : memref<8192x512xf32, #tpu.memory_space<hbm>>) target(%arg8 : memref<32x512xf32, #tpu.memory_space<vmem>>) offsets(%dma_start3A_13 : memref<32xi32, #tpu.memory_space<vmem>>) semaphore(%arg12 : memref<!tpu.dma_semaphore, #tpu.memory_space<semaphore_mem>>)
    %dma_start3A_17 = arith.constant 96 : i32
    %dma_start3A_18 = tpu.memref_slice %arg5[%dma_start3A_17] : memref<896xi32, #tpu.memory_space<vmem>> -> memref<32xi32, #tpu.memory_space<vmem>>
    %dma_start3A_19 = arith.constant 0 : i32
    %dma_start3A_20 = arith.constant 0 : i32
    %dma_start3A_21 = tpu.memref_slice %arg2[%dma_start3A_19, %dma_start3A_20] : memref<8192x512xf32, #tpu.memory_space<hbm>> -> memref<8192x512xf32, #tpu.memory_space<hbm>>
    tpu.enqueue_indirect_dma source(%dma_start3A_21 : memref<8192x512xf32, #tpu.memory_space<hbm>>) target(%arg9 : memref<32x512xf32, #tpu.memory_space<vmem>>) offsets(%dma_start3A_18 : memref<32xi32, #tpu.memory_space<vmem>>) semaphore(%arg13 : memref<!tpu.dma_semaphore, #tpu.memory_space<semaphore_mem>>)
    %dma_wait3A = arith.constant 0 : i32
    %dma_wait3A_22 = tpu.memref_slice %arg5[%dma_wait3A] : memref<896xi32, #tpu.memory_space<vmem>> -> memref<32xi32, #tpu.memory_space<vmem>>
    %dma_wait3A_23 = arith.constant 0 : i32
    %dma_wait3A_24 = arith.constant 0 : i32
    %dma_wait3A_25 = tpu.memref_slice %arg2[%dma_wait3A_23, %dma_wait3A_24] : memref<8192x512xf32, #tpu.memory_space<hbm>> -> memref<8192x512xf32, #tpu.memory_space<hbm>>
    tpu.wait_indirect_dma semaphore(%arg10 : memref<!tpu.dma_semaphore, #tpu.memory_space<semaphore_mem>>) src(%dma_wait3A_25 : memref<8192x512xf32, #tpu.memory_space<hbm>>) dst(%arg6 : memref<32x512xf32, #tpu.memory_space<vmem>>)
    %add3A_26 = arith.constant 0 : i32
    %add3A_27 = arith.addi %mul3A_2, %add3A_26 : i32
    %dma_start3A_28 = arith.constant 0 : i32
    %dma_start3A_29 = tpu.memref_slice %arg4[%add3A_27, %dma_start3A_28] : memref<28672x512xf32, #tpu.memory_space<hbm>> -> memref<32x512xf32, #tpu.memory_space<hbm>>
    %dma_start3A_30 = arith.constant 0 : i32
    %dma_start3A_31 = tpu.memref_slice %arg4[%add3A_27, %dma_start3A_30] : memref<28672x512xf32, #tpu.memory_space<hbm>> -> memref<32x512xf32, #tpu.memory_space<hbm>>
    tpu.enqueue_dma source(%arg6 : memref<32x512xf32, #tpu.memory_space<vmem>>) target(%dma_start3A_31 : memref<32x512xf32, #tpu.memory_space<hbm>>) target_semaphore(%arg14 : memref<!tpu.dma_semaphore, #tpu.memory_space<semaphore_mem>>)
    %dma_wait3A_32 = arith.constant 0 : i32
    %dma_wait3A_33 = tpu.memref_slice %arg4[%add3A_27, %dma_wait3A_32] : memref<28672x512xf32, #tpu.memory_space<hbm>> -> memref<32x512xf32, #tpu.memory_space<hbm>>
    %dma_wait3A_34 = arith.constant 0 : i32
    %dma_wait3A_35 = tpu.memref_slice %arg4[%add3A_27, %dma_wait3A_34] : memref<28672x512xf32, #tpu.memory_space<hbm>> -> memref<32x512xf32, #tpu.memory_space<hbm>>
    tpu.wait_dma2 semaphore(%arg14 : memref<!tpu.dma_semaphore, #tpu.memory_space<semaphore_mem>>) src(%arg6 : memref<32x512xf32, #tpu.memory_space<vmem>>) dst(%dma_wait3A_35 : memref<32x512xf32, #tpu.memory_space<hbm>>)
    %dma_start3A_36 = arith.constant 128 : i32
    %dma_start3A_37 = tpu.memref_slice %arg5[%dma_start3A_36] : memref<896xi32, #tpu.memory_space<vmem>> -> memref<32xi32, #tpu.memory_space<vmem>>
    %dma_start3A_38 = arith.constant 0 : i32
    %dma_start3A_39 = arith.constant 0 : i32
    %dma_start3A_40 = tpu.memref_slice %arg2[%dma_start3A_38, %dma_start3A_39] : memref<8192x512xf32, #tpu.memory_space<hbm>> -> memref<8192x512xf32, #tpu.memory_space<hbm>>
    tpu.enqueue_indirect_dma source(%dma_start3A_40 : memref<8192x512xf32, #tpu.memory_space<hbm>>) target(%arg6 : memref<32x512xf32, #tpu.memory_space<vmem>>) offsets(%dma_start3A_37 : memref<32xi32, #tpu.memory_space<vmem>>) semaphore(%arg10 : memref<!tpu.dma_semaphore, #tpu.memory_space<semaphore_mem>>)
    %dma_wait3A_41 = arith.constant 32 : i32
    %dma_wait3A_42 = tpu.memref_slice %arg5[%dma_wait3A_41] : memref<896xi32, #tpu.memory_space<vmem>> -> memref<32xi32, #tpu.memory_space<vmem>>
    %dma_wait3A_43 = arith.constant 0 : i32
    %dma_wait3A_44 = arith.constant 0 : i32
    %dma_wait3A_45 = tpu.memref_slice %arg2[%dma_wait3A_43, %dma_wait3A_44] : memref<8192x512xf32, #tpu.memory_space<hbm>> -> memref<8192x512xf32, #tpu.memory_space<hbm>>
    tpu.wait_indirect_dma semaphore(%arg11 : memref<!tpu.dma_semaphore, #tpu.memory_space<semaphore_mem>>) src(%dma_wait3A_45 : memref<8192x512xf32, #tpu.memory_space<hbm>>) dst(%arg7 : memref<32x512xf32, #tpu.memory_space<vmem>>)
    %add3A_46 = arith.constant 32 : i32
    %add3A_47 = arith.addi %mul3A_2, %add3A_46 : i32
    %dma_start3A_48 = arith.constant 0 : i32
    %dma_start3A_49 = tpu.memref_slice %arg4[%add3A_47, %dma_start3A_48] : memref<28672x512xf32, #tpu.memory_space<hbm>> -> memref<32x512xf32, #tpu.memory_space<hbm>>
    %dma_start3A_50 = arith.constant 0 : i32
    %dma_start3A_51 = tpu.memref_slice %arg4[%add3A_47, %dma_start3A_50] : memref<28672x512xf32, #tpu.memory_space<hbm>> -> memref<32x512xf32, #tpu.memory_space<hbm>>
    tpu.enqueue_dma source(%arg7 : memref<32x512xf32, #tpu.memory_space<vmem>>) target(%dma_start3A_51 : memref<32x512xf32, #tpu.memory_space<hbm>>) target_semaphore(%arg15 : memref<!tpu.dma_semaphore, #tpu.memory_space<semaphore_mem>>)
    %dma_wait3A_52 = arith.constant 0 : i32
    %dma_wait3A_53 = tpu.memref_slice %arg4[%add3A_47, %dma_wait3A_52] : memref<28672x512xf32, #tpu.memory_space<hbm>> -> memref<32x512xf32, #tpu.memory_space<hbm>>
    %dma_wait3A_54 = arith.constant 0 : i32
    %dma_wait3A_55 = tpu.memref_slice %arg4[%add3A_47, %dma_wait3A_54] : memref<28672x512xf32, #tpu.memory_space<hbm>> -> memref<32x512xf32, #tpu.memory_space<hbm>>
    tpu.wait_dma2 semaphore(%arg15 : memref<!tpu.dma_semaphore, #tpu.memory_space<semaphore_mem>>) src(%arg7 : memref<32x512xf32, #tpu.memory_space<vmem>>) dst(%dma_wait3A_55 : memref<32x512xf32, #tpu.memory_space<hbm>>)
    %dma_start3A_56 = arith.constant 160 : i32
    %dma_start3A_57 = tpu.memref_slice %arg5[%dma_start3A_56] : memref<896xi32, #tpu.memory_space<vmem>> -> memref<32xi32, #tpu.memory_space<vmem>>
    %dma_start3A_58 = arith.constant 0 : i32
    %dma_start3A_59 = arith.constant 0 : i32
    %dma_start3A_60 = tpu.memref_slice %arg2[%dma_start3A_58, %dma_start3A_59] : memref<8192x512xf32, #tpu.memory_space<hbm>> -> memref<8192x512xf32, #tpu.memory_space<hbm>>
    tpu.enqueue_indirect_dma source(%dma_start3A_60 : memref<8192x512xf32, #tpu.memory_space<hbm>>) target(%arg7 : memref<32x512xf32, #tpu.memory_space<vmem>>) offsets(%dma_start3A_57 : memref<32xi32, #tpu.memory_space<vmem>>) semaphore(%arg11 : memref<!tpu.dma_semaphore, #tpu.memory_space<semaphore_mem>>)
    %dma_wait3A_61 = arith.constant 64 : i32
    %dma_wait3A_62 = tpu.memref_slice %arg5[%dma_wait3A_61] : memref<896xi32, #tpu.memory_space<vmem>> -> memref<32xi32, #tpu.memory_space<vmem>>
    %dma_wait3A_63 = arith.constant 0 : i32
    %dma_wait3A_64 = arith.constant 0 : i32
    %dma_wait3A_65 = tpu.memref_slice %arg2[%dma_wait3A_63, %dma_wait3A_64] : memref<8192x512xf32, #tpu.memory_space<hbm>> -> memref<8192x512xf32, #tpu.memory_space<hbm>>
    tpu.wait_indirect_dma semaphore(%arg12 : memref<!tpu.dma_semaphore, #tpu.memory_space<semaphore_mem>>) src(%dma_wait3A_65 : memref<8192x512xf32, #tpu.memory_space<hbm>>) dst(%arg8 : memref<32x512xf32, #tpu.memory_space<vmem>>)
    %add3A_66 = arith.constant 64 : i32
    %add3A_67 = arith.addi %mul3A_2, %add3A_66 : i32
    %dma_start3A_68 = arith.constant 0 : i32
    %dma_start3A_69 = tpu.memref_slice %arg4[%add3A_67, %dma_start3A_68] : memref<28672x512xf32, #tpu.memory_space<hbm>> -> memref<32x512xf32, #tpu.memory_space<hbm>>
    %dma_start3A_70 = arith.constant 0 : i32
    %dma_start3A_71 = tpu.memref_slice %arg4[%add3A_67, %dma_start3A_70] : memref<28672x512xf32, #tpu.memory_space<hbm>> -> memref<32x512xf32, #tpu.memory_space<hbm>>
    tpu.enqueue_dma source(%arg8 : memref<32x512xf32, #tpu.memory_space<vmem>>) target(%dma_start3A_71 : memref<32x512xf32, #tpu.memory_space<hbm>>) target_semaphore(%arg16 : memref<!tpu.dma_semaphore, #tpu.memory_space<semaphore_mem>>)
    %dma_wait3A_72 = arith.constant 0 : i32
    %dma_wait3A_73 = tpu.memref_slice %arg4[%add3A_67, %dma_wait3A_72] : memref<28672x512xf32, #tpu.memory_space<hbm>> -> memref<32x512xf32, #tpu.memory_space<hbm>>
    %dma_wait3A_74 = arith.constant 0 : i32
    %dma_wait3A_75 = tpu.memref_slice %arg4[%add3A_67, %dma_wait3A_74] : memref<28672x512xf32, #tpu.memory_space<hbm>> -> memref<32x512xf32, #tpu.memory_space<hbm>>
    tpu.wait_dma2 semaphore(%arg16 : memref<!tpu.dma_semaphore, #tpu.memory_space<semaphore_mem>>) src(%arg8 : memref<32x512xf32, #tpu.memory_space<vmem>>) dst(%dma_wait3A_75 : memref<32x512xf32, #tpu.memory_space<hbm>>)
    %dma_start3A_76 = arith.constant 192 : i32
    %dma_start3A_77 = tpu.memref_slice %arg5[%dma_start3A_76] : memref<896xi32, #tpu.memory_space<vmem>> -> memref<32xi32, #tpu.memory_space<vmem>>
    %dma_start3A_78 = arith.constant 0 : i32
    %dma_start3A_79 = arith.constant 0 : i32
    %dma_start3A_80 = tpu.memref_slice %arg2[%dma_start3A_78, %dma_start3A_79] : memref<8192x512xf32, #tpu.memory_space<hbm>> -> memref<8192x512xf32, #tpu.memory_space<hbm>>
    tpu.enqueue_indirect_dma source(%dma_start3A_80 : memref<8192x512xf32, #tpu.memory_space<hbm>>) target(%arg8 : memref<32x512xf32, #tpu.memory_space<vmem>>) offsets(%dma_start3A_77 : memref<32xi32, #tpu.memory_space<vmem>>) semaphore(%arg12 : memref<!tpu.dma_semaphore, #tpu.memory_space<semaphore_mem>>)
    %dma_wait3A_81 = arith.constant 96 : i32
    %dma_wait3A_82 = tpu.memref_slice %arg5[%dma_wait3A_81] : memref<896xi32, #tpu.memory_space<vmem>> -> memref<32xi32, #tpu.memory_space<vmem>>
    %dma_wait3A_83 = arith.constant 0 : i32
    %dma_wait3A_84 = arith.constant 0 : i32
    %dma_wait3A_85 = tpu.memref_slice %arg2[%dma_wait3A_83, %dma_wait3A_84] : memref<8192x512xf32, #tpu.memory_space<hbm>> -> memref<8192x512xf32, #tpu.memory_space<hbm>>
    tpu.wait_indirect_dma semaphore(%arg13 : memref<!tpu.dma_semaphore, #tpu.memory_space<semaphore_mem>>) src(%dma_wait3A_85 : memref<8192x512xf32, #tpu.memory_space<hbm>>) dst(%arg9 : memref<32x512xf32, #tpu.memory_space<vmem>>)
    %add3A_86 = arith.constant 96 : i32
    %add3A_87 = arith.addi %mul3A_2, %add3A_86 : i32
    %dma_start3A_88 = arith.constant 0 : i32
    %dma_start3A_89 = tpu.memref_slice %arg4[%add3A_87, %dma_start3A_88] : memref<28672x512xf32, #tpu.memory_space<hbm>> -> memref<32x512xf32, #tpu.memory_space<hbm>>
    %dma_start3A_90 = arith.constant 0 : i32
    %dma_start3A_91 = tpu.memref_slice %arg4[%add3A_87, %dma_start3A_90] : memref<28672x512xf32, #tpu.memory_space<hbm>> -> memref<32x512xf32, #tpu.memory_space<hbm>>
    tpu.enqueue_dma source(%arg9 : memref<32x512xf32, #tpu.memory_space<vmem>>) target(%dma_start3A_91 : memref<32x512xf32, #tpu.memory_space<hbm>>) target_semaphore(%arg17 : memref<!tpu.dma_semaphore, #tpu.memory_space<semaphore_mem>>)
    %dma_wait3A_92 = arith.constant 0 : i32
    %dma_wait3A_93 = tpu.memref_slice %arg4[%add3A_87, %dma_wait3A_92] : memref<28672x512xf32, #tpu.memory_space<hbm>> -> memref<32x512xf32, #tpu.memory_space<hbm>>
    %dma_wait3A_94 = arith.constant 0 : i32
    %dma_wait3A_95 = tpu.memref_slice %arg4[%add3A_87, %dma_wait3A_94] : memref<28672x512xf32, #tpu.memory_space<hbm>> -> memref<32x512xf32, #tpu.memory_space<hbm>>
    tpu.wait_dma2 semaphore(%arg17 : memref<!tpu.dma_semaphore, #tpu.memory_space<semaphore_mem>>) src(%arg9 : memref<32x512xf32, #tpu.memory_space<vmem>>) dst(%dma_wait3A_95 : memref<32x512xf32, #tpu.memory_space<hbm>>)
    %dma_start3A_96 = arith.constant 224 : i32
    %dma_start3A_97 = tpu.memref_slice %arg5[%dma_start3A_96] : memref<896xi32, #tpu.memory_space<vmem>> -> memref<32xi32, #tpu.memory_space<vmem>>
    %dma_start3A_98 = arith.constant 0 : i32
    %dma_start3A_99 = arith.constant 0 : i32
    %dma_start3A_100 = tpu.memref_slice %arg2[%dma_start3A_98, %dma_start3A_99] : memref<8192x512xf32, #tpu.memory_space<hbm>> -> memref<8192x512xf32, #tpu.memory_space<hbm>>
    tpu.enqueue_indirect_dma source(%dma_start3A_100 : memref<8192x512xf32, #tpu.memory_space<hbm>>) target(%arg9 : memref<32x512xf32, #tpu.memory_space<vmem>>) offsets(%dma_start3A_97 : memref<32xi32, #tpu.memory_space<vmem>>) semaphore(%arg13 : memref<!tpu.dma_semaphore, #tpu.memory_space<semaphore_mem>>)
    %dma_wait3A_101 = arith.constant 128 : i32
    %dma_wait3A_102 = tpu.memref_slice %arg5[%dma_wait3A_101] : memref<896xi32, #tpu.memory_space<vmem>> -> memref<32xi32, #tpu.memory_space<vmem>>
    %dma_wait3A_103 = arith.constant 0 : i32
    %dma_wait3A_104 = arith.constant 0 : i32
    %dma_wait3A_105 = tpu.memref_slice %arg2[%dma_wait3A_103, %dma_wait3A_104] : memref<8192x512xf32, #tpu.memory_space<hbm>> -> memref<8192x512xf32, #tpu.memory_space<hbm>>
    tpu.wait_indirect_dma semaphore(%arg10 : memref<!tpu.dma_semaphore, #tpu.memory_space<semaphore_mem>>) src(%dma_wait3A_105 : memref<8192x512xf32, #tpu.memory_space<hbm>>) dst(%arg6 : memref<32x512xf32, #tpu.memory_space<vmem>>)
    %add3A_106 = arith.constant 128 : i32
    %add3A_107 = arith.addi %mul3A_2, %add3A_106 : i32
    %dma_start3A_108 = arith.constant 0 : i32
    %dma_start3A_109 = tpu.memref_slice %arg4[%add3A_107, %dma_start3A_108] : memref<28672x512xf32, #tpu.memory_space<hbm>> -> memref<32x512xf32, #tpu.memory_space<hbm>>
    %dma_start3A_110 = arith.constant 0 : i32
    %dma_start3A_111 = tpu.memref_slice %arg4[%add3A_107, %dma_start3A_110] : memref<28672x512xf32, #tpu.memory_space<hbm>> -> memref<32x512xf32, #tpu.memory_space<hbm>>
    tpu.enqueue_dma source(%arg6 : memref<32x512xf32, #tpu.memory_space<vmem>>) target(%dma_start3A_111 : memref<32x512xf32, #tpu.memory_space<hbm>>) target_semaphore(%arg14 : memref<!tpu.dma_semaphore, #tpu.memory_space<semaphore_mem>>)
    %dma_wait3A_112 = arith.constant 0 : i32
    %dma_wait3A_113 = tpu.memref_slice %arg4[%add3A_107, %dma_wait3A_112] : memref<28672x512xf32, #tpu.memory_space<hbm>> -> memref<32x512xf32, #tpu.memory_space<hbm>>
    %dma_wait3A_114 = arith.constant 0 : i32
    %dma_wait3A_115 = tpu.memref_slice %arg4[%add3A_107, %dma_wait3A_114] : memref<28672x512xf32, #tpu.memory_space<hbm>> -> memref<32x512xf32, #tpu.memory_space<hbm>>
    tpu.wait_dma2 semaphore(%arg14 : memref<!tpu.dma_semaphore, #tpu.memory_space<semaphore_mem>>) src(%arg6 : memref<32x512xf32, #tpu.memory_space<vmem>>) dst(%dma_wait3A_115 : memref<32x512xf32, #tpu.memory_space<hbm>>)
    %dma_start3A_116 = arith.constant 256 : i32
    %dma_start3A_117 = tpu.memref_slice %arg5[%dma_start3A_116] : memref<896xi32, #tpu.memory_space<vmem>> -> memref<32xi32, #tpu.memory_space<vmem>>
    %dma_start3A_118 = arith.constant 0 : i32
    %dma_start3A_119 = arith.constant 0 : i32
    %dma_start3A_120 = tpu.memref_slice %arg2[%dma_start3A_118, %dma_start3A_119] : memref<8192x512xf32, #tpu.memory_space<hbm>> -> memref<8192x512xf32, #tpu.memory_space<hbm>>
    tpu.enqueue_indirect_dma source(%dma_start3A_120 : memref<8192x512xf32, #tpu.memory_space<hbm>>) target(%arg6 : memref<32x512xf32, #tpu.memory_space<vmem>>) offsets(%dma_start3A_117 : memref<32xi32, #tpu.memory_space<vmem>>) semaphore(%arg10 : memref<!tpu.dma_semaphore, #tpu.memory_space<semaphore_mem>>)
    %dma_wait3A_121 = arith.constant 160 : i32
    %dma_wait3A_122 = tpu.memref_slice %arg5[%dma_wait3A_121] : memref<896xi32, #tpu.memory_space<vmem>> -> memref<32xi32, #tpu.memory_space<vmem>>
    %dma_wait3A_123 = arith.constant 0 : i32
    %dma_wait3A_124 = arith.constant 0 : i32
    %dma_wait3A_125 = tpu.memref_slice %arg2[%dma_wait3A_123, %dma_wait3A_124] : memref<8192x512xf32, #tpu.memory_space<hbm>> -> memref<8192x512xf32, #tpu.memory_space<hbm>>
    tpu.wait_indirect_dma semaphore(%arg11 : memref<!tpu.dma_semaphore, #tpu.memory_space<semaphore_mem>>) src(%dma_wait3A_125 : memref<8192x512xf32, #tpu.memory_space<hbm>>) dst(%arg7 : memref<32x512xf32, #tpu.memory_space<vmem>>)
    %add3A_126 = arith.constant 160 : i32
    %add3A_127 = arith.addi %mul3A_2, %add3A_126 : i32
    %dma_start3A_128 = arith.constant 0 : i32
    %dma_start3A_129 = tpu.memref_slice %arg4[%add3A_127, %dma_start3A_128] : memref<28672x512xf32, #tpu.memory_space<hbm>> -> memref<32x512xf32, #tpu.memory_space<hbm>>
    %dma_start3A_130 = arith.constant 0 : i32
    %dma_start3A_131 = tpu.memref_slice %arg4[%add3A_127, %dma_start3A_130] : memref<28672x512xf32, #tpu.memory_space<hbm>> -> memref<32x512xf32, #tpu.memory_space<hbm>>
    tpu.enqueue_dma source(%arg7 : memref<32x512xf32, #tpu.memory_space<vmem>>) target(%dma_start3A_131 : memref<32x512xf32, #tpu.memory_space<hbm>>) target_semaphore(%arg15 : memref<!tpu.dma_semaphore, #tpu.memory_space<semaphore_mem>>)
    %dma_wait3A_132 = arith.constant 0 : i32
    %dma_wait3A_133 = tpu.memref_slice %arg4[%add3A_127, %dma_wait3A_132] : memref<28672x512xf32, #tpu.memory_space<hbm>> -> memref<32x512xf32, #tpu.memory_space<hbm>>
    %dma_wait3A_134 = arith.constant 0 : i32
    %dma_wait3A_135 = tpu.memref_slice %arg4[%add3A_127, %dma_wait3A_134] : memref<28672x512xf32, #tpu.memory_space<hbm>> -> memref<32x512xf32, #tpu.memory_space<hbm>>
    tpu.wait_dma2 semaphore(%arg15 : memref<!tpu.dma_semaphore, #tpu.memory_space<semaphore_mem>>) src(%arg7 : memref<32x512xf32, #tpu.memory_space<vmem>>) dst(%dma_wait3A_135 : memref<32x512xf32, #tpu.memory_space<hbm>>)
    %dma_start3A_136 = arith.constant 288 : i32
    %dma_start3A_137 = tpu.memref_slice %arg5[%dma_start3A_136] : memref<896xi32, #tpu.memory_space<vmem>> -> memref<32xi32, #tpu.memory_space<vmem>>
    %dma_start3A_138 = arith.constant 0 : i32
    %dma_start3A_139 = arith.constant 0 : i32
    %dma_start3A_140 = tpu.memref_slice %arg2[%dma_start3A_138, %dma_start3A_139] : memref<8192x512xf32, #tpu.memory_space<hbm>> -> memref<8192x512xf32, #tpu.memory_space<hbm>>
    tpu.enqueue_indirect_dma source(%dma_start3A_140 : memref<8192x512xf32, #tpu.memory_space<hbm>>) target(%arg7 : memref<32x512xf32, #tpu.memory_space<vmem>>) offsets(%dma_start3A_137 : memref<32xi32, #tpu.memory_space<vmem>>) semaphore(%arg11 : memref<!tpu.dma_semaphore, #tpu.memory_space<semaphore_mem>>)
    %dma_wait3A_141 = arith.constant 192 : i32
    %dma_wait3A_142 = tpu.memref_slice %arg5[%dma_wait3A_141] : memref<896xi32, #tpu.memory_space<vmem>> -> memref<32xi32, #tpu.memory_space<vmem>>
    %dma_wait3A_143 = arith.constant 0 : i32
    %dma_wait3A_144 = arith.constant 0 : i32
    %dma_wait3A_145 = tpu.memref_slice %arg2[%dma_wait3A_143, %dma_wait3A_144] : memref<8192x512xf32, #tpu.memory_space<hbm>> -> memref<8192x512xf32, #tpu.memory_space<hbm>>
    tpu.wait_indirect_dma semaphore(%arg12 : memref<!tpu.dma_semaphore, #tpu.memory_space<semaphore_mem>>) src(%dma_wait3A_145 : memref<8192x512xf32, #tpu.memory_space<hbm>>) dst(%arg8 : memref<32x512xf32, #tpu.memory_space<vmem>>)
    %add3A_146 = arith.constant 192 : i32
    %add3A_147 = arith.addi %mul3A_2, %add3A_146 : i32
    %dma_start3A_148 = arith.constant 0 : i32
    %dma_start3A_149 = tpu.memref_slice %arg4[%add3A_147, %dma_start3A_148] : memref<28672x512xf32, #tpu.memory_space<hbm>> -> memref<32x512xf32, #tpu.memory_space<hbm>>
    %dma_start3A_150 = arith.constant 0 : i32
    %dma_start3A_151 = tpu.memref_slice %arg4[%add3A_147, %dma_start3A_150] : memref<28672x512xf32, #tpu.memory_space<hbm>> -> memref<32x512xf32, #tpu.memory_space<hbm>>
    tpu.enqueue_dma source(%arg8 : memref<32x512xf32, #tpu.memory_space<vmem>>) target(%dma_start3A_151 : memref<32x512xf32, #tpu.memory_space<hbm>>) target_semaphore(%arg16 : memref<!tpu.dma_semaphore, #tpu.memory_space<semaphore_mem>>)
    %dma_wait3A_152 = arith.constant 0 : i32
    %dma_wait3A_153 = tpu.memref_slice %arg4[%add3A_147, %dma_wait3A_152] : memref<28672x512xf32, #tpu.memory_space<hbm>> -> memref<32x512xf32, #tpu.memory_space<hbm>>
    %dma_wait3A_154 = arith.constant 0 : i32
    %dma_wait3A_155 = tpu.memref_slice %arg4[%add3A_147, %dma_wait3A_154] : memref<28672x512xf32, #tpu.memory_space<hbm>> -> memref<32x512xf32, #tpu.memory_space<hbm>>
    tpu.wait_dma2 semaphore(%arg16 : memref<!tpu.dma_semaphore, #tpu.memory_space<semaphore_mem>>) src(%arg8 : memref<32x512xf32, #tpu.memory_space<vmem>>) dst(%dma_wait3A_155 : memref<32x512xf32, #tpu.memory_space<hbm>>)
    %dma_start3A_156 = arith.constant 320 : i32
    %dma_start3A_157 = tpu.memref_slice %arg5[%dma_start3A_156] : memref<896xi32, #tpu.memory_space<vmem>> -> memref<32xi32, #tpu.memory_space<vmem>>
    %dma_start3A_158 = arith.constant 0 : i32
    %dma_start3A_159 = arith.constant 0 : i32
    %dma_start3A_160 = tpu.memref_slice %arg2[%dma_start3A_158, %dma_start3A_159] : memref<8192x512xf32, #tpu.memory_space<hbm>> -> memref<8192x512xf32, #tpu.memory_space<hbm>>
    tpu.enqueue_indirect_dma source(%dma_start3A_160 : memref<8192x512xf32, #tpu.memory_space<hbm>>) target(%arg8 : memref<32x512xf32, #tpu.memory_space<vmem>>) offsets(%dma_start3A_157 : memref<32xi32, #tpu.memory_space<vmem>>) semaphore(%arg12 : memref<!tpu.dma_semaphore, #tpu.memory_space<semaphore_mem>>)
    %dma_wait3A_161 = arith.constant 224 : i32
    %dma_wait3A_162 = tpu.memref_slice %arg5[%dma_wait3A_161] : memref<896xi32, #tpu.memory_space<vmem>> -> memref<32xi32, #tpu.memory_space<vmem>>
    %dma_wait3A_163 = arith.constant 0 : i32
    %dma_wait3A_164 = arith.constant 0 : i32
    %dma_wait3A_165 = tpu.memref_slice %arg2[%dma_wait3A_163, %dma_wait3A_164] : memref<8192x512xf32, #tpu.memory_space<hbm>> -> memref<8192x512xf32, #tpu.memory_space<hbm>>
    tpu.wait_indirect_dma semaphore(%arg13 : memref<!tpu.dma_semaphore, #tpu.memory_space<semaphore_mem>>) src(%dma_wait3A_165 : memref<8192x512xf32, #tpu.memory_space<hbm>>) dst(%arg9 : memref<32x512xf32, #tpu.memory_space<vmem>>)
    %add3A_166 = arith.constant 224 : i32
    %add3A_167 = arith.addi %mul3A_2, %add3A_166 : i32
    %dma_start3A_168 = arith.constant 0 : i32
    %dma_start3A_169 = tpu.memref_slice %arg4[%add3A_167, %dma_start3A_168] : memref<28672x512xf32, #tpu.memory_space<hbm>> -> memref<32x512xf32, #tpu.memory_space<hbm>>
    %dma_start3A_170 = arith.constant 0 : i32
    %dma_start3A_171 = tpu.memref_slice %arg4[%add3A_167, %dma_start3A_170] : memref<28672x512xf32, #tpu.memory_space<hbm>> -> memref<32x512xf32, #tpu.memory_space<hbm>>
    tpu.enqueue_dma source(%arg9 : memref<32x512xf32, #tpu.memory_space<vmem>>) target(%dma_start3A_171 : memref<32x512xf32, #tpu.memory_space<hbm>>) target_semaphore(%arg17 : memref<!tpu.dma_semaphore, #tpu.memory_space<semaphore_mem>>)
    %dma_wait3A_172 = arith.constant 0 : i32
    %dma_wait3A_173 = tpu.memref_slice %arg4[%add3A_167, %dma_wait3A_172] : memref<28672x512xf32, #tpu.memory_space<hbm>> -> memref<32x512xf32, #tpu.memory_space<hbm>>
    %dma_wait3A_174 = arith.constant 0 : i32
    %dma_wait3A_175 = tpu.memref_slice %arg4[%add3A_167, %dma_wait3A_174] : memref<28672x512xf32, #tpu.memory_space<hbm>> -> memref<32x512xf32, #tpu.memory_space<hbm>>
    tpu.wait_dma2 semaphore(%arg17 : memref<!tpu.dma_semaphore, #tpu.memory_space<semaphore_mem>>) src(%arg9 : memref<32x512xf32, #tpu.memory_space<vmem>>) dst(%dma_wait3A_175 : memref<32x512xf32, #tpu.memory_space<hbm>>)
    %dma_start3A_176 = arith.constant 352 : i32
    %dma_start3A_177 = tpu.memref_slice %arg5[%dma_start3A_176] : memref<896xi32, #tpu.memory_space<vmem>> -> memref<32xi32, #tpu.memory_space<vmem>>
    %dma_start3A_178 = arith.constant 0 : i32
    %dma_start3A_179 = arith.constant 0 : i32
    %dma_start3A_180 = tpu.memref_slice %arg2[%dma_start3A_178, %dma_start3A_179] : memref<8192x512xf32, #tpu.memory_space<hbm>> -> memref<8192x512xf32, #tpu.memory_space<hbm>>
    tpu.enqueue_indirect_dma source(%dma_start3A_180 : memref<8192x512xf32, #tpu.memory_space<hbm>>) target(%arg9 : memref<32x512xf32, #tpu.memory_space<vmem>>) offsets(%dma_start3A_177 : memref<32xi32, #tpu.memory_space<vmem>>) semaphore(%arg13 : memref<!tpu.dma_semaphore, #tpu.memory_space<semaphore_mem>>)
    %dma_wait3A_181 = arith.constant 256 : i32
    %dma_wait3A_182 = tpu.memref_slice %arg5[%dma_wait3A_181] : memref<896xi32, #tpu.memory_space<vmem>> -> memref<32xi32, #tpu.memory_space<vmem>>
    %dma_wait3A_183 = arith.constant 0 : i32
    %dma_wait3A_184 = arith.constant 0 : i32
    %dma_wait3A_185 = tpu.memref_slice %arg2[%dma_wait3A_183, %dma_wait3A_184] : memref<8192x512xf32, #tpu.memory_space<hbm>> -> memref<8192x512xf32, #tpu.memory_space<hbm>>
    tpu.wait_indirect_dma semaphore(%arg10 : memref<!tpu.dma_semaphore, #tpu.memory_space<semaphore_mem>>) src(%dma_wait3A_185 : memref<8192x512xf32, #tpu.memory_space<hbm>>) dst(%arg6 : memref<32x512xf32, #tpu.memory_space<vmem>>)
    %add3A_186 = arith.constant 256 : i32
    %add3A_187 = arith.addi %mul3A_2, %add3A_186 : i32
    %dma_start3A_188 = arith.constant 0 : i32
    %dma_start3A_189 = tpu.memref_slice %arg4[%add3A_187, %dma_start3A_188] : memref<28672x512xf32, #tpu.memory_space<hbm>> -> memref<32x512xf32, #tpu.memory_space<hbm>>
    %dma_start3A_190 = arith.constant 0 : i32
    %dma_start3A_191 = tpu.memref_slice %arg4[%add3A_187, %dma_start3A_190] : memref<28672x512xf32, #tpu.memory_space<hbm>> -> memref<32x512xf32, #tpu.memory_space<hbm>>
    tpu.enqueue_dma source(%arg6 : memref<32x512xf32, #tpu.memory_space<vmem>>) target(%dma_start3A_191 : memref<32x512xf32, #tpu.memory_space<hbm>>) target_semaphore(%arg14 : memref<!tpu.dma_semaphore, #tpu.memory_space<semaphore_mem>>)
    %dma_wait3A_192 = arith.constant 0 : i32
    %dma_wait3A_193 = tpu.memref_slice %arg4[%add3A_187, %dma_wait3A_192] : memref<28672x512xf32, #tpu.memory_space<hbm>> -> memref<32x512xf32, #tpu.memory_space<hbm>>
    %dma_wait3A_194 = arith.constant 0 : i32
    %dma_wait3A_195 = tpu.memref_slice %arg4[%add3A_187, %dma_wait3A_194] : memref<28672x512xf32, #tpu.memory_space<hbm>> -> memref<32x512xf32, #tpu.memory_space<hbm>>
    tpu.wait_dma2 semaphore(%arg14 : memref<!tpu.dma_semaphore, #tpu.memory_space<semaphore_mem>>) src(%arg6 : memref<32x512xf32, #tpu.memory_space<vmem>>) dst(%dma_wait3A_195 : memref<32x512xf32, #tpu.memory_space<hbm>>)
    %dma_start3A_196 = arith.constant 384 : i32
    %dma_start3A_197 = tpu.memref_slice %arg5[%dma_start3A_196] : memref<896xi32, #tpu.memory_space<vmem>> -> memref<32xi32, #tpu.memory_space<vmem>>
    %dma_start3A_198 = arith.constant 0 : i32
    %dma_start3A_199 = arith.constant 0 : i32
    %dma_start3A_200 = tpu.memref_slice %arg2[%dma_start3A_198, %dma_start3A_199] : memref<8192x512xf32, #tpu.memory_space<hbm>> -> memref<8192x512xf32, #tpu.memory_space<hbm>>
    tpu.enqueue_indirect_dma source(%dma_start3A_200 : memref<8192x512xf32, #tpu.memory_space<hbm>>) target(%arg6 : memref<32x512xf32, #tpu.memory_space<vmem>>) offsets(%dma_start3A_197 : memref<32xi32, #tpu.memory_space<vmem>>) semaphore(%arg10 : memref<!tpu.dma_semaphore, #tpu.memory_space<semaphore_mem>>)
    %dma_wait3A_201 = arith.constant 288 : i32
    %dma_wait3A_202 = tpu.memref_slice %arg5[%dma_wait3A_201] : memref<896xi32, #tpu.memory_space<vmem>> -> memref<32xi32, #tpu.memory_space<vmem>>
    %dma_wait3A_203 = arith.constant 0 : i32
    %dma_wait3A_204 = arith.constant 0 : i32
    %dma_wait3A_205 = tpu.memref_slice %arg2[%dma_wait3A_203, %dma_wait3A_204] : memref<8192x512xf32, #tpu.memory_space<hbm>> -> memref<8192x512xf32, #tpu.memory_space<hbm>>
    tpu.wait_indirect_dma semaphore(%arg11 : memref<!tpu.dma_semaphore, #tpu.memory_space<semaphore_mem>>) src(%dma_wait3A_205 : memref<8192x512xf32, #tpu.memory_space<hbm>>) dst(%arg7 : memref<32x512xf32, #tpu.memory_space<vmem>>)
    %add3A_206 = arith.constant 288 : i32
    %add3A_207 = arith.addi %mul3A_2, %add3A_206 : i32
    %dma_start3A_208 = arith.constant 0 : i32
    %dma_start3A_209 = tpu.memref_slice %arg4[%add3A_207, %dma_start3A_208] : memref<28672x512xf32, #tpu.memory_space<hbm>> -> memref<32x512xf32, #tpu.memory_space<hbm>>
    %dma_start3A_210 = arith.constant 0 : i32
    %dma_start3A_211 = tpu.memref_slice %arg4[%add3A_207, %dma_start3A_210] : memref<28672x512xf32, #tpu.memory_space<hbm>> -> memref<32x512xf32, #tpu.memory_space<hbm>>
    tpu.enqueue_dma source(%arg7 : memref<32x512xf32, #tpu.memory_space<vmem>>) target(%dma_start3A_211 : memref<32x512xf32, #tpu.memory_space<hbm>>) target_semaphore(%arg15 : memref<!tpu.dma_semaphore, #tpu.memory_space<semaphore_mem>>)
    %dma_wait3A_212 = arith.constant 0 : i32
    %dma_wait3A_213 = tpu.memref_slice %arg4[%add3A_207, %dma_wait3A_212] : memref<28672x512xf32, #tpu.memory_space<hbm>> -> memref<32x512xf32, #tpu.memory_space<hbm>>
    %dma_wait3A_214 = arith.constant 0 : i32
    %dma_wait3A_215 = tpu.memref_slice %arg4[%add3A_207, %dma_wait3A_214] : memref<28672x512xf32, #tpu.memory_space<hbm>> -> memref<32x512xf32, #tpu.memory_space<hbm>>
    tpu.wait_dma2 semaphore(%arg15 : memref<!tpu.dma_semaphore, #tpu.memory_space<semaphore_mem>>) src(%arg7 : memref<32x512xf32, #tpu.memory_space<vmem>>) dst(%dma_wait3A_215 : memref<32x512xf32, #tpu.memory_space<hbm>>)
    %dma_start3A_216 = arith.constant 416 : i32
    %dma_start3A_217 = tpu.memref_slice %arg5[%dma_start3A_216] : memref<896xi32, #tpu.memory_space<vmem>> -> memref<32xi32, #tpu.memory_space<vmem>>
    %dma_start3A_218 = arith.constant 0 : i32
    %dma_start3A_219 = arith.constant 0 : i32
    %dma_start3A_220 = tpu.memref_slice %arg2[%dma_start3A_218, %dma_start3A_219] : memref<8192x512xf32, #tpu.memory_space<hbm>> -> memref<8192x512xf32, #tpu.memory_space<hbm>>
    tpu.enqueue_indirect_dma source(%dma_start3A_220 : memref<8192x512xf32, #tpu.memory_space<hbm>>) target(%arg7 : memref<32x512xf32, #tpu.memory_space<vmem>>) offsets(%dma_start3A_217 : memref<32xi32, #tpu.memory_space<vmem>>) semaphore(%arg11 : memref<!tpu.dma_semaphore, #tpu.memory_space<semaphore_mem>>)
    %dma_wait3A_221 = arith.constant 320 : i32
    %dma_wait3A_222 = tpu.memref_slice %arg5[%dma_wait3A_221] : memref<896xi32, #tpu.memory_space<vmem>> -> memref<32xi32, #tpu.memory_space<vmem>>
    %dma_wait3A_223 = arith.constant 0 : i32
    %dma_wait3A_224 = arith.constant 0 : i32
    %dma_wait3A_225 = tpu.memref_slice %arg2[%dma_wait3A_223, %dma_wait3A_224] : memref<8192x512xf32, #tpu.memory_space<hbm>> -> memref<8192x512xf32, #tpu.memory_space<hbm>>
    tpu.wait_indirect_dma semaphore(%arg12 : memref<!tpu.dma_semaphore, #tpu.memory_space<semaphore_mem>>) src(%dma_wait3A_225 : memref<8192x512xf32, #tpu.memory_space<hbm>>) dst(%arg8 : memref<32x512xf32, #tpu.memory_space<vmem>>)
    %add3A_226 = arith.constant 320 : i32
    %add3A_227 = arith.addi %mul3A_2, %add3A_226 : i32
    %dma_start3A_228 = arith.constant 0 : i32
    %dma_start3A_229 = tpu.memref_slice %arg4[%add3A_227, %dma_start3A_228] : memref<28672x512xf32, #tpu.memory_space<hbm>> -> memref<32x512xf32, #tpu.memory_space<hbm>>
    %dma_start3A_230 = arith.constant 0 : i32
    %dma_start3A_231 = tpu.memref_slice %arg4[%add3A_227, %dma_start3A_230] : memref<28672x512xf32, #tpu.memory_space<hbm>> -> memref<32x512xf32, #tpu.memory_space<hbm>>
    tpu.enqueue_dma source(%arg8 : memref<32x512xf32, #tpu.memory_space<vmem>>) target(%dma_start3A_231 : memref<32x512xf32, #tpu.memory_space<hbm>>) target_semaphore(%arg16 : memref<!tpu.dma_semaphore, #tpu.memory_space<semaphore_mem>>)
    %dma_wait3A_232 = arith.constant 0 : i32
    %dma_wait3A_233 = tpu.memref_slice %arg4[%add3A_227, %dma_wait3A_232] : memref<28672x512xf32, #tpu.memory_space<hbm>> -> memref<32x512xf32, #tpu.memory_space<hbm>>
    %dma_wait3A_234 = arith.constant 0 : i32
    %dma_wait3A_235 = tpu.memref_slice %arg4[%add3A_227, %dma_wait3A_234] : memref<28672x512xf32, #tpu.memory_space<hbm>> -> memref<32x512xf32, #tpu.memory_space<hbm>>
    tpu.wait_dma2 semaphore(%arg16 : memref<!tpu.dma_semaphore, #tpu.memory_space<semaphore_mem>>) src(%arg8 : memref<32x512xf32, #tpu.memory_space<vmem>>) dst(%dma_wait3A_235 : memref<32x512xf32, #tpu.memory_space<hbm>>)
    %dma_start3A_236 = arith.constant 448 : i32
    %dma_start3A_237 = tpu.memref_slice %arg5[%dma_start3A_236] : memref<896xi32, #tpu.memory_space<vmem>> -> memref<32xi32, #tpu.memory_space<vmem>>
    %dma_start3A_238 = arith.constant 0 : i32
    %dma_start3A_239 = arith.constant 0 : i32
    %dma_start3A_240 = tpu.memref_slice %arg2[%dma_start3A_238, %dma_start3A_239] : memref<8192x512xf32, #tpu.memory_space<hbm>> -> memref<8192x512xf32, #tpu.memory_space<hbm>>
    tpu.enqueue_indirect_dma source(%dma_start3A_240 : memref<8192x512xf32, #tpu.memory_space<hbm>>) target(%arg8 : memref<32x512xf32, #tpu.memory_space<vmem>>) offsets(%dma_start3A_237 : memref<32xi32, #tpu.memory_space<vmem>>) semaphore(%arg12 : memref<!tpu.dma_semaphore, #tpu.memory_space<semaphore_mem>>)
    %dma_wait3A_241 = arith.constant 352 : i32
    %dma_wait3A_242 = tpu.memref_slice %arg5[%dma_wait3A_241] : memref<896xi32, #tpu.memory_space<vmem>> -> memref<32xi32, #tpu.memory_space<vmem>>
    %dma_wait3A_243 = arith.constant 0 : i32
    %dma_wait3A_244 = arith.constant 0 : i32
    %dma_wait3A_245 = tpu.memref_slice %arg2[%dma_wait3A_243, %dma_wait3A_244] : memref<8192x512xf32, #tpu.memory_space<hbm>> -> memref<8192x512xf32, #tpu.memory_space<hbm>>
    tpu.wait_indirect_dma semaphore(%arg13 : memref<!tpu.dma_semaphore, #tpu.memory_space<semaphore_mem>>) src(%dma_wait3A_245 : memref<8192x512xf32, #tpu.memory_space<hbm>>) dst(%arg9 : memref<32x512xf32, #tpu.memory_space<vmem>>)
    %add3A_246 = arith.constant 352 : i32
    %add3A_247 = arith.addi %mul3A_2, %add3A_246 : i32
    %dma_start3A_248 = arith.constant 0 : i32
    %dma_start3A_249 = tpu.memref_slice %arg4[%add3A_247, %dma_start3A_248] : memref<28672x512xf32, #tpu.memory_space<hbm>> -> memref<32x512xf32, #tpu.memory_space<hbm>>
    %dma_start3A_250 = arith.constant 0 : i32
    %dma_start3A_251 = tpu.memref_slice %arg4[%add3A_247, %dma_start3A_250] : memref<28672x512xf32, #tpu.memory_space<hbm>> -> memref<32x512xf32, #tpu.memory_space<hbm>>
    tpu.enqueue_dma source(%arg9 : memref<32x512xf32, #tpu.memory_space<vmem>>) target(%dma_start3A_251 : memref<32x512xf32, #tpu.memory_space<hbm>>) target_semaphore(%arg17 : memref<!tpu.dma_semaphore, #tpu.memory_space<semaphore_mem>>)
    %dma_wait3A_252 = arith.constant 0 : i32
    %dma_wait3A_253 = tpu.memref_slice %arg4[%add3A_247, %dma_wait3A_252] : memref<28672x512xf32, #tpu.memory_space<hbm>> -> memref<32x512xf32, #tpu.memory_space<hbm>>
    %dma_wait3A_254 = arith.constant 0 : i32
    %dma_wait3A_255 = tpu.memref_slice %arg4[%add3A_247, %dma_wait3A_254] : memref<28672x512xf32, #tpu.memory_space<hbm>> -> memref<32x512xf32, #tpu.memory_space<hbm>>
    tpu.wait_dma2 semaphore(%arg17 : memref<!tpu.dma_semaphore, #tpu.memory_space<semaphore_mem>>) src(%arg9 : memref<32x512xf32, #tpu.memory_space<vmem>>) dst(%dma_wait3A_255 : memref<32x512xf32, #tpu.memory_space<hbm>>)
    %dma_start3A_256 = arith.constant 480 : i32
    %dma_start3A_257 = tpu.memref_slice %arg5[%dma_start3A_256] : memref<896xi32, #tpu.memory_space<vmem>> -> memref<32xi32, #tpu.memory_space<vmem>>
    %dma_start3A_258 = arith.constant 0 : i32
    %dma_start3A_259 = arith.constant 0 : i32
    %dma_start3A_260 = tpu.memref_slice %arg2[%dma_start3A_258, %dma_start3A_259] : memref<8192x512xf32, #tpu.memory_space<hbm>> -> memref<8192x512xf32, #tpu.memory_space<hbm>>
    tpu.enqueue_indirect_dma source(%dma_start3A_260 : memref<8192x512xf32, #tpu.memory_space<hbm>>) target(%arg9 : memref<32x512xf32, #tpu.memory_space<vmem>>) offsets(%dma_start3A_257 : memref<32xi32, #tpu.memory_space<vmem>>) semaphore(%arg13 : memref<!tpu.dma_semaphore, #tpu.memory_space<semaphore_mem>>)
    %dma_wait3A_261 = arith.constant 384 : i32
    %dma_wait3A_262 = tpu.memref_slice %arg5[%dma_wait3A_261] : memref<896xi32, #tpu.memory_space<vmem>> -> memref<32xi32, #tpu.memory_space<vmem>>
    %dma_wait3A_263 = arith.constant 0 : i32
    %dma_wait3A_264 = arith.constant 0 : i32
    %dma_wait3A_265 = tpu.memref_slice %arg2[%dma_wait3A_263, %dma_wait3A_264] : memref<8192x512xf32, #tpu.memory_space<hbm>> -> memref<8192x512xf32, #tpu.memory_space<hbm>>
    tpu.wait_indirect_dma semaphore(%arg10 : memref<!tpu.dma_semaphore, #tpu.memory_space<semaphore_mem>>) src(%dma_wait3A_265 : memref<8192x512xf32, #tpu.memory_space<hbm>>) dst(%arg6 : memref<32x512xf32, #tpu.memory_space<vmem>>)
    %add3A_266 = arith.constant 384 : i32
    %add3A_267 = arith.addi %mul3A_2, %add3A_266 : i32
    %dma_start3A_268 = arith.constant 0 : i32
    %dma_start3A_269 = tpu.memref_slice %arg4[%add3A_267, %dma_start3A_268] : memref<28672x512xf32, #tpu.memory_space<hbm>> -> memref<32x512xf32, #tpu.memory_space<hbm>>
    %dma_start3A_270 = arith.constant 0 : i32
    %dma_start3A_271 = tpu.memref_slice %arg4[%add3A_267, %dma_start3A_270] : memref<28672x512xf32, #tpu.memory_space<hbm>> -> memref<32x512xf32, #tpu.memory_space<hbm>>
    tpu.enqueue_dma source(%arg6 : memref<32x512xf32, #tpu.memory_space<vmem>>) target(%dma_start3A_271 : memref<32x512xf32, #tpu.memory_space<hbm>>) target_semaphore(%arg14 : memref<!tpu.dma_semaphore, #tpu.memory_space<semaphore_mem>>)
    %dma_wait3A_272 = arith.constant 0 : i32
    %dma_wait3A_273 = tpu.memref_slice %arg4[%add3A_267, %dma_wait3A_272] : memref<28672x512xf32, #tpu.memory_space<hbm>> -> memref<32x512xf32, #tpu.memory_space<hbm>>
    %dma_wait3A_274 = arith.constant 0 : i32
    %dma_wait3A_275 = tpu.memref_slice %arg4[%add3A_267, %dma_wait3A_274] : memref<28672x512xf32, #tpu.memory_space<hbm>> -> memref<32x512xf32, #tpu.memory_space<hbm>>
    tpu.wait_dma2 semaphore(%arg14 : memref<!tpu.dma_semaphore, #tpu.memory_space<semaphore_mem>>) src(%arg6 : memref<32x512xf32, #tpu.memory_space<vmem>>) dst(%dma_wait3A_275 : memref<32x512xf32, #tpu.memory_space<hbm>>)
    %dma_start3A_276 = arith.constant 512 : i32
    %dma_start3A_277 = tpu.memref_slice %arg5[%dma_start3A_276] : memref<896xi32, #tpu.memory_space<vmem>> -> memref<32xi32, #tpu.memory_space<vmem>>
    %dma_start3A_278 = arith.constant 0 : i32
    %dma_start3A_279 = arith.constant 0 : i32
    %dma_start3A_280 = tpu.memref_slice %arg2[%dma_start3A_278, %dma_start3A_279] : memref<8192x512xf32, #tpu.memory_space<hbm>> -> memref<8192x512xf32, #tpu.memory_space<hbm>>
    tpu.enqueue_indirect_dma source(%dma_start3A_280 : memref<8192x512xf32, #tpu.memory_space<hbm>>) target(%arg6 : memref<32x512xf32, #tpu.memory_space<vmem>>) offsets(%dma_start3A_277 : memref<32xi32, #tpu.memory_space<vmem>>) semaphore(%arg10 : memref<!tpu.dma_semaphore, #tpu.memory_space<semaphore_mem>>)
    %dma_wait3A_281 = arith.constant 416 : i32
    %dma_wait3A_282 = tpu.memref_slice %arg5[%dma_wait3A_281] : memref<896xi32, #tpu.memory_space<vmem>> -> memref<32xi32, #tpu.memory_space<vmem>>
    %dma_wait3A_283 = arith.constant 0 : i32
    %dma_wait3A_284 = arith.constant 0 : i32
    %dma_wait3A_285 = tpu.memref_slice %arg2[%dma_wait3A_283, %dma_wait3A_284] : memref<8192x512xf32, #tpu.memory_space<hbm>> -> memref<8192x512xf32, #tpu.memory_space<hbm>>
    tpu.wait_indirect_dma semaphore(%arg11 : memref<!tpu.dma_semaphore, #tpu.memory_space<semaphore_mem>>) src(%dma_wait3A_285 : memref<8192x512xf32, #tpu.memory_space<hbm>>) dst(%arg7 : memref<32x512xf32, #tpu.memory_space<vmem>>)
    %add3A_286 = arith.constant 416 : i32
    %add3A_287 = arith.addi %mul3A_2, %add3A_286 : i32
    %dma_start3A_288 = arith.constant 0 : i32
    %dma_start3A_289 = tpu.memref_slice %arg4[%add3A_287, %dma_start3A_288] : memref<28672x512xf32, #tpu.memory_space<hbm>> -> memref<32x512xf32, #tpu.memory_space<hbm>>
    %dma_start3A_290 = arith.constant 0 : i32
    %dma_start3A_291 = tpu.memref_slice %arg4[%add3A_287, %dma_start3A_290] : memref<28672x512xf32, #tpu.memory_space<hbm>> -> memref<32x512xf32, #tpu.memory_space<hbm>>
    tpu.enqueue_dma source(%arg7 : memref<32x512xf32, #tpu.memory_space<vmem>>) target(%dma_start3A_291 : memref<32x512xf32, #tpu.memory_space<hbm>>) target_semaphore(%arg15 : memref<!tpu.dma_semaphore, #tpu.memory_space<semaphore_mem>>)
    %dma_wait3A_292 = arith.constant 0 : i32
    %dma_wait3A_293 = tpu.memref_slice %arg4[%add3A_287, %dma_wait3A_292] : memref<28672x512xf32, #tpu.memory_space<hbm>> -> memref<32x512xf32, #tpu.memory_space<hbm>>
    %dma_wait3A_294 = arith.constant 0 : i32
    %dma_wait3A_295 = tpu.memref_slice %arg4[%add3A_287, %dma_wait3A_294] : memref<28672x512xf32, #tpu.memory_space<hbm>> -> memref<32x512xf32, #tpu.memory_space<hbm>>
    tpu.wait_dma2 semaphore(%arg15 : memref<!tpu.dma_semaphore, #tpu.memory_space<semaphore_mem>>) src(%arg7 : memref<32x512xf32, #tpu.memory_space<vmem>>) dst(%dma_wait3A_295 : memref<32x512xf32, #tpu.memory_space<hbm>>)
    %dma_start3A_296 = arith.constant 544 : i32
    %dma_start3A_297 = tpu.memref_slice %arg5[%dma_start3A_296] : memref<896xi32, #tpu.memory_space<vmem>> -> memref<32xi32, #tpu.memory_space<vmem>>
    %dma_start3A_298 = arith.constant 0 : i32
    %dma_start3A_299 = arith.constant 0 : i32
    %dma_start3A_300 = tpu.memref_slice %arg2[%dma_start3A_298, %dma_start3A_299] : memref<8192x512xf32, #tpu.memory_space<hbm>> -> memref<8192x512xf32, #tpu.memory_space<hbm>>
    tpu.enqueue_indirect_dma source(%dma_start3A_300 : memref<8192x512xf32, #tpu.memory_space<hbm>>) target(%arg7 : memref<32x512xf32, #tpu.memory_space<vmem>>) offsets(%dma_start3A_297 : memref<32xi32, #tpu.memory_space<vmem>>) semaphore(%arg11 : memref<!tpu.dma_semaphore, #tpu.memory_space<semaphore_mem>>)
    %dma_wait3A_301 = arith.constant 448 : i32
    %dma_wait3A_302 = tpu.memref_slice %arg5[%dma_wait3A_301] : memref<896xi32, #tpu.memory_space<vmem>> -> memref<32xi32, #tpu.memory_space<vmem>>
    %dma_wait3A_303 = arith.constant 0 : i32
    %dma_wait3A_304 = arith.constant 0 : i32
    %dma_wait3A_305 = tpu.memref_slice %arg2[%dma_wait3A_303, %dma_wait3A_304] : memref<8192x512xf32, #tpu.memory_space<hbm>> -> memref<8192x512xf32, #tpu.memory_space<hbm>>
    tpu.wait_indirect_dma semaphore(%arg12 : memref<!tpu.dma_semaphore, #tpu.memory_space<semaphore_mem>>) src(%dma_wait3A_305 : memref<8192x512xf32, #tpu.memory_space<hbm>>) dst(%arg8 : memref<32x512xf32, #tpu.memory_space<vmem>>)
    %add3A_306 = arith.constant 448 : i32
    %add3A_307 = arith.addi %mul3A_2, %add3A_306 : i32
    %dma_start3A_308 = arith.constant 0 : i32
    %dma_start3A_309 = tpu.memref_slice %arg4[%add3A_307, %dma_start3A_308] : memref<28672x512xf32, #tpu.memory_space<hbm>> -> memref<32x512xf32, #tpu.memory_space<hbm>>
    %dma_start3A_310 = arith.constant 0 : i32
    %dma_start3A_311 = tpu.memref_slice %arg4[%add3A_307, %dma_start3A_310] : memref<28672x512xf32, #tpu.memory_space<hbm>> -> memref<32x512xf32, #tpu.memory_space<hbm>>
    tpu.enqueue_dma source(%arg8 : memref<32x512xf32, #tpu.memory_space<vmem>>) target(%dma_start3A_311 : memref<32x512xf32, #tpu.memory_space<hbm>>) target_semaphore(%arg16 : memref<!tpu.dma_semaphore, #tpu.memory_space<semaphore_mem>>)
    %dma_wait3A_312 = arith.constant 0 : i32
    %dma_wait3A_313 = tpu.memref_slice %arg4[%add3A_307, %dma_wait3A_312] : memref<28672x512xf32, #tpu.memory_space<hbm>> -> memref<32x512xf32, #tpu.memory_space<hbm>>
    %dma_wait3A_314 = arith.constant 0 : i32
    %dma_wait3A_315 = tpu.memref_slice %arg4[%add3A_307, %dma_wait3A_314] : memref<28672x512xf32, #tpu.memory_space<hbm>> -> memref<32x512xf32, #tpu.memory_space<hbm>>
    tpu.wait_dma2 semaphore(%arg16 : memref<!tpu.dma_semaphore, #tpu.memory_space<semaphore_mem>>) src(%arg8 : memref<32x512xf32, #tpu.memory_space<vmem>>) dst(%dma_wait3A_315 : memref<32x512xf32, #tpu.memory_space<hbm>>)
    %dma_start3A_316 = arith.constant 576 : i32
    %dma_start3A_317 = tpu.memref_slice %arg5[%dma_start3A_316] : memref<896xi32, #tpu.memory_space<vmem>> -> memref<32xi32, #tpu.memory_space<vmem>>
    %dma_start3A_318 = arith.constant 0 : i32
    %dma_start3A_319 = arith.constant 0 : i32
    %dma_start3A_320 = tpu.memref_slice %arg2[%dma_start3A_318, %dma_start3A_319] : memref<8192x512xf32, #tpu.memory_space<hbm>> -> memref<8192x512xf32, #tpu.memory_space<hbm>>
    tpu.enqueue_indirect_dma source(%dma_start3A_320 : memref<8192x512xf32, #tpu.memory_space<hbm>>) target(%arg8 : memref<32x512xf32, #tpu.memory_space<vmem>>) offsets(%dma_start3A_317 : memref<32xi32, #tpu.memory_space<vmem>>) semaphore(%arg12 : memref<!tpu.dma_semaphore, #tpu.memory_space<semaphore_mem>>)
    %dma_wait3A_321 = arith.constant 480 : i32
    %dma_wait3A_322 = tpu.memref_slice %arg5[%dma_wait3A_321] : memref<896xi32, #tpu.memory_space<vmem>> -> memref<32xi32, #tpu.memory_space<vmem>>
    %dma_wait3A_323 = arith.constant 0 : i32
    %dma_wait3A_324 = arith.constant 0 : i32
    %dma_wait3A_325 = tpu.memref_slice %arg2[%dma_wait3A_323, %dma_wait3A_324] : memref<8192x512xf32, #tpu.memory_space<hbm>> -> memref<8192x512xf32, #tpu.memory_space<hbm>>
    tpu.wait_indirect_dma semaphore(%arg13 : memref<!tpu.dma_semaphore, #tpu.memory_space<semaphore_mem>>) src(%dma_wait3A_325 : memref<8192x512xf32, #tpu.memory_space<hbm>>) dst(%arg9 : memref<32x512xf32, #tpu.memory_space<vmem>>)
    %add3A_326 = arith.constant 480 : i32
    %add3A_327 = arith.addi %mul3A_2, %add3A_326 : i32
    %dma_start3A_328 = arith.constant 0 : i32
    %dma_start3A_329 = tpu.memref_slice %arg4[%add3A_327, %dma_start3A_328] : memref<28672x512xf32, #tpu.memory_space<hbm>> -> memref<32x512xf32, #tpu.memory_space<hbm>>
    %dma_start3A_330 = arith.constant 0 : i32
    %dma_start3A_331 = tpu.memref_slice %arg4[%add3A_327, %dma_start3A_330] : memref<28672x512xf32, #tpu.memory_space<hbm>> -> memref<32x512xf32, #tpu.memory_space<hbm>>
    tpu.enqueue_dma source(%arg9 : memref<32x512xf32, #tpu.memory_space<vmem>>) target(%dma_start3A_331 : memref<32x512xf32, #tpu.memory_space<hbm>>) target_semaphore(%arg17 : memref<!tpu.dma_semaphore, #tpu.memory_space<semaphore_mem>>)
    %dma_wait3A_332 = arith.constant 0 : i32
    %dma_wait3A_333 = tpu.memref_slice %arg4[%add3A_327, %dma_wait3A_332] : memref<28672x512xf32, #tpu.memory_space<hbm>> -> memref<32x512xf32, #tpu.memory_space<hbm>>
    %dma_wait3A_334 = arith.constant 0 : i32
    %dma_wait3A_335 = tpu.memref_slice %arg4[%add3A_327, %dma_wait3A_334] : memref<28672x512xf32, #tpu.memory_space<hbm>> -> memref<32x512xf32, #tpu.memory_space<hbm>>
    tpu.wait_dma2 semaphore(%arg17 : memref<!tpu.dma_semaphore, #tpu.memory_space<semaphore_mem>>) src(%arg9 : memref<32x512xf32, #tpu.memory_space<vmem>>) dst(%dma_wait3A_335 : memref<32x512xf32, #tpu.memory_space<hbm>>)
    %dma_start3A_336 = arith.constant 608 : i32
    %dma_start3A_337 = tpu.memref_slice %arg5[%dma_start3A_336] : memref<896xi32, #tpu.memory_space<vmem>> -> memref<32xi32, #tpu.memory_space<vmem>>
    %dma_start3A_338 = arith.constant 0 : i32
    %dma_start3A_339 = arith.constant 0 : i32
    %dma_start3A_340 = tpu.memref_slice %arg2[%dma_start3A_338, %dma_start3A_339] : memref<8192x512xf32, #tpu.memory_space<hbm>> -> memref<8192x512xf32, #tpu.memory_space<hbm>>
    tpu.enqueue_indirect_dma source(%dma_start3A_340 : memref<8192x512xf32, #tpu.memory_space<hbm>>) target(%arg9 : memref<32x512xf32, #tpu.memory_space<vmem>>) offsets(%dma_start3A_337 : memref<32xi32, #tpu.memory_space<vmem>>) semaphore(%arg13 : memref<!tpu.dma_semaphore, #tpu.memory_space<semaphore_mem>>)
    %dma_wait3A_341 = arith.constant 512 : i32
    %dma_wait3A_342 = tpu.memref_slice %arg5[%dma_wait3A_341] : memref<896xi32, #tpu.memory_space<vmem>> -> memref<32xi32, #tpu.memory_space<vmem>>
    %dma_wait3A_343 = arith.constant 0 : i32
    %dma_wait3A_344 = arith.constant 0 : i32
    %dma_wait3A_345 = tpu.memref_slice %arg2[%dma_wait3A_343, %dma_wait3A_344] : memref<8192x512xf32, #tpu.memory_space<hbm>> -> memref<8192x512xf32, #tpu.memory_space<hbm>>
    tpu.wait_indirect_dma semaphore(%arg10 : memref<!tpu.dma_semaphore, #tpu.memory_space<semaphore_mem>>) src(%dma_wait3A_345 : memref<8192x512xf32, #tpu.memory_space<hbm>>) dst(%arg6 : memref<32x512xf32, #tpu.memory_space<vmem>>)
    %add3A_346 = arith.constant 512 : i32
    %add3A_347 = arith.addi %mul3A_2, %add3A_346 : i32
    %dma_start3A_348 = arith.constant 0 : i32
    %dma_start3A_349 = tpu.memref_slice %arg4[%add3A_347, %dma_start3A_348] : memref<28672x512xf32, #tpu.memory_space<hbm>> -> memref<32x512xf32, #tpu.memory_space<hbm>>
    %dma_start3A_350 = arith.constant 0 : i32
    %dma_start3A_351 = tpu.memref_slice %arg4[%add3A_347, %dma_start3A_350] : memref<28672x512xf32, #tpu.memory_space<hbm>> -> memref<32x512xf32, #tpu.memory_space<hbm>>
    tpu.enqueue_dma source(%arg6 : memref<32x512xf32, #tpu.memory_space<vmem>>) target(%dma_start3A_351 : memref<32x512xf32, #tpu.memory_space<hbm>>) target_semaphore(%arg14 : memref<!tpu.dma_semaphore, #tpu.memory_space<semaphore_mem>>)
    %dma_wait3A_352 = arith.constant 0 : i32
    %dma_wait3A_353 = tpu.memref_slice %arg4[%add3A_347, %dma_wait3A_352] : memref<28672x512xf32, #tpu.memory_space<hbm>> -> memref<32x512xf32, #tpu.memory_space<hbm>>
    %dma_wait3A_354 = arith.constant 0 : i32
    %dma_wait3A_355 = tpu.memref_slice %arg4[%add3A_347, %dma_wait3A_354] : memref<28672x512xf32, #tpu.memory_space<hbm>> -> memref<32x512xf32, #tpu.memory_space<hbm>>
    tpu.wait_dma2 semaphore(%arg14 : memref<!tpu.dma_semaphore, #tpu.memory_space<semaphore_mem>>) src(%arg6 : memref<32x512xf32, #tpu.memory_space<vmem>>) dst(%dma_wait3A_355 : memref<32x512xf32, #tpu.memory_space<hbm>>)
    %dma_start3A_356 = arith.constant 640 : i32
    %dma_start3A_357 = tpu.memref_slice %arg5[%dma_start3A_356] : memref<896xi32, #tpu.memory_space<vmem>> -> memref<32xi32, #tpu.memory_space<vmem>>
    %dma_start3A_358 = arith.constant 0 : i32
    %dma_start3A_359 = arith.constant 0 : i32
    %dma_start3A_360 = tpu.memref_slice %arg2[%dma_start3A_358, %dma_start3A_359] : memref<8192x512xf32, #tpu.memory_space<hbm>> -> memref<8192x512xf32, #tpu.memory_space<hbm>>
    tpu.enqueue_indirect_dma source(%dma_start3A_360 : memref<8192x512xf32, #tpu.memory_space<hbm>>) target(%arg6 : memref<32x512xf32, #tpu.memory_space<vmem>>) offsets(%dma_start3A_357 : memref<32xi32, #tpu.memory_space<vmem>>) semaphore(%arg10 : memref<!tpu.dma_semaphore, #tpu.memory_space<semaphore_mem>>)
    %dma_wait3A_361 = arith.constant 544 : i32
    %dma_wait3A_362 = tpu.memref_slice %arg5[%dma_wait3A_361] : memref<896xi32, #tpu.memory_space<vmem>> -> memref<32xi32, #tpu.memory_space<vmem>>
    %dma_wait3A_363 = arith.constant 0 : i32
    %dma_wait3A_364 = arith.constant 0 : i32
    %dma_wait3A_365 = tpu.memref_slice %arg2[%dma_wait3A_363, %dma_wait3A_364] : memref<8192x512xf32, #tpu.memory_space<hbm>> -> memref<8192x512xf32, #tpu.memory_space<hbm>>
    tpu.wait_indirect_dma semaphore(%arg11 : memref<!tpu.dma_semaphore, #tpu.memory_space<semaphore_mem>>) src(%dma_wait3A_365 : memref<8192x512xf32, #tpu.memory_space<hbm>>) dst(%arg7 : memref<32x512xf32, #tpu.memory_space<vmem>>)
    %add3A_366 = arith.constant 544 : i32
    %add3A_367 = arith.addi %mul3A_2, %add3A_366 : i32
    %dma_start3A_368 = arith.constant 0 : i32
    %dma_start3A_369 = tpu.memref_slice %arg4[%add3A_367, %dma_start3A_368] : memref<28672x512xf32, #tpu.memory_space<hbm>> -> memref<32x512xf32, #tpu.memory_space<hbm>>
    %dma_start3A_370 = arith.constant 0 : i32
    %dma_start3A_371 = tpu.memref_slice %arg4[%add3A_367, %dma_start3A_370] : memref<28672x512xf32, #tpu.memory_space<hbm>> -> memref<32x512xf32, #tpu.memory_space<hbm>>
    tpu.enqueue_dma source(%arg7 : memref<32x512xf32, #tpu.memory_space<vmem>>) target(%dma_start3A_371 : memref<32x512xf32, #tpu.memory_space<hbm>>) target_semaphore(%arg15 : memref<!tpu.dma_semaphore, #tpu.memory_space<semaphore_mem>>)
    %dma_wait3A_372 = arith.constant 0 : i32
    %dma_wait3A_373 = tpu.memref_slice %arg4[%add3A_367, %dma_wait3A_372] : memref<28672x512xf32, #tpu.memory_space<hbm>> -> memref<32x512xf32, #tpu.memory_space<hbm>>
    %dma_wait3A_374 = arith.constant 0 : i32
    %dma_wait3A_375 = tpu.memref_slice %arg4[%add3A_367, %dma_wait3A_374] : memref<28672x512xf32, #tpu.memory_space<hbm>> -> memref<32x512xf32, #tpu.memory_space<hbm>>
    tpu.wait_dma2 semaphore(%arg15 : memref<!tpu.dma_semaphore, #tpu.memory_space<semaphore_mem>>) src(%arg7 : memref<32x512xf32, #tpu.memory_space<vmem>>) dst(%dma_wait3A_375 : memref<32x512xf32, #tpu.memory_space<hbm>>)
    %dma_start3A_376 = arith.constant 672 : i32
    %dma_start3A_377 = tpu.memref_slice %arg5[%dma_start3A_376] : memref<896xi32, #tpu.memory_space<vmem>> -> memref<32xi32, #tpu.memory_space<vmem>>
    %dma_start3A_378 = arith.constant 0 : i32
    %dma_start3A_379 = arith.constant 0 : i32
    %dma_start3A_380 = tpu.memref_slice %arg2[%dma_start3A_378, %dma_start3A_379] : memref<8192x512xf32, #tpu.memory_space<hbm>> -> memref<8192x512xf32, #tpu.memory_space<hbm>>
    tpu.enqueue_indirect_dma source(%dma_start3A_380 : memref<8192x512xf32, #tpu.memory_space<hbm>>) target(%arg7 : memref<32x512xf32, #tpu.memory_space<vmem>>) offsets(%dma_start3A_377 : memref<32xi32, #tpu.memory_space<vmem>>) semaphore(%arg11 : memref<!tpu.dma_semaphore, #tpu.memory_space<semaphore_mem>>)
    %dma_wait3A_381 = arith.constant 576 : i32
    %dma_wait3A_382 = tpu.memref_slice %arg5[%dma_wait3A_381] : memref<896xi32, #tpu.memory_space<vmem>> -> memref<32xi32, #tpu.memory_space<vmem>>
    %dma_wait3A_383 = arith.constant 0 : i32
    %dma_wait3A_384 = arith.constant 0 : i32
    %dma_wait3A_385 = tpu.memref_slice %arg2[%dma_wait3A_383, %dma_wait3A_384] : memref<8192x512xf32, #tpu.memory_space<hbm>> -> memref<8192x512xf32, #tpu.memory_space<hbm>>
    tpu.wait_indirect_dma semaphore(%arg12 : memref<!tpu.dma_semaphore, #tpu.memory_space<semaphore_mem>>) src(%dma_wait3A_385 : memref<8192x512xf32, #tpu.memory_space<hbm>>) dst(%arg8 : memref<32x512xf32, #tpu.memory_space<vmem>>)
    %add3A_386 = arith.constant 576 : i32
    %add3A_387 = arith.addi %mul3A_2, %add3A_386 : i32
    %dma_start3A_388 = arith.constant 0 : i32
    %dma_start3A_389 = tpu.memref_slice %arg4[%add3A_387, %dma_start3A_388] : memref<28672x512xf32, #tpu.memory_space<hbm>> -> memref<32x512xf32, #tpu.memory_space<hbm>>
    %dma_start3A_390 = arith.constant 0 : i32
    %dma_start3A_391 = tpu.memref_slice %arg4[%add3A_387, %dma_start3A_390] : memref<28672x512xf32, #tpu.memory_space<hbm>> -> memref<32x512xf32, #tpu.memory_space<hbm>>
    tpu.enqueue_dma source(%arg8 : memref<32x512xf32, #tpu.memory_space<vmem>>) target(%dma_start3A_391 : memref<32x512xf32, #tpu.memory_space<hbm>>) target_semaphore(%arg16 : memref<!tpu.dma_semaphore, #tpu.memory_space<semaphore_mem>>)
    %dma_wait3A_392 = arith.constant 0 : i32
    %dma_wait3A_393 = tpu.memref_slice %arg4[%add3A_387, %dma_wait3A_392] : memref<28672x512xf32, #tpu.memory_space<hbm>> -> memref<32x512xf32, #tpu.memory_space<hbm>>
    %dma_wait3A_394 = arith.constant 0 : i32
    %dma_wait3A_395 = tpu.memref_slice %arg4[%add3A_387, %dma_wait3A_394] : memref<28672x512xf32, #tpu.memory_space<hbm>> -> memref<32x512xf32, #tpu.memory_space<hbm>>
    tpu.wait_dma2 semaphore(%arg16 : memref<!tpu.dma_semaphore, #tpu.memory_space<semaphore_mem>>) src(%arg8 : memref<32x512xf32, #tpu.memory_space<vmem>>) dst(%dma_wait3A_395 : memref<32x512xf32, #tpu.memory_space<hbm>>)
    %dma_start3A_396 = arith.constant 704 : i32
    %dma_start3A_397 = tpu.memref_slice %arg5[%dma_start3A_396] : memref<896xi32, #tpu.memory_space<vmem>> -> memref<32xi32, #tpu.memory_space<vmem>>
    %dma_start3A_398 = arith.constant 0 : i32
    %dma_start3A_399 = arith.constant 0 : i32
    %dma_start3A_400 = tpu.memref_slice %arg2[%dma_start3A_398, %dma_start3A_399] : memref<8192x512xf32, #tpu.memory_space<hbm>> -> memref<8192x512xf32, #tpu.memory_space<hbm>>
    tpu.enqueue_indirect_dma source(%dma_start3A_400 : memref<8192x512xf32, #tpu.memory_space<hbm>>) target(%arg8 : memref<32x512xf32, #tpu.memory_space<vmem>>) offsets(%dma_start3A_397 : memref<32xi32, #tpu.memory_space<vmem>>) semaphore(%arg12 : memref<!tpu.dma_semaphore, #tpu.memory_space<semaphore_mem>>)
    %dma_wait3A_401 = arith.constant 608 : i32
    %dma_wait3A_402 = tpu.memref_slice %arg5[%dma_wait3A_401] : memref<896xi32, #tpu.memory_space<vmem>> -> memref<32xi32, #tpu.memory_space<vmem>>
    %dma_wait3A_403 = arith.constant 0 : i32
    %dma_wait3A_404 = arith.constant 0 : i32
    %dma_wait3A_405 = tpu.memref_slice %arg2[%dma_wait3A_403, %dma_wait3A_404] : memref<8192x512xf32, #tpu.memory_space<hbm>> -> memref<8192x512xf32, #tpu.memory_space<hbm>>
    tpu.wait_indirect_dma semaphore(%arg13 : memref<!tpu.dma_semaphore, #tpu.memory_space<semaphore_mem>>) src(%dma_wait3A_405 : memref<8192x512xf32, #tpu.memory_space<hbm>>) dst(%arg9 : memref<32x512xf32, #tpu.memory_space<vmem>>)
    %add3A_406 = arith.constant 608 : i32
    %add3A_407 = arith.addi %mul3A_2, %add3A_406 : i32
    %dma_start3A_408 = arith.constant 0 : i32
    %dma_start3A_409 = tpu.memref_slice %arg4[%add3A_407, %dma_start3A_408] : memref<28672x512xf32, #tpu.memory_space<hbm>> -> memref<32x512xf32, #tpu.memory_space<hbm>>
    %dma_start3A_410 = arith.constant 0 : i32
    %dma_start3A_411 = tpu.memref_slice %arg4[%add3A_407, %dma_start3A_410] : memref<28672x512xf32, #tpu.memory_space<hbm>> -> memref<32x512xf32, #tpu.memory_space<hbm>>
    tpu.enqueue_dma source(%arg9 : memref<32x512xf32, #tpu.memory_space<vmem>>) target(%dma_start3A_411 : memref<32x512xf32, #tpu.memory_space<hbm>>) target_semaphore(%arg17 : memref<!tpu.dma_semaphore, #tpu.memory_space<semaphore_mem>>)
    %dma_wait3A_412 = arith.constant 0 : i32
    %dma_wait3A_413 = tpu.memref_slice %arg4[%add3A_407, %dma_wait3A_412] : memref<28672x512xf32, #tpu.memory_space<hbm>> -> memref<32x512xf32, #tpu.memory_space<hbm>>
    %dma_wait3A_414 = arith.constant 0 : i32
    %dma_wait3A_415 = tpu.memref_slice %arg4[%add3A_407, %dma_wait3A_414] : memref<28672x512xf32, #tpu.memory_space<hbm>> -> memref<32x512xf32, #tpu.memory_space<hbm>>
    tpu.wait_dma2 semaphore(%arg17 : memref<!tpu.dma_semaphore, #tpu.memory_space<semaphore_mem>>) src(%arg9 : memref<32x512xf32, #tpu.memory_space<vmem>>) dst(%dma_wait3A_415 : memref<32x512xf32, #tpu.memory_space<hbm>>)
    %dma_start3A_416 = arith.constant 736 : i32
    %dma_start3A_417 = tpu.memref_slice %arg5[%dma_start3A_416] : memref<896xi32, #tpu.memory_space<vmem>> -> memref<32xi32, #tpu.memory_space<vmem>>
    %dma_start3A_418 = arith.constant 0 : i32
    %dma_start3A_419 = arith.constant 0 : i32
    %dma_start3A_420 = tpu.memref_slice %arg2[%dma_start3A_418, %dma_start3A_419] : memref<8192x512xf32, #tpu.memory_space<hbm>> -> memref<8192x512xf32, #tpu.memory_space<hbm>>
    tpu.enqueue_indirect_dma source(%dma_start3A_420 : memref<8192x512xf32, #tpu.memory_space<hbm>>) target(%arg9 : memref<32x512xf32, #tpu.memory_space<vmem>>) offsets(%dma_start3A_417 : memref<32xi32, #tpu.memory_space<vmem>>) semaphore(%arg13 : memref<!tpu.dma_semaphore, #tpu.memory_space<semaphore_mem>>)
    %dma_wait3A_421 = arith.constant 640 : i32
    %dma_wait3A_422 = tpu.memref_slice %arg5[%dma_wait3A_421] : memref<896xi32, #tpu.memory_space<vmem>> -> memref<32xi32, #tpu.memory_space<vmem>>
    %dma_wait3A_423 = arith.constant 0 : i32
    %dma_wait3A_424 = arith.constant 0 : i32
    %dma_wait3A_425 = tpu.memref_slice %arg2[%dma_wait3A_423, %dma_wait3A_424] : memref<8192x512xf32, #tpu.memory_space<hbm>> -> memref<8192x512xf32, #tpu.memory_space<hbm>>
    tpu.wait_indirect_dma semaphore(%arg10 : memref<!tpu.dma_semaphore, #tpu.memory_space<semaphore_mem>>) src(%dma_wait3A_425 : memref<8192x512xf32, #tpu.memory_space<hbm>>) dst(%arg6 : memref<32x512xf32, #tpu.memory_space<vmem>>)
    %add3A_426 = arith.constant 640 : i32
    %add3A_427 = arith.addi %mul3A_2, %add3A_426 : i32
    %dma_start3A_428 = arith.constant 0 : i32
    %dma_start3A_429 = tpu.memref_slice %arg4[%add3A_427, %dma_start3A_428] : memref<28672x512xf32, #tpu.memory_space<hbm>> -> memref<32x512xf32, #tpu.memory_space<hbm>>
    %dma_start3A_430 = arith.constant 0 : i32
    %dma_start3A_431 = tpu.memref_slice %arg4[%add3A_427, %dma_start3A_430] : memref<28672x512xf32, #tpu.memory_space<hbm>> -> memref<32x512xf32, #tpu.memory_space<hbm>>
    tpu.enqueue_dma source(%arg6 : memref<32x512xf32, #tpu.memory_space<vmem>>) target(%dma_start3A_431 : memref<32x512xf32, #tpu.memory_space<hbm>>) target_semaphore(%arg14 : memref<!tpu.dma_semaphore, #tpu.memory_space<semaphore_mem>>)
    %dma_wait3A_432 = arith.constant 0 : i32
    %dma_wait3A_433 = tpu.memref_slice %arg4[%add3A_427, %dma_wait3A_432] : memref<28672x512xf32, #tpu.memory_space<hbm>> -> memref<32x512xf32, #tpu.memory_space<hbm>>
    %dma_wait3A_434 = arith.constant 0 : i32
    %dma_wait3A_435 = tpu.memref_slice %arg4[%add3A_427, %dma_wait3A_434] : memref<28672x512xf32, #tpu.memory_space<hbm>> -> memref<32x512xf32, #tpu.memory_space<hbm>>
    tpu.wait_dma2 semaphore(%arg14 : memref<!tpu.dma_semaphore, #tpu.memory_space<semaphore_mem>>) src(%arg6 : memref<32x512xf32, #tpu.memory_space<vmem>>) dst(%dma_wait3A_435 : memref<32x512xf32, #tpu.memory_space<hbm>>)
    %dma_start3A_436 = arith.constant 768 : i32
    %dma_start3A_437 = tpu.memref_slice %arg5[%dma_start3A_436] : memref<896xi32, #tpu.memory_space<vmem>> -> memref<32xi32, #tpu.memory_space<vmem>>
    %dma_start3A_438 = arith.constant 0 : i32
    %dma_start3A_439 = arith.constant 0 : i32
    %dma_start3A_440 = tpu.memref_slice %arg2[%dma_start3A_438, %dma_start3A_439] : memref<8192x512xf32, #tpu.memory_space<hbm>> -> memref<8192x512xf32, #tpu.memory_space<hbm>>
    tpu.enqueue_indirect_dma source(%dma_start3A_440 : memref<8192x512xf32, #tpu.memory_space<hbm>>) target(%arg6 : memref<32x512xf32, #tpu.memory_space<vmem>>) offsets(%dma_start3A_437 : memref<32xi32, #tpu.memory_space<vmem>>) semaphore(%arg10 : memref<!tpu.dma_semaphore, #tpu.memory_space<semaphore_mem>>)
    %dma_wait3A_441 = arith.constant 672 : i32
    %dma_wait3A_442 = tpu.memref_slice %arg5[%dma_wait3A_441] : memref<896xi32, #tpu.memory_space<vmem>> -> memref<32xi32, #tpu.memory_space<vmem>>
    %dma_wait3A_443 = arith.constant 0 : i32
    %dma_wait3A_444 = arith.constant 0 : i32
    %dma_wait3A_445 = tpu.memref_slice %arg2[%dma_wait3A_443, %dma_wait3A_444] : memref<8192x512xf32, #tpu.memory_space<hbm>> -> memref<8192x512xf32, #tpu.memory_space<hbm>>
    tpu.wait_indirect_dma semaphore(%arg11 : memref<!tpu.dma_semaphore, #tpu.memory_space<semaphore_mem>>) src(%dma_wait3A_445 : memref<8192x512xf32, #tpu.memory_space<hbm>>) dst(%arg7 : memref<32x512xf32, #tpu.memory_space<vmem>>)
    %add3A_446 = arith.constant 672 : i32
    %add3A_447 = arith.addi %mul3A_2, %add3A_446 : i32
    %dma_start3A_448 = arith.constant 0 : i32
    %dma_start3A_449 = tpu.memref_slice %arg4[%add3A_447, %dma_start3A_448] : memref<28672x512xf32, #tpu.memory_space<hbm>> -> memref<32x512xf32, #tpu.memory_space<hbm>>
    %dma_start3A_450 = arith.constant 0 : i32
    %dma_start3A_451 = tpu.memref_slice %arg4[%add3A_447, %dma_start3A_450] : memref<28672x512xf32, #tpu.memory_space<hbm>> -> memref<32x512xf32, #tpu.memory_space<hbm>>
    tpu.enqueue_dma source(%arg7 : memref<32x512xf32, #tpu.memory_space<vmem>>) target(%dma_start3A_451 : memref<32x512xf32, #tpu.memory_space<hbm>>) target_semaphore(%arg15 : memref<!tpu.dma_semaphore, #tpu.memory_space<semaphore_mem>>)
    %dma_wait3A_452 = arith.constant 0 : i32
    %dma_wait3A_453 = tpu.memref_slice %arg4[%add3A_447, %dma_wait3A_452] : memref<28672x512xf32, #tpu.memory_space<hbm>> -> memref<32x512xf32, #tpu.memory_space<hbm>>
    %dma_wait3A_454 = arith.constant 0 : i32
    %dma_wait3A_455 = tpu.memref_slice %arg4[%add3A_447, %dma_wait3A_454] : memref<28672x512xf32, #tpu.memory_space<hbm>> -> memref<32x512xf32, #tpu.memory_space<hbm>>
    tpu.wait_dma2 semaphore(%arg15 : memref<!tpu.dma_semaphore, #tpu.memory_space<semaphore_mem>>) src(%arg7 : memref<32x512xf32, #tpu.memory_space<vmem>>) dst(%dma_wait3A_455 : memref<32x512xf32, #tpu.memory_space<hbm>>)
    %dma_start3A_456 = arith.constant 800 : i32
    %dma_start3A_457 = tpu.memref_slice %arg5[%dma_start3A_456] : memref<896xi32, #tpu.memory_space<vmem>> -> memref<32xi32, #tpu.memory_space<vmem>>
    %dma_start3A_458 = arith.constant 0 : i32
    %dma_start3A_459 = arith.constant 0 : i32
    %dma_start3A_460 = tpu.memref_slice %arg2[%dma_start3A_458, %dma_start3A_459] : memref<8192x512xf32, #tpu.memory_space<hbm>> -> memref<8192x512xf32, #tpu.memory_space<hbm>>
    tpu.enqueue_indirect_dma source(%dma_start3A_460 : memref<8192x512xf32, #tpu.memory_space<hbm>>) target(%arg7 : memref<32x512xf32, #tpu.memory_space<vmem>>) offsets(%dma_start3A_457 : memref<32xi32, #tpu.memory_space<vmem>>) semaphore(%arg11 : memref<!tpu.dma_semaphore, #tpu.memory_space<semaphore_mem>>)
    %dma_wait3A_461 = arith.constant 704 : i32
    %dma_wait3A_462 = tpu.memref_slice %arg5[%dma_wait3A_461] : memref<896xi32, #tpu.memory_space<vmem>> -> memref<32xi32, #tpu.memory_space<vmem>>
    %dma_wait3A_463 = arith.constant 0 : i32
    %dma_wait3A_464 = arith.constant 0 : i32
    %dma_wait3A_465 = tpu.memref_slice %arg2[%dma_wait3A_463, %dma_wait3A_464] : memref<8192x512xf32, #tpu.memory_space<hbm>> -> memref<8192x512xf32, #tpu.memory_space<hbm>>
    tpu.wait_indirect_dma semaphore(%arg12 : memref<!tpu.dma_semaphore, #tpu.memory_space<semaphore_mem>>) src(%dma_wait3A_465 : memref<8192x512xf32, #tpu.memory_space<hbm>>) dst(%arg8 : memref<32x512xf32, #tpu.memory_space<vmem>>)
    %add3A_466 = arith.constant 704 : i32
    %add3A_467 = arith.addi %mul3A_2, %add3A_466 : i32
    %dma_start3A_468 = arith.constant 0 : i32
    %dma_start3A_469 = tpu.memref_slice %arg4[%add3A_467, %dma_start3A_468] : memref<28672x512xf32, #tpu.memory_space<hbm>> -> memref<32x512xf32, #tpu.memory_space<hbm>>
    %dma_start3A_470 = arith.constant 0 : i32
    %dma_start3A_471 = tpu.memref_slice %arg4[%add3A_467, %dma_start3A_470] : memref<28672x512xf32, #tpu.memory_space<hbm>> -> memref<32x512xf32, #tpu.memory_space<hbm>>
    tpu.enqueue_dma source(%arg8 : memref<32x512xf32, #tpu.memory_space<vmem>>) target(%dma_start3A_471 : memref<32x512xf32, #tpu.memory_space<hbm>>) target_semaphore(%arg16 : memref<!tpu.dma_semaphore, #tpu.memory_space<semaphore_mem>>)
    %dma_wait3A_472 = arith.constant 0 : i32
    %dma_wait3A_473 = tpu.memref_slice %arg4[%add3A_467, %dma_wait3A_472] : memref<28672x512xf32, #tpu.memory_space<hbm>> -> memref<32x512xf32, #tpu.memory_space<hbm>>
    %dma_wait3A_474 = arith.constant 0 : i32
    %dma_wait3A_475 = tpu.memref_slice %arg4[%add3A_467, %dma_wait3A_474] : memref<28672x512xf32, #tpu.memory_space<hbm>> -> memref<32x512xf32, #tpu.memory_space<hbm>>
    tpu.wait_dma2 semaphore(%arg16 : memref<!tpu.dma_semaphore, #tpu.memory_space<semaphore_mem>>) src(%arg8 : memref<32x512xf32, #tpu.memory_space<vmem>>) dst(%dma_wait3A_475 : memref<32x512xf32, #tpu.memory_space<hbm>>)
    %dma_start3A_476 = arith.constant 832 : i32
    %dma_start3A_477 = tpu.memref_slice %arg5[%dma_start3A_476] : memref<896xi32, #tpu.memory_space<vmem>> -> memref<32xi32, #tpu.memory_space<vmem>>
    %dma_start3A_478 = arith.constant 0 : i32
    %dma_start3A_479 = arith.constant 0 : i32
    %dma_start3A_480 = tpu.memref_slice %arg2[%dma_start3A_478, %dma_start3A_479] : memref<8192x512xf32, #tpu.memory_space<hbm>> -> memref<8192x512xf32, #tpu.memory_space<hbm>>
    tpu.enqueue_indirect_dma source(%dma_start3A_480 : memref<8192x512xf32, #tpu.memory_space<hbm>>) target(%arg8 : memref<32x512xf32, #tpu.memory_space<vmem>>) offsets(%dma_start3A_477 : memref<32xi32, #tpu.memory_space<vmem>>) semaphore(%arg12 : memref<!tpu.dma_semaphore, #tpu.memory_space<semaphore_mem>>)
    %dma_wait3A_481 = arith.constant 736 : i32
    %dma_wait3A_482 = tpu.memref_slice %arg5[%dma_wait3A_481] : memref<896xi32, #tpu.memory_space<vmem>> -> memref<32xi32, #tpu.memory_space<vmem>>
    %dma_wait3A_483 = arith.constant 0 : i32
    %dma_wait3A_484 = arith.constant 0 : i32
    %dma_wait3A_485 = tpu.memref_slice %arg2[%dma_wait3A_483, %dma_wait3A_484] : memref<8192x512xf32, #tpu.memory_space<hbm>> -> memref<8192x512xf32, #tpu.memory_space<hbm>>
    tpu.wait_indirect_dma semaphore(%arg13 : memref<!tpu.dma_semaphore, #tpu.memory_space<semaphore_mem>>) src(%dma_wait3A_485 : memref<8192x512xf32, #tpu.memory_space<hbm>>) dst(%arg9 : memref<32x512xf32, #tpu.memory_space<vmem>>)
    %add3A_486 = arith.constant 736 : i32
    %add3A_487 = arith.addi %mul3A_2, %add3A_486 : i32
    %dma_start3A_488 = arith.constant 0 : i32
    %dma_start3A_489 = tpu.memref_slice %arg4[%add3A_487, %dma_start3A_488] : memref<28672x512xf32, #tpu.memory_space<hbm>> -> memref<32x512xf32, #tpu.memory_space<hbm>>
    %dma_start3A_490 = arith.constant 0 : i32
    %dma_start3A_491 = tpu.memref_slice %arg4[%add3A_487, %dma_start3A_490] : memref<28672x512xf32, #tpu.memory_space<hbm>> -> memref<32x512xf32, #tpu.memory_space<hbm>>
    tpu.enqueue_dma source(%arg9 : memref<32x512xf32, #tpu.memory_space<vmem>>) target(%dma_start3A_491 : memref<32x512xf32, #tpu.memory_space<hbm>>) target_semaphore(%arg17 : memref<!tpu.dma_semaphore, #tpu.memory_space<semaphore_mem>>)
    %dma_wait3A_492 = arith.constant 0 : i32
    %dma_wait3A_493 = tpu.memref_slice %arg4[%add3A_487, %dma_wait3A_492] : memref<28672x512xf32, #tpu.memory_space<hbm>> -> memref<32x512xf32, #tpu.memory_space<hbm>>
    %dma_wait3A_494 = arith.constant 0 : i32
    %dma_wait3A_495 = tpu.memref_slice %arg4[%add3A_487, %dma_wait3A_494] : memref<28672x512xf32, #tpu.memory_space<hbm>> -> memref<32x512xf32, #tpu.memory_space<hbm>>
    tpu.wait_dma2 semaphore(%arg17 : memref<!tpu.dma_semaphore, #tpu.memory_space<semaphore_mem>>) src(%arg9 : memref<32x512xf32, #tpu.memory_space<vmem>>) dst(%dma_wait3A_495 : memref<32x512xf32, #tpu.memory_space<hbm>>)
    %dma_start3A_496 = arith.constant 864 : i32
    %dma_start3A_497 = tpu.memref_slice %arg5[%dma_start3A_496] : memref<896xi32, #tpu.memory_space<vmem>> -> memref<32xi32, #tpu.memory_space<vmem>>
    %dma_start3A_498 = arith.constant 0 : i32
    %dma_start3A_499 = arith.constant 0 : i32
    %dma_start3A_500 = tpu.memref_slice %arg2[%dma_start3A_498, %dma_start3A_499] : memref<8192x512xf32, #tpu.memory_space<hbm>> -> memref<8192x512xf32, #tpu.memory_space<hbm>>
    tpu.enqueue_indirect_dma source(%dma_start3A_500 : memref<8192x512xf32, #tpu.memory_space<hbm>>) target(%arg9 : memref<32x512xf32, #tpu.memory_space<vmem>>) offsets(%dma_start3A_497 : memref<32xi32, #tpu.memory_space<vmem>>) semaphore(%arg13 : memref<!tpu.dma_semaphore, #tpu.memory_space<semaphore_mem>>)
    %dma_wait3A_501 = arith.constant 768 : i32
    %dma_wait3A_502 = tpu.memref_slice %arg5[%dma_wait3A_501] : memref<896xi32, #tpu.memory_space<vmem>> -> memref<32xi32, #tpu.memory_space<vmem>>
    %dma_wait3A_503 = arith.constant 0 : i32
    %dma_wait3A_504 = arith.constant 0 : i32
    %dma_wait3A_505 = tpu.memref_slice %arg2[%dma_wait3A_503, %dma_wait3A_504] : memref<8192x512xf32, #tpu.memory_space<hbm>> -> memref<8192x512xf32, #tpu.memory_space<hbm>>
    tpu.wait_indirect_dma semaphore(%arg10 : memref<!tpu.dma_semaphore, #tpu.memory_space<semaphore_mem>>) src(%dma_wait3A_505 : memref<8192x512xf32, #tpu.memory_space<hbm>>) dst(%arg6 : memref<32x512xf32, #tpu.memory_space<vmem>>)
    %add3A_506 = arith.constant 768 : i32
    %add3A_507 = arith.addi %mul3A_2, %add3A_506 : i32
    %dma_start3A_508 = arith.constant 0 : i32
    %dma_start3A_509 = tpu.memref_slice %arg4[%add3A_507, %dma_start3A_508] : memref<28672x512xf32, #tpu.memory_space<hbm>> -> memref<32x512xf32, #tpu.memory_space<hbm>>
    %dma_start3A_510 = arith.constant 0 : i32
    %dma_start3A_511 = tpu.memref_slice %arg4[%add3A_507, %dma_start3A_510] : memref<28672x512xf32, #tpu.memory_space<hbm>> -> memref<32x512xf32, #tpu.memory_space<hbm>>
    tpu.enqueue_dma source(%arg6 : memref<32x512xf32, #tpu.memory_space<vmem>>) target(%dma_start3A_511 : memref<32x512xf32, #tpu.memory_space<hbm>>) target_semaphore(%arg14 : memref<!tpu.dma_semaphore, #tpu.memory_space<semaphore_mem>>)
    %dma_wait3A_512 = arith.constant 800 : i32
    %dma_wait3A_513 = tpu.memref_slice %arg5[%dma_wait3A_512] : memref<896xi32, #tpu.memory_space<vmem>> -> memref<32xi32, #tpu.memory_space<vmem>>
    %dma_wait3A_514 = arith.constant 0 : i32
    %dma_wait3A_515 = arith.constant 0 : i32
    %dma_wait3A_516 = tpu.memref_slice %arg2[%dma_wait3A_514, %dma_wait3A_515] : memref<8192x512xf32, #tpu.memory_space<hbm>> -> memref<8192x512xf32, #tpu.memory_space<hbm>>
    tpu.wait_indirect_dma semaphore(%arg11 : memref<!tpu.dma_semaphore, #tpu.memory_space<semaphore_mem>>) src(%dma_wait3A_516 : memref<8192x512xf32, #tpu.memory_space<hbm>>) dst(%arg7 : memref<32x512xf32, #tpu.memory_space<vmem>>)
    %add3A_517 = arith.constant 800 : i32
    %add3A_518 = arith.addi %mul3A_2, %add3A_517 : i32
    %dma_start3A_519 = arith.constant 0 : i32
    %dma_start3A_520 = tpu.memref_slice %arg4[%add3A_518, %dma_start3A_519] : memref<28672x512xf32, #tpu.memory_space<hbm>> -> memref<32x512xf32, #tpu.memory_space<hbm>>
    %dma_start3A_521 = arith.constant 0 : i32
    %dma_start3A_522 = tpu.memref_slice %arg4[%add3A_518, %dma_start3A_521] : memref<28672x512xf32, #tpu.memory_space<hbm>> -> memref<32x512xf32, #tpu.memory_space<hbm>>
    tpu.enqueue_dma source(%arg7 : memref<32x512xf32, #tpu.memory_space<vmem>>) target(%dma_start3A_522 : memref<32x512xf32, #tpu.memory_space<hbm>>) target_semaphore(%arg15 : memref<!tpu.dma_semaphore, #tpu.memory_space<semaphore_mem>>)
    %dma_wait3A_523 = arith.constant 832 : i32
    %dma_wait3A_524 = tpu.memref_slice %arg5[%dma_wait3A_523] : memref<896xi32, #tpu.memory_space<vmem>> -> memref<32xi32, #tpu.memory_space<vmem>>
    %dma_wait3A_525 = arith.constant 0 : i32
    %dma_wait3A_526 = arith.constant 0 : i32
    %dma_wait3A_527 = tpu.memref_slice %arg2[%dma_wait3A_525, %dma_wait3A_526] : memref<8192x512xf32, #tpu.memory_space<hbm>> -> memref<8192x512xf32, #tpu.memory_space<hbm>>
    tpu.wait_indirect_dma semaphore(%arg12 : memref<!tpu.dma_semaphore, #tpu.memory_space<semaphore_mem>>) src(%dma_wait3A_527 : memref<8192x512xf32, #tpu.memory_space<hbm>>) dst(%arg8 : memref<32x512xf32, #tpu.memory_space<vmem>>)
    %add3A_528 = arith.constant 832 : i32
    %add3A_529 = arith.addi %mul3A_2, %add3A_528 : i32
    %dma_start3A_530 = arith.constant 0 : i32
    %dma_start3A_531 = tpu.memref_slice %arg4[%add3A_529, %dma_start3A_530] : memref<28672x512xf32, #tpu.memory_space<hbm>> -> memref<32x512xf32, #tpu.memory_space<hbm>>
    %dma_start3A_532 = arith.constant 0 : i32
    %dma_start3A_533 = tpu.memref_slice %arg4[%add3A_529, %dma_start3A_532] : memref<28672x512xf32, #tpu.memory_space<hbm>> -> memref<32x512xf32, #tpu.memory_space<hbm>>
    tpu.enqueue_dma source(%arg8 : memref<32x512xf32, #tpu.memory_space<vmem>>) target(%dma_start3A_533 : memref<32x512xf32, #tpu.memory_space<hbm>>) target_semaphore(%arg16 : memref<!tpu.dma_semaphore, #tpu.memory_space<semaphore_mem>>)
    %dma_wait3A_534 = arith.constant 864 : i32
    %dma_wait3A_535 = tpu.memref_slice %arg5[%dma_wait3A_534] : memref<896xi32, #tpu.memory_space<vmem>> -> memref<32xi32, #tpu.memory_space<vmem>>
    %dma_wait3A_536 = arith.constant 0 : i32
    %dma_wait3A_537 = arith.constant 0 : i32
    %dma_wait3A_538 = tpu.memref_slice %arg2[%dma_wait3A_536, %dma_wait3A_537] : memref<8192x512xf32, #tpu.memory_space<hbm>> -> memref<8192x512xf32, #tpu.memory_space<hbm>>
    tpu.wait_indirect_dma semaphore(%arg13 : memref<!tpu.dma_semaphore, #tpu.memory_space<semaphore_mem>>) src(%dma_wait3A_538 : memref<8192x512xf32, #tpu.memory_space<hbm>>) dst(%arg9 : memref<32x512xf32, #tpu.memory_space<vmem>>)
    %add3A_539 = arith.constant 864 : i32
    %add3A_540 = arith.addi %mul3A_2, %add3A_539 : i32
    %dma_start3A_541 = arith.constant 0 : i32
    %dma_start3A_542 = tpu.memref_slice %arg4[%add3A_540, %dma_start3A_541] : memref<28672x512xf32, #tpu.memory_space<hbm>> -> memref<32x512xf32, #tpu.memory_space<hbm>>
    %dma_start3A_543 = arith.constant 0 : i32
    %dma_start3A_544 = tpu.memref_slice %arg4[%add3A_540, %dma_start3A_543] : memref<28672x512xf32, #tpu.memory_space<hbm>> -> memref<32x512xf32, #tpu.memory_space<hbm>>
    tpu.enqueue_dma source(%arg9 : memref<32x512xf32, #tpu.memory_space<vmem>>) target(%dma_start3A_544 : memref<32x512xf32, #tpu.memory_space<hbm>>) target_semaphore(%arg17 : memref<!tpu.dma_semaphore, #tpu.memory_space<semaphore_mem>>)
    %dma_wait3A_545 = arith.constant 0 : i32
    %dma_wait3A_546 = tpu.memref_slice %arg4[%add3A_507, %dma_wait3A_545] : memref<28672x512xf32, #tpu.memory_space<hbm>> -> memref<32x512xf32, #tpu.memory_space<hbm>>
    %dma_wait3A_547 = arith.constant 0 : i32
    %dma_wait3A_548 = tpu.memref_slice %arg4[%add3A_507, %dma_wait3A_547] : memref<28672x512xf32, #tpu.memory_space<hbm>> -> memref<32x512xf32, #tpu.memory_space<hbm>>
    tpu.wait_dma2 semaphore(%arg14 : memref<!tpu.dma_semaphore, #tpu.memory_space<semaphore_mem>>) src(%arg6 : memref<32x512xf32, #tpu.memory_space<vmem>>) dst(%dma_wait3A_548 : memref<32x512xf32, #tpu.memory_space<hbm>>)
    %dma_wait3A_549 = arith.constant 0 : i32
    %dma_wait3A_550 = tpu.memref_slice %arg4[%add3A_518, %dma_wait3A_549] : memref<28672x512xf32, #tpu.memory_space<hbm>> -> memref<32x512xf32, #tpu.memory_space<hbm>>
    %dma_wait3A_551 = arith.constant 0 : i32
    %dma_wait3A_552 = tpu.memref_slice %arg4[%add3A_518, %dma_wait3A_551] : memref<28672x512xf32, #tpu.memory_space<hbm>> -> memref<32x512xf32, #tpu.memory_space<hbm>>
    tpu.wait_dma2 semaphore(%arg15 : memref<!tpu.dma_semaphore, #tpu.memory_space<semaphore_mem>>) src(%arg7 : memref<32x512xf32, #tpu.memory_space<vmem>>) dst(%dma_wait3A_552 : memref<32x512xf32, #tpu.memory_space<hbm>>)
    %dma_wait3A_553 = arith.constant 0 : i32
    %dma_wait3A_554 = tpu.memref_slice %arg4[%add3A_529, %dma_wait3A_553] : memref<28672x512xf32, #tpu.memory_space<hbm>> -> memref<32x512xf32, #tpu.memory_space<hbm>>
    %dma_wait3A_555 = arith.constant 0 : i32
    %dma_wait3A_556 = tpu.memref_slice %arg4[%add3A_529, %dma_wait3A_555] : memref<28672x512xf32, #tpu.memory_space<hbm>> -> memref<32x512xf32, #tpu.memory_space<hbm>>
    tpu.wait_dma2 semaphore(%arg16 : memref<!tpu.dma_semaphore, #tpu.memory_space<semaphore_mem>>) src(%arg8 : memref<32x512xf32, #tpu.memory_space<vmem>>) dst(%dma_wait3A_556 : memref<32x512xf32, #tpu.memory_space<hbm>>)
    %dma_wait3A_557 = arith.constant 0 : i32
    %dma_wait3A_558 = tpu.memref_slice %arg4[%add3A_540, %dma_wait3A_557] : memref<28672x512xf32, #tpu.memory_space<hbm>> -> memref<32x512xf32, #tpu.memory_space<hbm>>
    %dma_wait3A_559 = arith.constant 0 : i32
    %dma_wait3A_560 = tpu.memref_slice %arg4[%add3A_540, %dma_wait3A_559] : memref<28672x512xf32, #tpu.memory_space<hbm>> -> memref<32x512xf32, #tpu.memory_space<hbm>>
    tpu.wait_dma2 semaphore(%arg17 : memref<!tpu.dma_semaphore, #tpu.memory_space<semaphore_mem>>) src(%arg9 : memref<32x512xf32, #tpu.memory_space<vmem>>) dst(%dma_wait3A_560 : memref<32x512xf32, #tpu.memory_space<hbm>>)
    return
  }
}

#map = affine_map<(d0, d1) -> (0, 0)>
#map1 = affine_map<(d0, d1) -> (0)>
module attributes {stable_mosaic.version = 14 : i64} {
  func.func @sc_gather(%arg0: i32, %arg1: i32, %arg2: memref<28672x128xf32, #tpu.memory_space<hbm>>, %arg3: memref<24576xi32, #tpu.memory_space<hbm>>, %arg4: memref<24576x128xf32, #tpu.memory_space<hbm>>, %arg5: memref<768xi32, #tpu.memory_space<vmem>>, %arg6: memref<768x128xf32, #tpu.memory_space<vmem>>, %arg7: memref<!tpu.dma_semaphore, #tpu.memory_space<semaphore_mem>>, %arg8: memref<!tpu.dma_semaphore, #tpu.memory_space<semaphore_mem>>) attributes {dimension_semantics = [#tpu.dimension_semantics<core_parallel>, #tpu.dimension_semantics<subcore_parallel>], iteration_bounds = array<i64: 2, 16>, scalar_prefetch = 0 : i64, scratch_operands = 4 : i64, tpu.core_type = #tpu.core_type<sc_vector_subcore>, window_params = [{transform_indices = #map}, {transform_indices = #map1}, {transform_indices = #map}]} {
    %mul3A = arith.constant 2 : i32
    %mul3A_0 = arith.muli %arg1, %mul3A : i32
    %add3A = arith.addi %mul3A_0, %arg0 : i32
    %mul3A_1 = arith.constant 768 : i32
    %mul3A_2 = arith.muli %add3A, %mul3A_1 : i32
    "tpu.region"() ({
      %run_scoped3A = tpu.sem_alloc : memref<!tpu.dma_semaphore, #tpu.memory_space<semaphore_mem>>
      %dma_start3A_21 = tpu.memref_slice %arg3[%mul3A_2] : memref<24576xi32, #tpu.memory_space<hbm>> -> memref<768xi32, #tpu.memory_space<hbm>>
      %dma_start3A_22 = tpu.memref_slice %arg3[%mul3A_2] : memref<24576xi32, #tpu.memory_space<hbm>> -> memref<768xi32, #tpu.memory_space<hbm>>
      tpu.enqueue_dma source(%dma_start3A_22 : memref<768xi32, #tpu.memory_space<hbm>>) target(%arg5 : memref<768xi32, #tpu.memory_space<vmem>>) target_semaphore(%run_scoped3A : memref<!tpu.dma_semaphore, #tpu.memory_space<semaphore_mem>>)
      %dma_wait3A_23 = tpu.memref_slice %arg3[%mul3A_2] : memref<24576xi32, #tpu.memory_space<hbm>> -> memref<768xi32, #tpu.memory_space<hbm>>
      %dma_wait3A_24 = tpu.memref_slice %arg3[%mul3A_2] : memref<24576xi32, #tpu.memory_space<hbm>> -> memref<768xi32, #tpu.memory_space<hbm>>
      tpu.wait_dma2 semaphore(%run_scoped3A : memref<!tpu.dma_semaphore, #tpu.memory_space<semaphore_mem>>) src(%dma_wait3A_24 : memref<768xi32, #tpu.memory_space<hbm>>) dst(%arg5 : memref<768xi32, #tpu.memory_space<vmem>>)
      tpu.yield
    }) : () -> ()
    %dma_start3A = arith.constant 0 : i32
    %dma_start3A_3 = tpu.memref_slice %arg5[%dma_start3A] : memref<768xi32, #tpu.memory_space<vmem>> -> memref<768xi32, #tpu.memory_space<vmem>>
    %dma_start3A_4 = arith.constant 0 : i32
    %dma_start3A_5 = arith.constant 0 : i32
    %dma_start3A_6 = tpu.memref_slice %arg2[%dma_start3A_4, %dma_start3A_5] : memref<28672x128xf32, #tpu.memory_space<hbm>> -> memref<28672x128xf32, #tpu.memory_space<hbm>>
    tpu.enqueue_indirect_dma source(%dma_start3A_6 : memref<28672x128xf32, #tpu.memory_space<hbm>>) target(%arg6 : memref<768x128xf32, #tpu.memory_space<vmem>>) offsets(%dma_start3A_3 : memref<768xi32, #tpu.memory_space<vmem>>) semaphore(%arg7 : memref<!tpu.dma_semaphore, #tpu.memory_space<semaphore_mem>>)
    %dma_wait3A = arith.constant 0 : i32
    %dma_wait3A_7 = tpu.memref_slice %arg5[%dma_wait3A] : memref<768xi32, #tpu.memory_space<vmem>> -> memref<768xi32, #tpu.memory_space<vmem>>
    %dma_wait3A_8 = arith.constant 0 : i32
    %dma_wait3A_9 = arith.constant 0 : i32
    %dma_wait3A_10 = tpu.memref_slice %arg2[%dma_wait3A_8, %dma_wait3A_9] : memref<28672x128xf32, #tpu.memory_space<hbm>> -> memref<28672x128xf32, #tpu.memory_space<hbm>>
    tpu.wait_indirect_dma semaphore(%arg7 : memref<!tpu.dma_semaphore, #tpu.memory_space<semaphore_mem>>) src(%dma_wait3A_10 : memref<28672x128xf32, #tpu.memory_space<hbm>>) dst(%arg6 : memref<768x128xf32, #tpu.memory_space<vmem>>)
    %add3A_11 = arith.constant 0 : i32
    %add3A_12 = arith.addi %mul3A_2, %add3A_11 : i32
    %dma_start3A_13 = arith.constant 0 : i32
    %dma_start3A_14 = tpu.memref_slice %arg4[%add3A_12, %dma_start3A_13] : memref<24576x128xf32, #tpu.memory_space<hbm>> -> memref<768x128xf32, #tpu.memory_space<hbm>>
    %dma_start3A_15 = arith.constant 0 : i32
    %dma_start3A_16 = tpu.memref_slice %arg4[%add3A_12, %dma_start3A_15] : memref<24576x128xf32, #tpu.memory_space<hbm>> -> memref<768x128xf32, #tpu.memory_space<hbm>>
    tpu.enqueue_dma source(%arg6 : memref<768x128xf32, #tpu.memory_space<vmem>>) target(%dma_start3A_16 : memref<768x128xf32, #tpu.memory_space<hbm>>) target_semaphore(%arg8 : memref<!tpu.dma_semaphore, #tpu.memory_space<semaphore_mem>>)
    %dma_wait3A_17 = arith.constant 0 : i32
    %dma_wait3A_18 = tpu.memref_slice %arg4[%add3A_12, %dma_wait3A_17] : memref<24576x128xf32, #tpu.memory_space<hbm>> -> memref<768x128xf32, #tpu.memory_space<hbm>>
    %dma_wait3A_19 = arith.constant 0 : i32
    %dma_wait3A_20 = tpu.memref_slice %arg4[%add3A_12, %dma_wait3A_19] : memref<24576x128xf32, #tpu.memory_space<hbm>> -> memref<768x128xf32, #tpu.memory_space<hbm>>
    tpu.wait_dma2 semaphore(%arg8 : memref<!tpu.dma_semaphore, #tpu.memory_space<semaphore_mem>>) src(%arg6 : memref<768x128xf32, #tpu.memory_space<vmem>>) dst(%dma_wait3A_20 : memref<768x128xf32, #tpu.memory_space<hbm>>)
    return
  }
}

module attributes {stable_mosaic.version = 14 : i64} {
  func.func @_router_shared_body(%arg0: i32, %arg1: memref<512x1024xf32, #tpu.memory_space<vmem>>, %arg2: memref<1024x32xf32, #tpu.memory_space<vmem>>, %arg3: memref<1x32xf32, #tpu.memory_space<vmem>>, %arg4: memref<1024x256xf32, #tpu.memory_space<vmem>>, %arg5: memref<1x256xf32, #tpu.memory_space<vmem>>, %arg6: memref<256x64xf32, #tpu.memory_space<vmem>>, %arg7: memref<1x64xf32, #tpu.memory_space<vmem>>, %arg8: memref<512x4xi32, #tpu.memory_space<vmem>>, %arg9: memref<512x4xf32, #tpu.memory_space<vmem>>, %arg10: memref<512x64xf32, #tpu.memory_space<vmem>>, %arg11: memref<8x128xf32, #tpu.memory_space<vmem>>, %arg12: memref<512x512xf32, #tpu.memory_space<vmem>>) attributes {dimension_semantics = [#tpu.dimension_semantics<arbitrary>], iteration_bounds = array<i64: 16>, scalar_prefetch = 0 : i64, scratch_operands = 0 : i64, tpu.core_type = #tpu.core_type<tc>, window_params = [{transform_indices = @transform_0, window_bounds = array<i64: 512, 1024>}, {pipeline_mode = #tpu.pipeline_mode<synchronous>, transform_indices = @transform_1, window_bounds = array<i64: 1024, 32>}, {pipeline_mode = #tpu.pipeline_mode<synchronous>, transform_indices = @transform_2, window_bounds = array<i64: 1, 32>}, {pipeline_mode = #tpu.pipeline_mode<synchronous>, transform_indices = @transform_3, window_bounds = array<i64: 1024, 256>}, {pipeline_mode = #tpu.pipeline_mode<synchronous>, transform_indices = @transform_4, window_bounds = array<i64: 1, 256>}, {pipeline_mode = #tpu.pipeline_mode<synchronous>, transform_indices = @transform_5, window_bounds = array<i64: 256, 64>}, {pipeline_mode = #tpu.pipeline_mode<synchronous>, transform_indices = @transform_6, window_bounds = array<i64: 1, 64>}, {transform_indices = @transform_7, window_bounds = array<i64: 512, 4>}, {transform_indices = @transform_8, window_bounds = array<i64: 512, 4>}, {transform_indices = @transform_9, window_bounds = array<i64: 512, 64>}, {pipeline_mode = #tpu.pipeline_mode<synchronous>, transform_indices = @transform_10, window_bounds = array<i64: 8, 128>}, {transform_indices = @transform_11, window_bounds = array<i64: 512, 512>}]} {
    %get3A = arith.constant 0 : index
    %get3A_0 = arith.constant 0 : index
    %get3A_1 = vector.load %arg1[%get3A, %get3A_0] : memref<512x1024xf32, #tpu.memory_space<vmem>>, vector<512x1024xf32>
    %slice3A = vector.extract_strided_slice %get3A_1 {offsets = [0, 0], sizes = [512, 512], strides = [1, 1]} : vector<512x1024xf32> to vector<512x512xf32>
    %bitcast_convert_type3A = tpu.bitcast %slice3A : vector<512x512xf32> -> vector<512x512xi32>
    %add3A = arith.constant 32768 : i32
    %add3A_2 = vector.broadcast %add3A : i32 to vector<512x512xi32>
    %add3A_3 = arith.addi %bitcast_convert_type3A, %add3A_2 : vector<512x512xi32>
    %slice3A_4 = vector.extract_strided_slice %get3A_1 {offsets = [0, 512], sizes = [512, 512], strides = [1, 1]} : vector<512x1024xf32> to vector<512x512xf32>
    %bitcast_convert_type3A_5 = tpu.bitcast %slice3A_4 : vector<512x512xf32> -> vector<512x512xi32>
    %add3A_6 = arith.constant 32768 : i32
    %add3A_7 = vector.broadcast %add3A_6 : i32 to vector<512x512xi32>
    %add3A_8 = arith.addi %bitcast_convert_type3A_5, %add3A_7 : vector<512x512xi32>
    %and3A = arith.constant -65536 : i32
    %and3A_9 = vector.broadcast %and3A : i32 to vector<512x512xi32>
    %and3A_10 = arith.andi %add3A_3, %and3A_9 : vector<512x512xi32>
    %shift_right_logical3A = arith.constant 16 : i32
    %shift_right_logical3A_11 = vector.broadcast %shift_right_logical3A : i32 to vector<512x512xi32>
    %shift_right_logical3A_12 = arith.shrui %add3A_8, %shift_right_logical3A_11 : vector<512x512xi32>
    %or3A = arith.ori %and3A_10, %shift_right_logical3A_12 : vector<512x512xi32>
    %bitcast_convert_type3A_13 = tpu.bitcast %or3A : vector<512x512xi32> -> vector<512x512xf32>
    %swap3A = arith.constant 0 : index
    %swap3A_14 = arith.constant 0 : index
    %swap3A_15 = vector.load %arg12[%swap3A, %swap3A_14] : memref<512x512xf32, #tpu.memory_space<vmem>>, vector<512x512xf32>
    tpu.vector_store %arg12[%swap3A, %swap3A_14], %bitcast_convert_type3A_13 {strides = array<i32>} : memref<512x512xf32, #tpu.memory_space<vmem>>, vector<512x512xf32>,
    %get3A_16 = arith.constant 0 : index
    %get3A_17 = arith.constant 0 : index
    %get3A_18 = vector.load %arg2[%get3A_16, %get3A_17] : memref<1024x32xf32, #tpu.memory_space<vmem>>, vector<1024x32xf32>
    %dot_general3A = arith.constant dense<0.000000e+00> : vector<512x32xf32>
    %dot_general3A_19 = tpu.matmul %get3A_1, %get3A_18, %dot_general3A {dimension_numbers = #tpu.dot_dimension_numbers<[1], [0], [0], [1], [0, 0, 1, 1], [], []>, transpose_lhs_hint = false} : vector<512x1024xf32>, vector<1024x32xf32>, vector<512x32xf32> -> vector<512x32xf32>
    %get3A_20 = arith.constant 0 : index
    %get3A_21 = arith.constant 0 : index
    %get3A_22 = vector.load %arg3[%get3A_20, %get3A_21] : memref<1x32xf32, #tpu.memory_space<vmem>>, vector<1x32xf32>
    %add3A_23 = vector.broadcast %get3A_22 : vector<1x32xf32> to vector<512x32xf32>
    %add3A_24 = arith.addf %dot_general3A_19, %add3A_23 : vector<512x32xf32>
    %reduce_max3A = arith.constant dense<0xFF800000> : vector<512xf32>
    %reduce_max3A_25 = vector.multi_reduction <maximumf>, %add3A_24, %reduce_max3A [1] : vector<512x32xf32> to vector<512xf32>
    %broadcast_in_dim3A = vector.shape_cast %reduce_max3A_25 : vector<512xf32> to vector<512x1xf32>
    %sub3A = vector.broadcast %broadcast_in_dim3A : vector<512x1xf32> to vector<512x32xf32>
    %sub3A_26 = arith.subf %add3A_24, %sub3A : vector<512x32xf32>
    %exp3A = math.exp %sub3A_26 : vector<512x32xf32>
    %reduce_sum3A = arith.constant dense<0.000000e+00> : vector<512xf32>
    %reduce_sum3A_27 = vector.multi_reduction <add>, %exp3A, %reduce_sum3A [1] : vector<512x32xf32> to vector<512xf32>
    %broadcast_in_dim3A_28 = vector.shape_cast %reduce_sum3A_27 : vector<512xf32> to vector<512x1xf32>
    %div3A = vector.broadcast %broadcast_in_dim3A_28 : vector<512x1xf32> to vector<512x32xf32>
    %div3A_29 = arith.divf %exp3A, %div3A : vector<512x32xf32>
    %eq3A = arith.constant 0 : i32
    %eq3A_30 = arith.cmpi eq, %arg0, %eq3A : i32
    %convert_element_type3A = arith.extui %eq3A_30 : i1 to i32
    %cond3A = arith.constant 0 : i32
    %cond3A_31 = arith.cmpi ne, %convert_element_type3A, %cond3A : i32
    scf.if %cond3A_31 {
      %broadcast_in_dim3A_129 = arith.constant 0.000000e+00 : f32
      %broadcast_in_dim3A_130 = vector.broadcast %broadcast_in_dim3A_129 : f32 to vector<8x128xf32>
      %swap3A_131 = arith.constant 0 : index
      %swap3A_132 = arith.constant 0 : index
      %swap3A_133 = vector.load %arg11[%swap3A_131, %swap3A_132] : memref<8x128xf32, #tpu.memory_space<vmem>>, vector<8x128xf32>
      tpu.vector_store %arg11[%swap3A_131, %swap3A_132], %broadcast_in_dim3A_130 {strides = array<i32>} : memref<8x128xf32, #tpu.memory_space<vmem>>, vector<8x128xf32>,
    } else {
    }
    %get3A_32 = arith.constant 0 : index
    %get3A_33 = arith.constant 0 : index
    %get3A_34 = vector.load %arg11[%get3A_32, %get3A_33] : memref<8x128xf32, #tpu.memory_space<vmem>>, vector<1x32xf32>
    %reduce_sum3A_35 = arith.constant dense<0.000000e+00> : vector<32xf32>
    %reduce_sum3A_36 = vector.multi_reduction <add>, %div3A_29, %reduce_sum3A_35 [0] : vector<512x32xf32> to vector<32xf32>
    %broadcast_in_dim3A_37 = vector.shape_cast %reduce_sum3A_36 : vector<32xf32> to vector<1x32xf32>
    %add3A_38 = arith.addf %get3A_34, %broadcast_in_dim3A_37 : vector<1x32xf32>
    %swap3A_39 = arith.constant 0 : index
    %swap3A_40 = arith.constant 0 : index
    %swap3A_41 = vector.load %arg11[%swap3A_39, %swap3A_40] : memref<8x128xf32, #tpu.memory_space<vmem>>, vector<1x32xf32>
    tpu.vector_store %arg11[%swap3A_39, %swap3A_40], %add3A_38 {strides = array<i32>} : memref<8x128xf32, #tpu.memory_space<vmem>>, vector<1x32xf32>,
    %iota3A = tpu.iota {dimensions = array<i32: 1>} : vector<512x32xi32>
    %reduce_max3A_42 = arith.constant dense<0xFF800000> : vector<512xf32>
    %reduce_max3A_43 = vector.multi_reduction <maximumf>, %div3A_29, %reduce_max3A_42 [1] : vector<512x32xf32> to vector<512xf32>
    %broadcast_in_dim3A_44 = vector.shape_cast %reduce_max3A_43 : vector<512xf32> to vector<512x1xf32>
    %eq3A_45 = vector.broadcast %broadcast_in_dim3A_44 : vector<512x1xf32> to vector<512x32xf32>
    %eq3A_46 = arith.cmpf oeq, %div3A_29, %eq3A_45 : vector<512x32xf32>
    %jit3A = arith.constant 32 : i32
    %broadcast_in_dim3A_47 = vector.broadcast %jit3A : i32 to vector<512x32xi32>
    %select_n3A = arith.select %eq3A_46, %iota3A, %broadcast_in_dim3A_47 : vector<512x32xi1>, vector<512x32xi32>
    %reduce_min3A = arith.constant dense<2147483647> : vector<512xi32>
    %reduce_min3A_48 = vector.multi_reduction <minsi>, %select_n3A, %reduce_min3A [1] : vector<512x32xi32> to vector<512xi32>
    %broadcast_in_dim3A_49 = vector.shape_cast %reduce_min3A_48 : vector<512xi32> to vector<512x1xi32>
    %eq3A_50 = vector.broadcast %broadcast_in_dim3A_49 : vector<512x1xi32> to vector<512x32xi32>
    %eq3A_51 = arith.cmpi eq, %iota3A, %eq3A_50 : vector<512x32xi32>
    %jit3A_52 = arith.constant -1.000000e+00 : f32
    %broadcast_in_dim3A_53 = vector.broadcast %jit3A_52 : f32 to vector<512x32xf32>
    %select_n3A_54 = arith.select %eq3A_51, %broadcast_in_dim3A_53, %div3A_29 : vector<512x32xi1>, vector<512x32xf32>
    %reduce_max3A_55 = arith.constant dense<0xFF800000> : vector<512xf32>
    %reduce_max3A_56 = vector.multi_reduction <maximumf>, %select_n3A_54, %reduce_max3A_55 [1] : vector<512x32xf32> to vector<512xf32>
    %broadcast_in_dim3A_57 = vector.shape_cast %reduce_max3A_56 : vector<512xf32> to vector<512x1xf32>
    %eq3A_58 = vector.broadcast %broadcast_in_dim3A_57 : vector<512x1xf32> to vector<512x32xf32>
    %eq3A_59 = arith.cmpf oeq, %select_n3A_54, %eq3A_58 : vector<512x32xf32>
    %jit3A_60 = arith.constant 32 : i32
    %broadcast_in_dim3A_61 = vector.broadcast %jit3A_60 : i32 to vector<512x32xi32>
    %select_n3A_62 = arith.select %eq3A_59, %iota3A, %broadcast_in_dim3A_61 : vector<512x32xi1>, vector<512x32xi32>
    %reduce_min3A_63 = arith.constant dense<2147483647> : vector<512xi32>
    %reduce_min3A_64 = vector.multi_reduction <minsi>, %select_n3A_62, %reduce_min3A_63 [1] : vector<512x32xi32> to vector<512xi32>
    %broadcast_in_dim3A_65 = vector.shape_cast %reduce_min3A_64 : vector<512xi32> to vector<512x1xi32>
    %eq3A_66 = vector.broadcast %broadcast_in_dim3A_65 : vector<512x1xi32> to vector<512x32xi32>
    %eq3A_67 = arith.cmpi eq, %iota3A, %eq3A_66 : vector<512x32xi32>
    %jit3A_68 = arith.constant -1.000000e+00 : f32
    %broadcast_in_dim3A_69 = vector.broadcast %jit3A_68 : f32 to vector<512x32xf32>
    %select_n3A_70 = arith.select %eq3A_67, %broadcast_in_dim3A_69, %select_n3A_54 : vector<512x32xi1>, vector<512x32xf32>
    %reduce_max3A_71 = arith.constant dense<0xFF800000> : vector<512xf32>
    %reduce_max3A_72 = vector.multi_reduction <maximumf>, %select_n3A_70, %reduce_max3A_71 [1] : vector<512x32xf32> to vector<512xf32>
    %broadcast_in_dim3A_73 = vector.shape_cast %reduce_max3A_72 : vector<512xf32> to vector<512x1xf32>
    %eq3A_74 = vector.broadcast %broadcast_in_dim3A_73 : vector<512x1xf32> to vector<512x32xf32>
    %eq3A_75 = arith.cmpf oeq, %select_n3A_70, %eq3A_74 : vector<512x32xf32>
    %jit3A_76 = arith.constant 32 : i32
    %broadcast_in_dim3A_77 = vector.broadcast %jit3A_76 : i32 to vector<512x32xi32>
    %select_n3A_78 = arith.select %eq3A_75, %iota3A, %broadcast_in_dim3A_77 : vector<512x32xi1>, vector<512x32xi32>
    %reduce_min3A_79 = arith.constant dense<2147483647> : vector<512xi32>
    %reduce_min3A_80 = vector.multi_reduction <minsi>, %select_n3A_78, %reduce_min3A_79 [1] : vector<512x32xi32> to vector<512xi32>
    %broadcast_in_dim3A_81 = vector.shape_cast %reduce_min3A_80 : vector<512xi32> to vector<512x1xi32>
    %broadcast_in_dim3A_82 = arith.constant 0 : i32
    %broadcast_in_dim3A_83 = vector.broadcast %broadcast_in_dim3A_82 : i32 to vector<512x1xi32>
    %broadcast_in_dim3A_84 = arith.constant 0.000000e+00 : f32
    %broadcast_in_dim3A_85 = vector.broadcast %broadcast_in_dim3A_84 : f32 to vector<512x1xf32>
    %concatenate3A = tpu.concatenate %broadcast_in_dim3A_49, %broadcast_in_dim3A_65, %broadcast_in_dim3A_81, %broadcast_in_dim3A_83 in 1 : vector<512x1xi32>, vector<512x1xi32>, vector<512x1xi32>, vector<512x1xi32> -> vector<512x4xi32>
    %concatenate3A_86 = tpu.concatenate %broadcast_in_dim3A_44, %broadcast_in_dim3A_57, %broadcast_in_dim3A_73, %broadcast_in_dim3A_85 in 1 : vector<512x1xf32>, vector<512x1xf32>, vector<512x1xf32>, vector<512x1xf32> -> vector<512x4xf32>
    %add3A_87 = arith.addf %broadcast_in_dim3A_44, %broadcast_in_dim3A_57 : vector<512x1xf32>
    %add3A_88 = arith.addf %add3A_87, %broadcast_in_dim3A_73 : vector<512x1xf32>
    %swap3A_89 = arith.constant 0 : index
    %swap3A_90 = arith.constant 0 : index
    %swap3A_91 = vector.load %arg8[%swap3A_89, %swap3A_90] : memref<512x4xi32, #tpu.memory_space<vmem>>, vector<512x4xi32>
    tpu.vector_store %arg8[%swap3A_89, %swap3A_90], %concatenate3A {strides = array<i32>} : memref<512x4xi32, #tpu.memory_space<vmem>>, vector<512x4xi32>,
    %div3A_92 = vector.broadcast %add3A_88 : vector<512x1xf32> to vector<512x4xf32>
    %div3A_93 = arith.divf %concatenate3A_86, %div3A_92 : vector<512x4xf32>
    %swap3A_94 = arith.constant 0 : index
    %swap3A_95 = arith.constant 0 : index
    %swap3A_96 = vector.load %arg9[%swap3A_94, %swap3A_95] : memref<512x4xf32, #tpu.memory_space<vmem>>, vector<512x4xf32>
    tpu.vector_store %arg9[%swap3A_94, %swap3A_95], %div3A_93 {strides = array<i32>} : memref<512x4xf32, #tpu.memory_space<vmem>>, vector<512x4xf32>,
    %get3A_97 = arith.constant 0 : index
    %get3A_98 = arith.constant 0 : index
    %get3A_99 = vector.load %arg4[%get3A_97, %get3A_98] : memref<1024x256xf32, #tpu.memory_space<vmem>>, vector<1024x256xf32>
    %dot_general3A_100 = arith.constant dense<0.000000e+00> : vector<512x256xf32>
    %dot_general3A_101 = tpu.matmul %get3A_1, %get3A_99, %dot_general3A_100 {dimension_numbers = #tpu.dot_dimension_numbers<[1], [0], [0], [1], [0, 0, 1, 1], [], []>, transpose_lhs_hint = false} : vector<512x1024xf32>, vector<1024x256xf32>, vector<512x256xf32> -> vector<512x256xf32>
    %get3A_102 = arith.constant 0 : index
    %get3A_103 = arith.constant 0 : index
    %get3A_104 = vector.load %arg5[%get3A_102, %get3A_103] : memref<1x256xf32, #tpu.memory_space<vmem>>, vector<1x256xf32>
    %add3A_105 = vector.broadcast %get3A_104 : vector<1x256xf32> to vector<512x256xf32>
    %add3A_106 = arith.addf %dot_general3A_101, %add3A_105 : vector<512x256xf32>
    %mul3A = arith.constant 5.000000e-01 : f32
    %mul3A_107 = vector.broadcast %mul3A : f32 to vector<512x256xf32>
    %mul3A_108 = arith.mulf %mul3A_107, %add3A_106 : vector<512x256xf32>
    %mul3A_109 = arith.constant 0.707106769 : f32
    %mul3A_110 = vector.broadcast %mul3A_109 : f32 to vector<512x256xf32>
    %mul3A_111 = arith.mulf %add3A_106, %mul3A_110 : vector<512x256xf32>
    %erf3A = math.erf %mul3A_111 : vector<512x256xf32>
    %add3A_112 = arith.constant 1.000000e+00 : f32
    %add3A_113 = vector.broadcast %add3A_112 : f32 to vector<512x256xf32>
    %add3A_114 = arith.addf %add3A_113, %erf3A : vector<512x256xf32>
    %mul3A_115 = arith.mulf %mul3A_108, %add3A_114 : vector<512x256xf32>
    %get3A_116 = arith.constant 0 : index
    %get3A_117 = arith.constant 0 : index
    %get3A_118 = vector.load %arg6[%get3A_116, %get3A_117] : memref<256x64xf32, #tpu.memory_space<vmem>>, vector<256x64xf32>
    %dot_general3A_119 = arith.constant dense<0.000000e+00> : vector<512x64xf32>
    %dot_general3A_120 = tpu.matmul %mul3A_115, %get3A_118, %dot_general3A_119 {dimension_numbers = #tpu.dot_dimension_numbers<[1], [0], [0], [1], [0, 0, 1, 1], [], []>, transpose_lhs_hint = false} : vector<512x256xf32>, vector<256x64xf32>, vector<512x64xf32> -> vector<512x64xf32>
    %get3A_121 = arith.constant 0 : index
    %get3A_122 = arith.constant 0 : index
    %get3A_123 = vector.load %arg7[%get3A_121, %get3A_122] : memref<1x64xf32, #tpu.memory_space<vmem>>, vector<1x64xf32>
    %add3A_124 = vector.broadcast %get3A_123 : vector<1x64xf32> to vector<512x64xf32>
    %add3A_125 = arith.addf %dot_general3A_120, %add3A_124 : vector<512x64xf32>
    %swap3A_126 = arith.constant 0 : index
    %swap3A_127 = arith.constant 0 : index
    %swap3A_128 = vector.load %arg10[%swap3A_126, %swap3A_127] : memref<512x64xf32, #tpu.memory_space<vmem>>, vector<512x64xf32>
    tpu.vector_store %arg10[%swap3A_126, %swap3A_127], %add3A_125 {strides = array<i32>} : memref<512x64xf32, #tpu.memory_space<vmem>>, vector<512x64xf32>,
    return
  }
  func.func @transform_0(%arg0: i32) -> (i32, i32) {
    %c0_i32 = arith.constant 0 : i32
    %c0_i32_0 = arith.constant 0 : i32
    return %arg0, %c0_i32 : i32, i32
  }
  func.func @transform_1(%arg0: i32) -> (i32, i32) {
    %c0_i32 = arith.constant 0 : i32
    %c0_i32_0 = arith.constant 0 : i32
    %c0_i32_1 = arith.constant 0 : i32
    return %c0_i32, %c0_i32_0 : i32, i32
  }
  func.func @transform_2(%arg0: i32) -> (i32, i32) {
    %c0_i32 = arith.constant 0 : i32
    %c0_i32_0 = arith.constant 0 : i32
    %c0_i32_1 = arith.constant 0 : i32
    return %c0_i32, %c0_i32_0 : i32, i32
  }
  func.func @transform_3(%arg0: i32) -> (i32, i32) {
    %c0_i32 = arith.constant 0 : i32
    %c0_i32_0 = arith.constant 0 : i32
    %c0_i32_1 = arith.constant 0 : i32
    return %c0_i32, %c0_i32_0 : i32, i32
  }
  func.func @transform_4(%arg0: i32) -> (i32, i32) {
    %c0_i32 = arith.constant 0 : i32
    %c0_i32_0 = arith.constant 0 : i32
    %c0_i32_1 = arith.constant 0 : i32
    return %c0_i32, %c0_i32_0 : i32, i32
  }
  func.func @transform_5(%arg0: i32) -> (i32, i32) {
    %c0_i32 = arith.constant 0 : i32
    %c0_i32_0 = arith.constant 0 : i32
    %c0_i32_1 = arith.constant 0 : i32
    return %c0_i32, %c0_i32_0 : i32, i32
  }
  func.func @transform_6(%arg0: i32) -> (i32, i32) {
    %c0_i32 = arith.constant 0 : i32
    %c0_i32_0 = arith.constant 0 : i32
    %c0_i32_1 = arith.constant 0 : i32
    return %c0_i32, %c0_i32_0 : i32, i32
  }
  func.func @transform_7(%arg0: i32) -> (i32, i32) {
    %c0_i32 = arith.constant 0 : i32
    %c0_i32_0 = arith.constant 0 : i32
    return %arg0, %c0_i32 : i32, i32
  }
  func.func @transform_8(%arg0: i32) -> (i32, i32) {
    %c0_i32 = arith.constant 0 : i32
    %c0_i32_0 = arith.constant 0 : i32
    return %arg0, %c0_i32 : i32, i32
  }
  func.func @transform_9(%arg0: i32) -> (i32, i32) {
    %c0_i32 = arith.constant 0 : i32
    %c0_i32_0 = arith.constant 0 : i32
    return %arg0, %c0_i32 : i32, i32
  }
  func.func @transform_10(%arg0: i32) -> (i32, i32) {
    %c0_i32 = arith.constant 0 : i32
    %c0_i32_0 = arith.constant 0 : i32
    %c0_i32_1 = arith.constant 0 : i32
    return %c0_i32, %c0_i32_0 : i32, i32
  }
  func.func @transform_11(%arg0: i32) -> (i32, i32) {
    %c0_i32 = arith.constant 0 : i32
    %c0_i32_0 = arith.constant 0 : i32
    return %arg0, %c0_i32 : i32, i32
  }
}

module attributes {stable_mosaic.version = 14 : i64} {
  func.func @_expert_mlp_body(%arg0: i32, %arg1: memref<224xi32, #tpu.memory_space<smem>>, %arg2: memref<128x512xf32, #tpu.memory_space<vmem>>, %arg3: memref<1x1024x256xf32, #tpu.memory_space<vmem>>, %arg4: memref<1x1x256xf32, #tpu.memory_space<vmem>>, %arg5: memref<1x256x128xf32, #tpu.memory_space<vmem>>, %arg6: memref<1x1x128xf32, #tpu.memory_space<vmem>>, %arg7: memref<128x128xf32, #tpu.memory_space<vmem>>) attributes {dimension_semantics = [#tpu.dimension_semantics<arbitrary>], iteration_bounds = array<i64: 224>, scalar_prefetch = 1 : i64, scratch_operands = 0 : i64, tpu.core_type = #tpu.core_type<tc>, window_params = [{transform_indices = @transform_0, window_bounds = array<i64: 128, 512>}, {transform_indices = @transform_1, window_bounds = array<i64: 1, 1024, 256>}, {transform_indices = @transform_2, window_bounds = array<i64: 1, 1, 256>}, {transform_indices = @transform_3, window_bounds = array<i64: 1, 256, 128>}, {transform_indices = @transform_4, window_bounds = array<i64: 1, 1, 128>}, {transform_indices = @transform_5, window_bounds = array<i64: 128, 128>}]} {
    %get3A = arith.constant 0 : index
    %get3A_0 = arith.constant 0 : index
    %get3A_1 = vector.load %arg2[%get3A, %get3A_0] : memref<128x512xf32, #tpu.memory_space<vmem>>, vector<128x512xf32>
    %bitcast_convert_type3A = tpu.bitcast %get3A_1 : vector<128x512xf32> -> vector<128x512xi32>
    %and3A = arith.constant -65536 : i32
    %and3A_2 = vector.broadcast %and3A : i32 to vector<128x512xi32>
    %and3A_3 = arith.andi %bitcast_convert_type3A, %and3A_2 : vector<128x512xi32>
    %bitcast_convert_type3A_4 = tpu.bitcast %and3A_3 : vector<128x512xi32> -> vector<128x512xf32>
    %shift_left3A = arith.constant 16 : i32
    %shift_left3A_5 = vector.broadcast %shift_left3A : i32 to vector<128x512xi32>
    %shift_left3A_6 = arith.shli %bitcast_convert_type3A, %shift_left3A_5 : vector<128x512xi32>
    %bitcast_convert_type3A_7 = tpu.bitcast %shift_left3A_6 : vector<128x512xi32> -> vector<128x512xf32>
    %concatenate3A = tpu.concatenate %bitcast_convert_type3A_4, %bitcast_convert_type3A_7 in 1 : vector<128x512xf32>, vector<128x512xf32> -> vector<128x1024xf32>
    %get3A_8 = arith.constant 0 : index
    %get3A_9 = arith.constant 0 : index
    %get3A_10 = arith.constant 0 : index
    %get3A_11 = vector.load %arg3[%get3A_8, %get3A_9, %get3A_10] : memref<1x1024x256xf32, #tpu.memory_space<vmem>>, vector<1x1024x256xf32>
    %get3A_12 = vector.shape_cast %get3A_11 : vector<1x1024x256xf32> to vector<1024x256xf32>
    %dot_general3A = arith.constant dense<0.000000e+00> : vector<128x256xf32>
    %dot_general3A_13 = tpu.matmul %concatenate3A, %get3A_12, %dot_general3A {dimension_numbers = #tpu.dot_dimension_numbers<[1], [0], [0], [1], [0, 0, 1, 1], [], []>, transpose_lhs_hint = false} : vector<128x1024xf32>, vector<1024x256xf32>, vector<128x256xf32> -> vector<128x256xf32>
    %get3A_14 = arith.constant 0 : index
    %get3A_15 = arith.constant 0 : index
    %get3A_16 = arith.constant 0 : index
    %get3A_17 = vector.load %arg4[%get3A_14, %get3A_15, %get3A_16] : memref<1x1x256xf32, #tpu.memory_space<vmem>>, vector<1x1x256xf32>
    %get3A_18 = vector.shape_cast %get3A_17 : vector<1x1x256xf32> to vector<1x256xf32>
    %add3A = vector.broadcast %get3A_18 : vector<1x256xf32> to vector<128x256xf32>
    %add3A_19 = arith.addf %dot_general3A_13, %add3A : vector<128x256xf32>
    %mul3A = arith.constant 5.000000e-01 : f32
    %mul3A_20 = vector.broadcast %mul3A : f32 to vector<128x256xf32>
    %mul3A_21 = arith.mulf %mul3A_20, %add3A_19 : vector<128x256xf32>
    %mul3A_22 = arith.constant 0.707106769 : f32
    %mul3A_23 = vector.broadcast %mul3A_22 : f32 to vector<128x256xf32>
    %mul3A_24 = arith.mulf %add3A_19, %mul3A_23 : vector<128x256xf32>
    %erf3A = math.erf %mul3A_24 : vector<128x256xf32>
    %add3A_25 = arith.constant 1.000000e+00 : f32
    %add3A_26 = vector.broadcast %add3A_25 : f32 to vector<128x256xf32>
    %add3A_27 = arith.addf %add3A_26, %erf3A : vector<128x256xf32>
    %mul3A_28 = arith.mulf %mul3A_21, %add3A_27 : vector<128x256xf32>
    %get3A_29 = arith.constant 0 : index
    %get3A_30 = arith.constant 0 : index
    %get3A_31 = arith.constant 0 : index
    %get3A_32 = vector.load %arg5[%get3A_29, %get3A_30, %get3A_31] : memref<1x256x128xf32, #tpu.memory_space<vmem>>, vector<1x256x128xf32>
    %get3A_33 = vector.shape_cast %get3A_32 : vector<1x256x128xf32> to vector<256x128xf32>
    %dot_general3A_34 = arith.constant dense<0.000000e+00> : vector<128x128xf32>
    %dot_general3A_35 = tpu.matmul %mul3A_28, %get3A_33, %dot_general3A_34 {dimension_numbers = #tpu.dot_dimension_numbers<[1], [0], [0], [1], [0, 0, 1, 1], [], []>, transpose_lhs_hint = false} : vector<128x256xf32>, vector<256x128xf32>, vector<128x128xf32> -> vector<128x128xf32>
    %get3A_36 = arith.constant 0 : index
    %get3A_37 = arith.constant 0 : index
    %get3A_38 = arith.constant 0 : index
    %get3A_39 = vector.load %arg6[%get3A_36, %get3A_37, %get3A_38] : memref<1x1x128xf32, #tpu.memory_space<vmem>>, vector<1x1x128xf32>
    %get3A_40 = vector.shape_cast %get3A_39 : vector<1x1x128xf32> to vector<1x128xf32>
    %add3A_41 = vector.broadcast %get3A_40 : vector<1x128xf32> to vector<128x128xf32>
    %add3A_42 = arith.addf %dot_general3A_35, %add3A_41 : vector<128x128xf32>
    %swap3A = arith.constant 0 : index
    %swap3A_43 = arith.constant 0 : index
    %swap3A_44 = vector.load %arg7[%swap3A, %swap3A_43] : memref<128x128xf32, #tpu.memory_space<vmem>>, vector<128x128xf32>
    tpu.vector_store %arg7[%swap3A, %swap3A_43], %add3A_42 {strides = array<i32>} : memref<128x128xf32, #tpu.memory_space<vmem>>, vector<128x128xf32>,
    return
  }
  func.func @transform_0(%arg0: i32, %arg1: memref<224xi32, #tpu.memory_space<smem>>) -> (i32, i32) {
    %c0_i32 = arith.constant 0 : i32
    %c0_i32_0 = arith.constant 0 : i32
    return %arg0, %c0_i32 : i32, i32
  }
  func.func @transform_1(%arg0: i32, %arg1: memref<224xi32, #tpu.memory_space<smem>>) -> (i32, i32, i32) {
    %get3A = arith.index_cast %arg0 : i32 to index
    %get3A_0 = memref.load %arg1[%get3A] : memref<224xi32, #tpu.memory_space<smem>>
    %c0_i32 = arith.constant 0 : i32
    %c0_i32_1 = arith.constant 0 : i32
    %c0_i32_2 = arith.constant 0 : i32
    return %get3A_0, %c0_i32, %c0_i32_1 : i32, i32, i32
  }
  func.func @transform_2(%arg0: i32, %arg1: memref<224xi32, #tpu.memory_space<smem>>) -> (i32, i32, i32) {
    %get3A = arith.index_cast %arg0 : i32 to index
    %get3A_0 = memref.load %arg1[%get3A] : memref<224xi32, #tpu.memory_space<smem>>
    %c0_i32 = arith.constant 0 : i32
    %c0_i32_1 = arith.constant 0 : i32
    %c0_i32_2 = arith.constant 0 : i32
    return %get3A_0, %c0_i32, %c0_i32_1 : i32, i32, i32
  }
  func.func @transform_3(%arg0: i32, %arg1: memref<224xi32, #tpu.memory_space<smem>>) -> (i32, i32, i32) {
    %get3A = arith.index_cast %arg0 : i32 to index
    %get3A_0 = memref.load %arg1[%get3A] : memref<224xi32, #tpu.memory_space<smem>>
    %c0_i32 = arith.constant 0 : i32
    %c0_i32_1 = arith.constant 0 : i32
    %c0_i32_2 = arith.constant 0 : i32
    return %get3A_0, %c0_i32, %c0_i32_1 : i32, i32, i32
  }
  func.func @transform_4(%arg0: i32, %arg1: memref<224xi32, #tpu.memory_space<smem>>) -> (i32, i32, i32) {
    %get3A = arith.index_cast %arg0 : i32 to index
    %get3A_0 = memref.load %arg1[%get3A] : memref<224xi32, #tpu.memory_space<smem>>
    %c0_i32 = arith.constant 0 : i32
    %c0_i32_1 = arith.constant 0 : i32
    %c0_i32_2 = arith.constant 0 : i32
    return %get3A_0, %c0_i32, %c0_i32_1 : i32, i32, i32
  }
  func.func @transform_5(%arg0: i32, %arg1: memref<224xi32, #tpu.memory_space<smem>>) -> (i32, i32) {
    %c0_i32 = arith.constant 0 : i32
    %c0_i32_0 = arith.constant 0 : i32
    return %arg0, %c0_i32 : i32, i32
  }
}

module attributes {stable_mosaic.version = 14 : i64} {
  func.func @_heads_body(%arg0: i32, %arg1: i32, %arg2: memref<1024x64xf32, #tpu.memory_space<vmem>>, %arg3: memref<1024x3x128xf32, #tpu.memory_space<vmem>>, %arg4: memref<1024x4xf32, #tpu.memory_space<vmem>>, %arg5: memref<64x1024xf32, #tpu.memory_space<vmem>>, %arg6: memref<1x1024xf32, #tpu.memory_space<vmem>>, %arg7: memref<64x2xf32, #tpu.memory_space<vmem>>, %arg8: memref<1x2xf32, #tpu.memory_space<vmem>>, %arg9: memref<1024x1024xf32, #tpu.memory_space<vmem>>, %arg10: memref<1024x2xf32, #tpu.memory_space<vmem>>, %arg11: memref<1024x64xf32, #tpu.memory_space<vmem>>) attributes {dimension_semantics = [#tpu.dimension_semantics<arbitrary>, #tpu.dimension_semantics<arbitrary>], iteration_bounds = array<i64: 8, 12>, scalar_prefetch = 0 : i64, scratch_operands = 1 : i64, tpu.core_type = #tpu.core_type<tc>, window_params = [{transform_indices = @transform_0, window_bounds = array<i64: 1024, 64>}, {transform_indices = @transform_1, window_bounds = array<i64: 1024, 3, 128>}, {transform_indices = @transform_2, window_bounds = array<i64: 1024, 4>}, {transform_indices = @transform_3, window_bounds = array<i64: 64, 1024>}, {transform_indices = @transform_4, window_bounds = array<i64: 1, 1024>}, {pipeline_mode = #tpu.pipeline_mode<synchronous>, transform_indices = @transform_5, window_bounds = array<i64: 64, 2>}, {pipeline_mode = #tpu.pipeline_mode<synchronous>, transform_indices = @transform_6, window_bounds = array<i64: 1, 2>}, {transform_indices = @transform_7, window_bounds = array<i64: 1024, 1024>}, {transform_indices = @transform_8, window_bounds = array<i64: 1024, 2>}]} {
    %eq3A = arith.constant 0 : i32
    %eq3A_0 = arith.cmpi eq, %arg1, %eq3A : i32
    %convert_element_type3A = arith.extui %eq3A_0 : i1 to i32
    %cond3A = arith.constant 0 : i32
    %cond3A_1 = arith.cmpi ne, %convert_element_type3A, %cond3A : i32
    scf.if %cond3A_1 {
      %get3A_14 = arith.constant 0 : index
      %get3A_15 = arith.constant 0 : index
      %get3A_16 = arith.constant 0 : index
      %get3A_17 = vector.load %arg3[%get3A_14, %get3A_15, %get3A_16] : memref<1024x3x128xf32, #tpu.memory_space<vmem>>, vector<1024x3x128xf32>
      %get3A_18 = arith.constant 0 : index
      %get3A_19 = arith.constant 0 : index
      %get3A_20 = vector.load %arg4[%get3A_18, %get3A_19] : memref<1024x4xf32, #tpu.memory_space<vmem>>, vector<1024x4xf32>
      %slice3A = vector.extract_strided_slice %get3A_17 {offsets = [0, 0, 0], sizes = [1024, 1, 128], strides = [1, 1, 1]} : vector<1024x3x128xf32> to vector<1024x1x128xf32>
      %squeeze3A = vector.shape_cast %slice3A : vector<1024x1x128xf32> to vector<1024x128xf32>
      %slice3A_21 = vector.extract_strided_slice %get3A_20 {offsets = [0, 0], sizes = [1024, 1], strides = [1, 1]} : vector<1024x4xf32> to vector<1024x1xf32>
      %mul3A = vector.broadcast %slice3A_21 : vector<1024x1xf32> to vector<1024x128xf32>
      %mul3A_22 = arith.mulf %squeeze3A, %mul3A : vector<1024x128xf32>
      %slice3A_23 = vector.extract_strided_slice %get3A_17 {offsets = [0, 1, 0], sizes = [1024, 1, 128], strides = [1, 1, 1]} : vector<1024x3x128xf32> to vector<1024x1x128xf32>
      %squeeze3A_24 = vector.shape_cast %slice3A_23 : vector<1024x1x128xf32> to vector<1024x128xf32>
      %slice3A_25 = vector.extract_strided_slice %get3A_20 {offsets = [0, 1], sizes = [1024, 1], strides = [1, 1]} : vector<1024x4xf32> to vector<1024x1xf32>
      %mul3A_26 = vector.broadcast %slice3A_25 : vector<1024x1xf32> to vector<1024x128xf32>
      %mul3A_27 = arith.mulf %squeeze3A_24, %mul3A_26 : vector<1024x128xf32>
      %add3A_28 = arith.addf %mul3A_22, %mul3A_27 : vector<1024x128xf32>
      %slice3A_29 = vector.extract_strided_slice %get3A_17 {offsets = [0, 2, 0], sizes = [1024, 1, 128], strides = [1, 1, 1]} : vector<1024x3x128xf32> to vector<1024x1x128xf32>
      %squeeze3A_30 = vector.shape_cast %slice3A_29 : vector<1024x1x128xf32> to vector<1024x128xf32>
      %slice3A_31 = vector.extract_strided_slice %get3A_20 {offsets = [0, 2], sizes = [1024, 1], strides = [1, 1]} : vector<1024x4xf32> to vector<1024x1xf32>
      %mul3A_32 = vector.broadcast %slice3A_31 : vector<1024x1xf32> to vector<1024x128xf32>
      %mul3A_33 = arith.mulf %squeeze3A_30, %mul3A_32 : vector<1024x128xf32>
      %add3A_34 = arith.addf %add3A_28, %mul3A_33 : vector<1024x128xf32>
      %get3A_35 = arith.constant 0 : index
      %get3A_36 = arith.constant 0 : index
      %get3A_37 = vector.load %arg2[%get3A_35, %get3A_36] : memref<1024x64xf32, #tpu.memory_space<vmem>>, vector<1024x64xf32>
      %slice3A_38 = vector.extract_strided_slice %add3A_34 {offsets = [0, 0], sizes = [1024, 64], strides = [1, 1]} : vector<1024x128xf32> to vector<1024x64xf32>
      %add3A_39 = arith.addf %get3A_37, %slice3A_38 : vector<1024x64xf32>
      %swap3A_40 = arith.constant 0 : index
      %swap3A_41 = arith.constant 0 : index
      %swap3A_42 = vector.load %arg11[%swap3A_40, %swap3A_41] : memref<1024x64xf32, #tpu.memory_space<vmem>>, vector<1024x64xf32>
      tpu.vector_store %arg11[%swap3A_40, %swap3A_41], %add3A_39 {strides = array<i32>} : memref<1024x64xf32, #tpu.memory_space<vmem>>, vector<1024x64xf32>,
      %get3A_43 = arith.constant 0 : index
      %get3A_44 = arith.constant 0 : index
      %get3A_45 = vector.load %arg7[%get3A_43, %get3A_44] : memref<64x2xf32, #tpu.memory_space<vmem>>, vector<64x2xf32>
      %dot_general3A_46 = arith.constant dense<0.000000e+00> : vector<1024x2xf32>
      %dot_general3A_47 = tpu.matmul %add3A_39, %get3A_45, %dot_general3A_46 {dimension_numbers = #tpu.dot_dimension_numbers<[1], [0], [0], [1], [0, 0, 1, 1], [], []>, transpose_lhs_hint = false} : vector<1024x64xf32>, vector<64x2xf32>, vector<1024x2xf32> -> vector<1024x2xf32>
      %get3A_48 = arith.constant 0 : index
      %get3A_49 = arith.constant 0 : index
      %get3A_50 = vector.load %arg8[%get3A_48, %get3A_49] : memref<1x2xf32, #tpu.memory_space<vmem>>, vector<1x2xf32>
      %add3A_51 = vector.broadcast %get3A_50 : vector<1x2xf32> to vector<1024x2xf32>
      %add3A_52 = arith.addf %dot_general3A_47, %add3A_51 : vector<1024x2xf32>
      %swap3A_53 = arith.constant 0 : index
      %swap3A_54 = arith.constant 0 : index
      %swap3A_55 = vector.load %arg10[%swap3A_53, %swap3A_54] : memref<1024x2xf32, #tpu.memory_space<vmem>>, vector<1024x2xf32>
      tpu.vector_store %arg10[%swap3A_53, %swap3A_54], %add3A_52 {strides = array<i32>} : memref<1024x2xf32, #tpu.memory_space<vmem>>, vector<1024x2xf32>,
    } else {
    }
    %get3A = arith.constant 0 : index
    %get3A_2 = arith.constant 0 : index
    %get3A_3 = vector.load %arg11[%get3A, %get3A_2] : memref<1024x64xf32, #tpu.memory_space<vmem>>, vector<1024x64xf32>
    %get3A_4 = arith.constant 0 : index
    %get3A_5 = arith.constant 0 : index
    %get3A_6 = vector.load %arg5[%get3A_4, %get3A_5] : memref<64x1024xf32, #tpu.memory_space<vmem>>, vector<64x1024xf32>
    %dot_general3A = arith.constant dense<0.000000e+00> : vector<1024x1024xf32>
    %dot_general3A_7 = tpu.matmul %get3A_3, %get3A_6, %dot_general3A {dimension_numbers = #tpu.dot_dimension_numbers<[1], [0], [0], [1], [0, 0, 1, 1], [], []>, transpose_lhs_hint = false} : vector<1024x64xf32>, vector<64x1024xf32>, vector<1024x1024xf32> -> vector<1024x1024xf32>
    %get3A_8 = arith.constant 0 : index
    %get3A_9 = arith.constant 0 : index
    %get3A_10 = vector.load %arg6[%get3A_8, %get3A_9] : memref<1x1024xf32, #tpu.memory_space<vmem>>, vector<1x1024xf32>
    %add3A = vector.broadcast %get3A_10 : vector<1x1024xf32> to vector<1024x1024xf32>
    %add3A_11 = arith.addf %dot_general3A_7, %add3A : vector<1024x1024xf32>
    %swap3A = arith.constant 0 : index
    %swap3A_12 = arith.constant 0 : index
    %swap3A_13 = vector.load %arg9[%swap3A, %swap3A_12] : memref<1024x1024xf32, #tpu.memory_space<vmem>>, vector<1024x1024xf32>
    tpu.vector_store %arg9[%swap3A, %swap3A_12], %add3A_11 {strides = array<i32>} : memref<1024x1024xf32, #tpu.memory_space<vmem>>, vector<1024x1024xf32>,
    return
  }
  func.func @transform_0(%arg0: i32, %arg1: i32) -> (i32, i32) {
    %c0_i32 = arith.constant 0 : i32
    %c0_i32_0 = arith.constant 0 : i32
    return %arg0, %c0_i32 : i32, i32
  }
  func.func @transform_1(%arg0: i32, %arg1: i32) -> (i32, i32, i32) {
    %c0_i32 = arith.constant 0 : i32
    %c0_i32_0 = arith.constant 0 : i32
    %c0_i32_1 = arith.constant 0 : i32
    return %arg0, %c0_i32, %c0_i32_0 : i32, i32, i32
  }
  func.func @transform_2(%arg0: i32, %arg1: i32) -> (i32, i32) {
    %c0_i32 = arith.constant 0 : i32
    %c0_i32_0 = arith.constant 0 : i32
    return %arg0, %c0_i32 : i32, i32
  }
  func.func @transform_3(%arg0: i32, %arg1: i32) -> (i32, i32) {
    %c0_i32 = arith.constant 0 : i32
    %c0_i32_0 = arith.constant 0 : i32
    return %c0_i32, %arg1 : i32, i32
  }
  func.func @transform_4(%arg0: i32, %arg1: i32) -> (i32, i32) {
    %c0_i32 = arith.constant 0 : i32
    %c0_i32_0 = arith.constant 0 : i32
    return %c0_i32, %arg1 : i32, i32
  }
  func.func @transform_5(%arg0: i32, %arg1: i32) -> (i32, i32) {
    %c0_i32 = arith.constant 0 : i32
    %c0_i32_0 = arith.constant 0 : i32
    %c0_i32_1 = arith.constant 0 : i32
    return %c0_i32, %c0_i32_0 : i32, i32
  }
  func.func @transform_6(%arg0: i32, %arg1: i32) -> (i32, i32) {
    %c0_i32 = arith.constant 0 : i32
    %c0_i32_0 = arith.constant 0 : i32
    %c0_i32_1 = arith.constant 0 : i32
    return %c0_i32, %c0_i32_0 : i32, i32
  }
  func.func @transform_7(%arg0: i32, %arg1: i32) -> (i32, i32) {
    %c0_i32 = arith.constant 0 : i32
    return %arg0, %arg1 : i32, i32
  }
  func.func @transform_8(%arg0: i32, %arg1: i32) -> (i32, i32) {
    %c0_i32 = arith.constant 0 : i32
    %c0_i32_0 = arith.constant 0 : i32
    return %arg0, %c0_i32 : i32, i32
  }
}

</mosaic_0001>

<sc_bundles>
// kernel: gather_offload_async_start
scs
__scs_entry_jumppad:
0x0: {  	(pc) =	sbr.rel $0x88, $3  }
0x1: {  	(tag) =	ssettag $0x0;
	lr =	simm.s32 $0x1  }
0x2: {  	[smem:$0x3F92] =	sst lr;
	_ =	strace $0xD0000000  }
0x3: {  	_ = 	snop  }
0x4: {  	_ = 	snop  }
0x5: {  	_ = 	snop  }
0x6: {  	_ = 	snop  }
0x7: {  	_ = 	snop  }
__scs_overlays_trampoline_lowered:
0x8: {  	[smem:$0x3FA1] =	sst s0  }
0x9: {  	[smem:$0x3FA2] =	sst s1  }
0xa: {  	[smem:$0x3FA3] =	sst s2  }
0xb: {  	[smem:$0x3FA4] =	sst s3  }
0xc: {  	[smem:$0x3FA5] =	sst s4  }
0xd: {  	[smem:$0x3FA6] =	sst s5  }
0xe: {  	[smem:$0x3FA7] =	sst s6  }
0xf: {  	[smem:$0x3FA8] =	sst s7  }
0x10: {  	[smem:$0x3FA9] =	sst s8  }
0x11: {  	[smem:$0x3FAA] =	sst s9;
	s0 =	simm.s32 @!p0 $0x0  }
0x12: {  	s1 =	sld [smem:$0x3F90];
	s0 =	simm.s32 @p0 $0x1  }
0x13: {  	[smem:$0x3FAB] =	sst s0;
	s0 =	simm.s32 @!p1 $0x0  }
0x14: {  	s2 =	sld [smem:$0x3F8F];
	s0 =	simm.s32 @p1 $0x1  }
0x15: {  	[smem:$0x3FAC] =	sst s0;
	s0 =	simm.s32 @!p2 $0x0  }
0x16: {  	s3 =	sld [smem:$0x3FDB];
	s0 =	simm.s32 @p2 $0x1  }
0x17: {  	s4 =	simm.s32 $0x1BF5;
	[smem:$0x3FAE] =	sst s0  }
0x18: {  	s0 =	sld [smem:$0x3F91];
	_ =	swait.ge [sflag:s4], $0x0  }
0x19: {  	s7 =	sld [smem:$0x3F92]  }
0x1a: {  	s8 =	sadd.s32 $0xFFFFE003, lr  }
0x1b: {  	s9 =	sadd.s32 $0xFFFFFEF7, lr;
	s5 =	simm.s32 $0xFFFFFFFF;
	p2 =	slt.u32 s8, $0xFFFFF086  }
0x1c: {  	p1 =	slt.u32 s9, $0xF7A;
	s5 =	simm.s32 @!p2 $0x0  }
0x1d: {  	s5 =	simm.s32 @p1 $0x1;
	p0 =	seq.s32 s7, s2  }
0x1e: {  	s7 =	smul.u32 @!p0 $0xF7A, s2;
	p2 =	seq.s32 @!p0 s5, $0x0  }
0x1f: {  	s9 =	smul.u32 $0xF7A, s1;
	s8 =	simm.s32 @!p0 $0x1BF5;
	p2 =	por !p2, p0  }
0x20: {  	[sflag:s8] =	ssyncset.s32 @!p0 $0xFFFFF086;
	s6 =	sadd.s32 @!p0 s3, s7;
	s7 =	simm.s32 @!p0 $0x108  }
0x21: {  	s3 =	sadd.s32 s3, s9;
	s6 =	sadd.s32 @!p0 $0x88, s6;
	s7 =	simm.s32 @p2 $0x1082  }
0x22: {  	[simem:s7], [sflag:s8] =	dma.local @!p0 [hbm:s6], $0xF7A  }
0x23: {  	s9 =	sor.u32 $0xD0000000, s2;
	s6 =	simm.s32 $0x108;
	_ =	swait.ge @!p0 [sflag:s8], $0x0  }
0x24: {  	s3 =	sadd.s32 $0x88, s3;
	s6 =	simm.s32 @!p1 $0x1082;
	[sflag:s4] =	ssyncset.s32 $0xFFFFF086  }
0x25: {  	[simem:s6], [sflag:s4] =	dma.local [hbm:s3], $0xF7A  }
0x26: {  	[smem:$0x3F92] =	sst s1;
	(tag) =	ssettag s2;
	_ =	strace s9  }
0x27: {  	s1 =	sld [smem:$0x3FA2]  }
0x28: {  	s2 =	sld [smem:$0x3FA3]  }
0x29: {  	s4 =	sld [smem:$0x3FA5]  }
0x2a: {  	p0 =	seq.s32 s5, $0x0;
	s5 =	sld [smem:$0x3FA6]  }
0x2b: {  	s6 =	sld [smem:$0x3FA7]  }
0x2c: {  	s7 =	sld [smem:$0x3FA8]  }
0x2d: {  	s3 =	simm.s32 $0x108;
	s8 =	sld [smem:$0x3FA9]  }
0x2e: {  	s3 =	simm.s32 @!p0 $0x1082;
	s9 =	sld [smem:$0x3FAA]  }
0x2f: {  	lr =	sadd.s32 s0, s3;
	s0 =	sld [smem:$0x3FA1]  }
0x30: {  	s3 =	sld [smem:$0x3FA4]  }
0x31: {  	[smem:$0x3FAD] =	sst s10  }
0x32: {  	s10 =	sld [smem:$0x3FAB];
	_ =	sdelay $0x3  }
0x33: {  	p0 =	seq.s32 s10, $0x1;
	s10 =	sld [smem:$0x3FAD];
	_ =	sdelay $0x3  }
0x34: {  	[smem:$0x3FAD] =	sst s10  }
0x35: {  	s10 =	sld [smem:$0x3FAC];
	_ =	sdelay $0x3  }
0x36: {  	p1 =	seq.s32 s10, $0x1;
	s10 =	sld [smem:$0x3FAD];
	_ =	sdelay $0x3  }
0x37: {  	[smem:$0x3FAD] =	sst s10  }
0x38: {  	s10 =	sld [smem:$0x3FAE]  }
0x39: {  	_ = 	snop;
	(pc) =	sbr.ind lr, $3  }
0x3a: {  	_ = 	snop  }
0x3b: {  	_ = 	snop  }
0x3c: {  	p2 =	seq.s32 s10, $0x1;
	s10 =	sld [smem:$0x3FAD]  }
0x3d: {  	_ =	shalt  }
0x3e: {  	_ =	shalt  }
0x3f: {  	_ =	shalt  }
0x40: {  	_ =	shalt  }
0x41: {  	_ =	shalt  }
0x42: {  	_ =	shalt  }
0x43: {  	_ =	shalt  }
0x44: {  	_ =	shalt  }
0x45: {  	_ =	shalt  }
0x46: {  	_ =	shalt  }
0x47: {  	_ =	shalt  }
0x48: {  	_ =	shalt  }
0x49: {  	_ =	shalt  }
0x4a: {  	_ =	shalt  }
0x4b: {  	_ =	shalt  }
0x4c: {  	_ =	shalt  }
0x4d: {  	_ =	shalt  }
0x4e: {  	_ =	shalt  }
0x4f: {  	_ =	shalt  }
0x50: {  	_ =	shalt  }
0x51: {  	_ =	shalt  }
0x52: {  	_ =	shalt  }
0x53: {  	_ =	shalt  }
0x54: {  	_ =	shalt  }
0x55: {  	_ =	shalt  }
0x56: {  	_ =	shalt  }
0x57: {  	_ =	shalt  }
0x58: {  	_ =	shalt  }
0x59: {  	_ =	shalt  }
0x5a: {  	_ =	shalt  }
0x5b: {  	_ =	shalt  }
0x5c: {  	_ =	shalt  }
0x5d: {  	_ =	shalt  }
0x5e: {  	_ =	shalt  }
0x5f: {  	_ =	shalt  }
0x60: {  	_ =	shalt  }
0x61: {  	_ =	shalt  }
0x62: {  	_ =	shalt  }
0x63: {  	_ =	shalt  }
0x64: {  	_ =	shalt  }
0x65: {  	_ =	shalt  }
0x66: {  	_ =	shalt  }
0x67: {  	_ =	shalt  }
0x68: {  	_ =	shalt  }
0x69: {  	_ =	shalt  }
0x6a: {  	_ =	shalt  }
0x6b: {  	_ =	shalt  }
0x6c: {  	_ =	shalt  }
0x6d: {  	_ =	shalt  }
0x6e: {  	_ =	shalt  }
0x6f: {  	_ =	shalt  }
0x70: {  	_ =	shalt  }
0x71: {  	_ =	shalt  }
0x72: {  	_ =	shalt  }
0x73: {  	_ =	shalt  }
0x74: {  	_ =	shalt  }
0x75: {  	_ =	shalt  }
0x76: {  	_ =	shalt  }
0x77: {  	_ =	shalt  }
0x78: {  	_ =	shalt  }
0x79: {  	_ =	shalt  }
0x7a: {  	_ =	shalt  }
0x7b: {  	_ =	shalt  }
0x7c: {  	_ =	shalt  }
0x7d: {  	_ =	shalt  }
0x7e: {  	_ =	shalt  }
0x7f: {  	_ =	shalt  }
0x80: {  	_ =	shalt  }
0x81: {  	_ =	shalt  }
0x82: {  	_ =	shalt  }
0x83: {  	_ =	shalt  }
0x84: {  	_ =	shalt  }
0x85: {  	_ =	shalt  }
0x86: {  	_ =	shalt  }
0x87: {  	_ =	shalt  }
.Lfunc_end0:
.L_simem_size_0:
called_computation_lowered:
.L_overlay_start_0:
0x88: {  	s2 =	sld [smem:$0x3FD9]  }
0x89: {  	s3 =	sld [smem:$0x3FFE];
	_ =	sdelay $0x1  }
0x8a: {  	s1 =	srdreg.scid  }
0x8b: {  	s0 =	sand.u32 $0x1, s1  }
0x8c: {  	s14 =	sshll.u32 s0, $0xA;
	s2 =	sadd.s32 s3, s2  }
0x8d: {  	s2 =	sadd.s32 s2, s14  }
0x8e: {  	[smem:$0x3FB9] =	sst s2  }
0x8f: {  	_ = 	snop  }
0x90: {  	s2 =	sld [smem:$0x3FD0];
	_ =	sdelay $0x2  }
0x91: {  	s15 =	simm.s32 $0xA;
	s4 =	simm.s32 $0x10  }
0x92: {  	[smem:s4], [sflag:s15] =	dma.local [hbm:s2], $0x1  }
0x93: {  	_ =	swait.eq [sflag:s15], $0x1  }
0x94: {  	[sflag:s15] =	ssyncset.done $0x0  }
0x95: {  	[sflag:s15] =	ssyncadd.s32 $0xFFFFFFFF  }
0x96: {  	s16 =	sld [smem:$0x12];
	(tm) =	ssettm $0x1  }
0x97: {  	s17 =	sld [smem:$0x3FFB];
	_ =	sdelay $0x3  }
0x98: {  	_ =	strace s17  }
0x99: {  	s3 =	sld [smem:$0x3FFC];
	_ =	sdelay $0x3  }
0x9a: {  	_ =	strace s3  }
0x9b: {  	s3 =	sld [smem:$0x3FFD];
	_ =	sdelay $0x3  }
0x9c: {  	_ =	strace s3  }
0x9d: {  	_ =	strace $0x8FFFFFFF  }
0x9e: {  	s18 =	sld [smem:$0x3FDB];
	_ =	sdelay $0x1  }
0x9f: {  	s19 =	simm.s32 $_scs_section_size  }
0xa0: {  	s5 =	simm.s32 $_size__tile_overlayer_lowered;
	s6 =	simm.s32 $_tile_overlayer_lowered  }
0xa1: {  	s22 =	simm.s32 $0x1BFF;
	s21 =	sshll.u32 s6, $0x1;
	s3 =	sadd.s32 s19, s18  }
0xa2: {  	s7 =	simm.s32 $0x0;
	s20 =	sshll.u32 s5, $0x1;
	s5 =	sadd.s32 s21, s3  }
0xa3: {  	[timem:s7], [sflag:s22] =	dma.local [hbm:s5], s20  }
0xa4: {  	_ =	swait.ge [sflag:s22], s20  }
0xa5: {  	s4 =	ssub.s32 $0x0, s20;
	[sflag:s22] =	ssyncset.done $0x0  }
0xa6: {  	[sflag:s22] =	ssyncadd.s32 s4;
	_ =	sdelay $0x1  }
0xa7: {  	s23 =	simm.s32 $0x1B8B  }
0xa8: {  	_ =	swait.ge [sflag:s23], $0x1  }
0xa9: {  	[sflag:s23] =	ssyncset.done $0x0  }
0xaa: {  	s25 =	simm.s32 $0x1B8E;
	s24 =	sld [smem:$0x3FFE];
	[sflag:s23] =	ssyncadd.s32 $0xFFFFFFFF  }
0xab: {  	s26 =	simm.s32 $execute0_lowered;
	[smem:$0x3FD2] =	sst s25  }
0xac: {  	s5 =	sshll.u32 s26, $0x1;
	_ =	strace $0x80000046;
	[dreg:$0x1] =	wrdreg $0xFFFFFFFF  }
0xad: {  	s28 =	simm.s32 $_size_execute0_lowered;
	s3 =	sadd.s32 s3, s5;
	[dreg:$0x0] =	wrdreg $0x0  }
0xae: {  	s5 =	sshll.u32 s28, $0x1;
	[dreg:$0x2] =	wrdreg s3  }
0xaf: {  	[dreg:$0x3] =	wrdreg s5  }
0xb0: {  	[dreg:$0x4] =	wrdreg $0xC0  }
0xb1: {  	_ =	task [dreg:s7], $0x5FFFF  }
0xb2: {  	[dreg:$0x1] =	wrdreg $0xFFFFFFFF  }
0xb3: {  	[dreg:$0x0] =	wrdreg $0x60  }
0xb4: {  	[dreg:$0x2] =	wrdreg s16  }
0xb5: {  	[dreg:$0x3] =	wrdreg s24  }
0xb6: {  	[dreg:$0x4] =	wrdreg $0x9  }
0xb7: {  	_ =	task.clear_ibuf [dreg:s7], $0x5FFFF;
	_ =	strace $0x90000046  }
0xb8: {  	s29 =	simm.s32 $0x9;
	_ =	strace $0x80000048  }
0xb9: {  	_ =	swait.ge [sflag:s29], $0x1  }
0xba: {  	[sflag:s29] =	ssyncadd.s32 $0xFFFFFFFF  }
0xbb: {  	_ =	strace $0x90000048  }
0xbc: {  	_ =	sfence  }
0xbd: {  	s30 =	sld [smem:$0x0];
	_ =	sdelay $0x2  }
0xbe: {  	s31 =	sshll.u32 s1, $0xD;
	s1 =	sshrl.u32 s1, $0x2  }
0xbf: {  	s3 =	sand.u32 $0x4000, s31;
	s1 =	sadd.s32 s1, s30  }
0xc0: {  	s0 =	sor.u32 s3, s0;
	s1 =	sshll.u32 s1, $0x11  }
0xc1: {  	s0 =	sor.u32 s1, s0  }
0xc2: {  	s0 =	sadd.s32 $0x8F2B, s0  }
0xc3: {  	[sflag:s0] =	ssyncadd.remote.s32 $0x1  }
0xc4: {  	_ =	sfence.sel $0xFFFF  }
0xc5: {  	[dreg:$0x0] =	wrdreg $0xFFFFFFFF;
	(pc) =	sbr.abs _section_cstart, $3  }
0xc6: {  	[dreg:$0x1] =	wrdreg $0xFFFFFFFF  }
0xc7: {  	_ =	task.clear_ibuf [dreg:s7], $0x2FFFF;
	_ =	strace $0x9FFFFFFF  }
0xc8: {  	(tm) =	ssettm $0x7FFFFFFF  }
0xc9: {  	_ =	shalt  }
tec
execute0_lowered:
.L_overlay_start_1:
0x0: {  	(tag) =	ssettag $0x1  }
0x1: {  	s2 =	rddreg [dreg:$0x0];
	s0 =	srdreg.scid  }
0x2: {  	s5 =	rddreg [dreg:$0x1];
	s1 =	stileid.u32;
	s6 =	simm.s32 $0x1  }
0x3: {  	s9 =	simm.s32 $0x1;
	s10 =	simm.s32 $0x3;
	s3 =	sshll.u32 s0, $0x9  }
0x4: {  	s13 =	simm.s32 $0x0;
	s4 =	sshll.u32 s1, $0xA;
	s3 =	sand.u32 $0x200, s3  }
0x5: {  	s0 =	rddreg [dreg:$0x2];
	_ =	strace $0x80000047;
	s3 =	sor.u32 s4, s3  }
0x6: {  	s12 =	simm.s32 $0x0;
	[sflag:s6] =	ssyncpa.u1 $0x0;
	s8 =	ssub.s32 $0x6000, s3  }
.Ltmp0:
0x7: {  	s4 =	sadd.s32 $0x100E00, s5;
	s7 =	sand.u32 $0x3E00, s8;
	(pc) =	sbr.rel .LBB2_1-.Ltmp0, $4  }
0x8: {  	s5 =	sadd.s32 $0x101A00, s5;
	s11 =	smov.u32 s3;
	p0 =	sne.s32 s7, $0x0  }
0x9: {  	s8 =	sshrl.u32 s8, $0xE;
	s7 =	simm.s32 $0x2;
	s9 =	simm.s32 @!p0 $0x0  }
0xa: {  	[sflag:s7] =	ssyncpa.u1 $0x0;
	p0 =	por $0x0, $0x0;
	s8 =	sadd.s32 s9, s8  }
0xb: {  	vm0 =	vmmov $0xffff;
	[sflag:s10] =	ssyncpa.u1 $0x0;
	s10 =	simm.s32 $0x0;
	s9 =	sadd.s32 $0x1, s8  }
.LBB2_4:
0xc: {  	v5 =	vshrl.u32 v1, $0xD;
	v6 =	vshll.u32 v1, $0x7  }
0xd: {  	vm1 =	veq.s32 v1, $0x80000000;
	v58 =	vand.u32 $0x1F, v5;
	v59 =	vand.u32 $0xFFF80, v6  }
0xe: {  	v1 =	vsel vm1, $0xFFFFFFFF, v58;
	v5 =	vsel vm1, $0xFFFFFF80, v59  }
0xf: {  	v3 =	vor.u32 v4, v3;
	v60 =	vand.u32 $0xFFFFFC00, v5;
	v61 =	vand.u32 $0xFFFFFC00, v1  }
0x10: {  	v2 =	vor.u32 v2, v3;
	v63 =	vand.u32 $0x380, v5;
	v62 =	vadd.s32 v61, v60  }
0x11: {  	v1 =	vand.u32 $0x7F, v1;
	v3 =	vor.u32 v63, v62  }
0x12: {  	v1 =	vor.u32 v1, v3  }
0x13: {  	[tilespmem:s15], [sflag:$0x1] =	stream.indirect_vreg.gather [hbm4b:s2+s10], $0x1, v0, vm0, $0x4038;
	[tilespmem:$0x800] =	vst v63  }
0x14: {  	(ifvalue) =	ssetifvalue $0x7FFFFFFF  }
0x15: {  	[tilespmem:s16], [sflag:$0x1] =	stream.indirect_vreg.gather [hbm4b:s2+s10], $0x1, v2, vm0, $0x4038;
	[tilespmem:$0x800] =	vst v63  }
0x16: {  	s29 =	sadd.s32 $0x10, s16;
	(ifvalue) =	ssetifvalue $0x7FFFFFFF  }
0x17: {  	[tilespmem:s29], [sflag:$0x1] =	stream.indirect_vreg.gather [hbm4b:s2+s10], $0x1, v1, vm0, $0x4038;
	[tilespmem:$0x800] =	vst v63  }
0x18: {  	_ =	swait.ge [sflag:s6], $0x200  }
0x19: {  	s30 =	sshrl.u32 s13, $0x3;
	[sflag:s6] =	ssyncset.done $0x0  }
0x1a: {  	s31 =	sand.u32 $0x7, s13;
	s15 =	sadd.s32 s5, s30;
	[sflag:s6] =	ssyncadd.s32 $0xFFFFFE00  }
0x1b: {  	[hbm4b:s15+s31] =	stream.linear.scatter [tilespmem:s14], [sflag:$0x3], $0x200, $0x38;
	[tilespmem:$0x800] =	vst v63  }
.LBB2_5:
0x1c: {  	s15 =	sadd.s32 $0x4000, s11  }
0x1d: {  	p2 =	sgt.s32 s15, $0x5FFF  }
0x1e: {  	s15 =	smov.u32 @p2 s3;
	p2 =	sne.s32 s12, s9  }
.Ltmp1:
0x1f: {  	p1 =	slt.u32 s12, $0x2;
	(pc) =	sbr.rel @!p2 .LBB2_6-.Ltmp1, $4  }
0x20: {  	s14 =	simm.s32 @!p1 $0x3  }
0x21: {  	s16 =	sadd.s32 $0x1, s12;
	_ =	swait.ge @!p1 [sflag:s14], $0x200  }
0x22: {  	s13 =	smov.u32 s11;
	p0 =	por !p0, !p0;
	[sflag:s14] =	ssyncset.done @!p1 $0x0  }
0x23: {  	s12 =	smov.u32 s16;
	s11 =	smov.u32 s15;
	[sflag:s14] =	ssyncadd.s32 @!p1 $0xFFFFFE00  }
.LBB2_1:
0x24: {  	p1 =	sge.u32 s12, s8  }
0x25: {  	s14 =	sxor.u32 @!p1 $0xFFFFFFFF, s12  }
0x26: {  	s31 =	sadd.s32 $0xFFFFFFFF, s12;
	s15 =	sshrl.u32 @!p1 s11, $0x3;
	s14 =	sshll.u32 @!p1 s14, $0x9  }
0x27: {  	s16 =	sand.u32 @!p1 $0x7, s11;
	s15 =	sadd.s32 @!p1 s4, s15;
	s14 =	sand.u32 @!p1 $0x200, s14  }
0x28: {  	[tilespmem:s14], [sflag:$0x2] =	stream.linear.gather @!p1 [hbm4b:s15+s16], $0x200, $0x38;
	[tilespmem:$0x800] =	vst v63  }
0x29: {  	p1 =	sge.u32 s31, s8  }
.Ltmp2:
0x2a: {  	_ = 	snop;
	(pc) =	sbr.rel @p1 .LBB2_5-.Ltmp2, $1  }
0x2b: {  	_ =	sdelay $0x3  }
0x2c: {  	s14 =	simm.s32 $0x1  }
0x2d: {  	_ =	swait.ge [sflag:s7], $0x200;
	s14 =	simm.s32 @!p0 $0x0  }
0x2e: {  	[sflag:s7] =	ssyncset.done $0x0;
	s14 =	sshll.u32 s14, $0x9  }
0x2f: {  	[sflag:s7] =	ssyncadd.s32 $0xFFFFFE00;
	(ifvalue) =	ssetifvalue $0x7FFFFFFF;
	v0 =	vld.msk [tilespmem:s14+$0x0 ss:$0x1], $0xffff;
	_ =	sdelay $0x4  }
0x30: {  	s15 =	sadd.s32 $0x10, s14;
	v2 =	vshrl.u32 v0, $0xD;
	v3 =	vshll.u32 v0, $0x7  }
0x31: {  	v1 =	vld.msk [tilespmem:s15+$0x0 ss:$0x1], $0xffff;
	vm1 =	veq.s32 v0, $0x80000000;
	v0 =	vand.u32 $0x1F, v2;
	v2 =	vand.u32 $0xFFF80, v3  }
0x32: {  	v0 =	vsel vm1, $0xFFFFFFFF, v0;
	v2 =	vsel vm1, $0xFFFFFF80, v2  }
0x33: {  	v3 =	vand.u32 $0xFFFFFC00, v2;
	v4 =	vand.u32 $0xFFFFFC00, v0  }
0x34: {  	v2 =	vand.u32 $0x380, v2;
	v3 =	vadd.s32 v4, v3  }
0x35: {  	v0 =	vand.u32 $0x7F, v0;
	v2 =	vor.u32 v2, v3  }
0x36: {  	v5 =	vshll.u32 v1, $0x7;
	v4 =	vshrl.u32 v1, $0xD;
	v0 =	vor.u32 v0, v2  }
0x37: {  	s16 =	sshll.u32 s12, $0x9;
	vm1 =	veq.s32 v1, $0x80000000;
	v1 =	vand.u32 $0x1F, v4;
	v4 =	vand.u32 $0xFFF80, v5  }
0x38: {  	s16 =	sand.u32 $0x200, s16;
	s18 =	sadd.s32 $0x10, s15;
	v3 =	vsel vm1, $0xFFFFFFFF, v1;
	v4 =	vsel vm1, $0xFFFFFF80, v4  }
0x39: {  	s17 =	simm.s32 $0x20;
	s15 =	sor.u32 $0x400, s14;
	s14 =	sor.u32 $0x400, s16;
	v1 =	vld.msk [tilespmem:s18+$0x0 ss:$0x1], $0xffff;
	v5 =	vand.u32 $0xFFFFFC00, v4;
	v6 =	vand.u32 $0xFFFFFC00, v3  }
0x3a: {  	s16 =	sadd.s32 $0x10, s15;
	s18 =	sadd.s32 $0x10, s18;
	(ifvalue) =	ssetifvalue $0x7FFFFFFF;
	v2 =	vand.u32 $0x7F, v3;
	v4 =	vand.u32 $0x380, v4;
	v3 =	vadd.s32 v6, v5  }
.LBB2_3:
0x3b: {  	[tilespmem:s15], [sflag:$0x1] =	stream.indirect_vreg.gather [hbm4b:s2+s10], $0x1, v0, vm0, $0x4038;
	[tilespmem:$0x800] =	vst v63  }
0x3c: {  	s17 =	sadd.s32 $0x10, s17  }
0x3d: {  	v3 =	vor.u32 v4, v3;
	p1 =	slt.u32 s17, $0x1F0  }
.Ltmp3:
0x3e: {  	v4 =	vshrl.u32 v1, $0xD;
	v5 =	vshll.u32 v1, $0x7;
	s15 =	smov.u32 s16;
	v0 =	vor.u32 v2, v3;
	v2 =	vmovc v1;
	v1 =	vld.msk [tilespmem:s18+$0x0 ss:$0x1], $0xffff;
	(pc) =	sbr.rel @p1 .LBB2_3-.Ltmp3, $4  }
0x3f: {  	v3 =	vand.u32 $0xFFF80, v5;
	vm1 =	veq.s32 v2, $0x80000000;
	v2 =	vand.u32 $0x1F, v4  }
0x40: {  	v4 =	vsel vm1, $0xFFFFFFFF, v2;
	v5 =	vsel vm1, $0xFFFFFF80, v3  }
0x41: {  	v2 =	vand.u32 $0x7F, v4;
	v3 =	vand.u32 $0xFFFFFC00, v5;
	v4 =	vand.u32 $0xFFFFFC00, v4  }
0x42: {  	s16 =	sadd.s32 $0x10, s16;
	s18 =	sadd.s32 $0x10, s18;
	v3 =	vadd.s32 v4, v3;
	v4 =	vand.u32 $0x380, v5;
	(ifvalue) =	ssetifvalue $0x7FFFFFFF  }
.Ltmp4:
0x43: {  	_ = 	snop;
	(pc) =	sbr.rel .LBB2_4-.Ltmp4, $1  }
0x44: {  	_ =	sdelay $0x3  }
.LBB2_6:
0x45: {  	_ =	sfence.sel $0x180000  }
0x46: {  	s2 =	simm.s32 $0x2;
	[bflag:$0x0] =	sbarrier.arrive $0xFFFF  }
0x47: {  	s30 =	simm.s32 $0x3;
	[sflag:s2] =	ssyncpa.u1 $0x1  }
0x48: {  	s31 =	simm.s32 $0x1;
	[sflag:s30] =	ssyncpa.u1 $0x1  }
0x49: {  	[sflag:s31] =	ssyncpa.u1 $0x1  }
0x4a: {  	p0 =	sne.s32 s1, $0x0;
	_ =	strace $0x90000047  }
0x4b: {  	s0 =	sadd.s32 @!p0 $0x100000, s0;
	[bflag:$0x2] =	sbarrier.arrive $0xFFFF  }
0x4c: {  	[sflag:s0] =	ssyncadd.tile.s32 @!p0 $0x1;
	_ =	shalt  }
.Lfunc_end2:
_tile_overlayer_lowered:
.L_overlay_start_2:
0x4d: {  	(tag) =	ssettag $0x2  }
0x4e: {  	s0 =	rddreg [dreg:$0x0];
	s2 =	stileid.u32  }
0x4f: {  	s1 =	rddreg [dreg:$0x1];
	p0 =	sne.s32 s2, $0x0  }
0x50: {  	s3 =	rddreg [dreg:$0x2];
	[bflag:$0x3] =	sbarrier.arrive $0xFFFF;
	s2 =	simm.s32 @!p0 $0x1C01  }
0x51: {  	[timem:s3], [sflag:s2] =	dma.local @!p0 [hbm:s0], s1  }
0x52: {  	s0 =	simm.s32 @!p0 $0x1  }
0x53: {  	_ =	swait.ge @!p0 [sflag:s0], s1  }
0x54: {  	s1 =	ssub.s32 @!p0 $0x0, s1;
	[sflag:s0] =	ssyncset.done @!p0 $0x0  }
0x55: {  	[sflag:s0] =	ssyncadd.s32 @!p0 s1  }
0x56: {  	[bflag:$0x3] =	sbarrier.arrive $0xFFFF  }
0x57: {  	_ =	shalt  }

// kernel: kernel.10.cloned.1.call-start
scs
__scs_entry_jumppad:
0x0: {  	(pc) =	sbr.rel $0x88, $3  }
0x1: {  	(tag) =	ssettag $0x0;
	lr =	simm.s32 $0x1  }
0x2: {  	[smem:$0x3F92] =	sst lr;
	_ =	strace $0xD0000000  }
0x3: {  	_ = 	snop  }
0x4: {  	_ = 	snop  }
0x5: {  	_ = 	snop  }
0x6: {  	_ = 	snop  }
0x7: {  	_ = 	snop  }
__scs_overlays_trampoline_lowered:
0x8: {  	[smem:$0x3FA1] =	sst s0  }
0x9: {  	[smem:$0x3FA2] =	sst s1  }
0xa: {  	[smem:$0x3FA3] =	sst s2  }
0xb: {  	[smem:$0x3FA4] =	sst s3  }
0xc: {  	[smem:$0x3FA5] =	sst s4  }
0xd: {  	[smem:$0x3FA6] =	sst s5  }
0xe: {  	[smem:$0x3FA7] =	sst s6  }
0xf: {  	[smem:$0x3FA8] =	sst s7  }
0x10: {  	[smem:$0x3FA9] =	sst s8  }
0x11: {  	[smem:$0x3FAA] =	sst s9;
	s0 =	simm.s32 @!p0 $0x0  }
0x12: {  	s1 =	sld [smem:$0x3F90];
	s0 =	simm.s32 @p0 $0x1  }
0x13: {  	[smem:$0x3FAB] =	sst s0;
	s0 =	simm.s32 @!p1 $0x0  }
0x14: {  	s2 =	sld [smem:$0x3F8F];
	s0 =	simm.s32 @p1 $0x1  }
0x15: {  	[smem:$0x3FAC] =	sst s0;
	s0 =	simm.s32 @!p2 $0x0  }
0x16: {  	s3 =	sld [smem:$0x3FDB];
	s0 =	simm.s32 @p2 $0x1  }
0x17: {  	s4 =	simm.s32 $0x1BF5;
	[smem:$0x3FAE] =	sst s0  }
0x18: {  	s0 =	sld [smem:$0x3F91];
	_ =	swait.ge [sflag:s4], $0x0  }
0x19: {  	s7 =	sld [smem:$0x3F92]  }
0x1a: {  	s8 =	sadd.s32 $0xFFFFE003, lr  }
0x1b: {  	s9 =	sadd.s32 $0xFFFFFEF7, lr;
	s5 =	simm.s32 $0xFFFFFFFF;
	p2 =	slt.u32 s8, $0xFFFFF086  }
0x1c: {  	p1 =	slt.u32 s9, $0xF7A;
	s5 =	simm.s32 @!p2 $0x0  }
0x1d: {  	s5 =	simm.s32 @p1 $0x1;
	p0 =	seq.s32 s7, s2  }
0x1e: {  	s7 =	smul.u32 @!p0 $0xF7A, s2;
	p2 =	seq.s32 @!p0 s5, $0x0  }
0x1f: {  	s9 =	smul.u32 $0xF7A, s1;
	s8 =	simm.s32 @!p0 $0x1BF5;
	p2 =	por !p2, p0  }
0x20: {  	[sflag:s8] =	ssyncset.s32 @!p0 $0xFFFFF086;
	s6 =	sadd.s32 @!p0 s3, s7;
	s7 =	simm.s32 @!p0 $0x108  }
0x21: {  	s3 =	sadd.s32 s3, s9;
	s6 =	sadd.s32 @!p0 $0x88, s6;
	s7 =	simm.s32 @p2 $0x1082  }
0x22: {  	[simem:s7], [sflag:s8] =	dma.local @!p0 [hbm:s6], $0xF7A  }
0x23: {  	s9 =	sor.u32 $0xD0000000, s2;
	s6 =	simm.s32 $0x108;
	_ =	swait.ge @!p0 [sflag:s8], $0x0  }
0x24: {  	s3 =	sadd.s32 $0x88, s3;
	s6 =	simm.s32 @!p1 $0x1082;
	[sflag:s4] =	ssyncset.s32 $0xFFFFF086  }
0x25: {  	[simem:s6], [sflag:s4] =	dma.local [hbm:s3], $0xF7A  }
0x26: {  	[smem:$0x3F92] =	sst s1;
	(tag) =	ssettag s2;
	_ =	strace s9  }
0x27: {  	s1 =	sld [smem:$0x3FA2]  }
0x28: {  	s2 =	sld [smem:$0x3FA3]  }
0x29: {  	s4 =	sld [smem:$0x3FA5]  }
0x2a: {  	p0 =	seq.s32 s5, $0x0;
	s5 =	sld [smem:$0x3FA6]  }
0x2b: {  	s6 =	sld [smem:$0x3FA7]  }
0x2c: {  	s7 =	sld [smem:$0x3FA8]  }
0x2d: {  	s3 =	simm.s32 $0x108;
	s8 =	sld [smem:$0x3FA9]  }
0x2e: {  	s3 =	simm.s32 @!p0 $0x1082;
	s9 =	sld [smem:$0x3FAA]  }
0x2f: {  	lr =	sadd.s32 s0, s3;
	s0 =	sld [smem:$0x3FA1]  }
0x30: {  	s3 =	sld [smem:$0x3FA4]  }
0x31: {  	[smem:$0x3FAD] =	sst s10  }
0x32: {  	s10 =	sld [smem:$0x3FAB];
	_ =	sdelay $0x3  }
0x33: {  	p0 =	seq.s32 s10, $0x1;
	s10 =	sld [smem:$0x3FAD];
	_ =	sdelay $0x3  }
0x34: {  	[smem:$0x3FAD] =	sst s10  }
0x35: {  	s10 =	sld [smem:$0x3FAC];
	_ =	sdelay $0x3  }
0x36: {  	p1 =	seq.s32 s10, $0x1;
	s10 =	sld [smem:$0x3FAD];
	_ =	sdelay $0x3  }
0x37: {  	[smem:$0x3FAD] =	sst s10  }
0x38: {  	s10 =	sld [smem:$0x3FAE]  }
0x39: {  	_ = 	snop;
	(pc) =	sbr.ind lr, $3  }
0x3a: {  	_ = 	snop  }
0x3b: {  	_ = 	snop  }
0x3c: {  	p2 =	seq.s32 s10, $0x1;
	s10 =	sld [smem:$0x3FAD]  }
0x3d: {  	_ =	shalt  }
0x3e: {  	_ =	shalt  }
0x3f: {  	_ =	shalt  }
0x40: {  	_ =	shalt  }
0x41: {  	_ =	shalt  }
0x42: {  	_ =	shalt  }
0x43: {  	_ =	shalt  }
0x44: {  	_ =	shalt  }
0x45: {  	_ =	shalt  }
0x46: {  	_ =	shalt  }
0x47: {  	_ =	shalt  }
0x48: {  	_ =	shalt  }
0x49: {  	_ =	shalt  }
0x4a: {  	_ =	shalt  }
0x4b: {  	_ =	shalt  }
0x4c: {  	_ =	shalt  }
0x4d: {  	_ =	shalt  }
0x4e: {  	_ =	shalt  }
0x4f: {  	_ =	shalt  }
0x50: {  	_ =	shalt  }
0x51: {  	_ =	shalt  }
0x52: {  	_ =	shalt  }
0x53: {  	_ =	shalt  }
0x54: {  	_ =	shalt  }
0x55: {  	_ =	shalt  }
0x56: {  	_ =	shalt  }
0x57: {  	_ =	shalt  }
0x58: {  	_ =	shalt  }
0x59: {  	_ =	shalt  }
0x5a: {  	_ =	shalt  }
0x5b: {  	_ =	shalt  }
0x5c: {  	_ =	shalt  }
0x5d: {  	_ =	shalt  }
0x5e: {  	_ =	shalt  }
0x5f: {  	_ =	shalt  }
0x60: {  	_ =	shalt  }
0x61: {  	_ =	shalt  }
0x62: {  	_ =	shalt  }
0x63: {  	_ =	shalt  }
0x64: {  	_ =	shalt  }
0x65: {  	_ =	shalt  }
0x66: {  	_ =	shalt  }
0x67: {  	_ =	shalt  }
0x68: {  	_ =	shalt  }
0x69: {  	_ =	shalt  }
0x6a: {  	_ =	shalt  }
0x6b: {  	_ =	shalt  }
0x6c: {  	_ =	shalt  }
0x6d: {  	_ =	shalt  }
0x6e: {  	_ =	shalt  }
0x6f: {  	_ =	shalt  }
0x70: {  	_ =	shalt  }
0x71: {  	_ =	shalt  }
0x72: {  	_ =	shalt  }
0x73: {  	_ =	shalt  }
0x74: {  	_ =	shalt  }
0x75: {  	_ =	shalt  }
0x76: {  	_ =	shalt  }
0x77: {  	_ =	shalt  }
0x78: {  	_ =	shalt  }
0x79: {  	_ =	shalt  }
0x7a: {  	_ =	shalt  }
0x7b: {  	_ =	shalt  }
0x7c: {  	_ =	shalt  }
0x7d: {  	_ =	shalt  }
0x7e: {  	_ =	shalt  }
0x7f: {  	_ =	shalt  }
0x80: {  	_ =	shalt  }
0x81: {  	_ =	shalt  }
0x82: {  	_ =	shalt  }
0x83: {  	_ =	shalt  }
0x84: {  	_ =	shalt  }
0x85: {  	_ =	shalt  }
0x86: {  	_ =	shalt  }
0x87: {  	_ =	shalt  }
.Lfunc_end0:
.L_simem_size_0:
called_computation.2_lowered:
.L_overlay_start_0:
0x88: {  	s2 =	sld [smem:$0x3FD9]  }
0x89: {  	s3 =	sld [smem:$0x3FFE];
	_ =	sdelay $0x1  }
0x8a: {  	s1 =	srdreg.scid  }
0x8b: {  	s0 =	sand.u32 $0x1, s1  }
0x8c: {  	s14 =	sshll.u32 s0, $0xA;
	s2 =	sadd.s32 s3, s2  }
0x8d: {  	s2 =	sadd.s32 s2, s14  }
0x8e: {  	[smem:$0x3FB9] =	sst s2  }
0x8f: {  	_ = 	snop  }
0x90: {  	s2 =	sld [smem:$0x3FD0];
	_ =	sdelay $0x2  }
0x91: {  	s15 =	simm.s32 $0xA;
	s4 =	simm.s32 $0x10  }
0x92: {  	[smem:s4], [sflag:s15] =	dma.local [hbm:s2], $0x1  }
0x93: {  	_ =	swait.eq [sflag:s15], $0x1  }
0x94: {  	[sflag:s15] =	ssyncset.done $0x0  }
0x95: {  	[sflag:s15] =	ssyncadd.s32 $0xFFFFFFFF  }
0x96: {  	s16 =	sld [smem:$0x12];
	(tm) =	ssettm $0x1  }
0x97: {  	s17 =	sld [smem:$0x3FFB];
	_ =	sdelay $0x3  }
0x98: {  	_ =	strace s17  }
0x99: {  	s3 =	sld [smem:$0x3FFC];
	_ =	sdelay $0x3  }
0x9a: {  	_ =	strace s3  }
0x9b: {  	s3 =	sld [smem:$0x3FFD];
	_ =	sdelay $0x3  }
0x9c: {  	_ =	strace s3  }
0x9d: {  	_ =	strace $0x8FFFFFFF  }
0x9e: {  	s18 =	sld [smem:$0x3FDB];
	_ =	sdelay $0x1  }
0x9f: {  	s19 =	simm.s32 $_scs_section_size  }
0xa0: {  	s5 =	simm.s32 $_size__tile_overlayer_lowered;
	s6 =	simm.s32 $_tile_overlayer_lowered  }
0xa1: {  	s22 =	simm.s32 $0x1BFF;
	s21 =	sshll.u32 s6, $0x1;
	s3 =	sadd.s32 s19, s18  }
0xa2: {  	s7 =	simm.s32 $0x0;
	s20 =	sshll.u32 s5, $0x1;
	s5 =	sadd.s32 s21, s3  }
0xa3: {  	[timem:s7], [sflag:s22] =	dma.local [hbm:s5], s20  }
0xa4: {  	_ =	swait.ge [sflag:s22], s20  }
0xa5: {  	s4 =	ssub.s32 $0x0, s20;
	[sflag:s22] =	ssyncset.done $0x0  }
0xa6: {  	[sflag:s22] =	ssyncadd.s32 s4;
	_ =	sdelay $0x1  }
0xa7: {  	s23 =	simm.s32 $0x1B8B  }
0xa8: {  	_ =	swait.ge [sflag:s23], $0x1  }
0xa9: {  	[sflag:s23] =	ssyncset.done $0x0  }
0xaa: {  	s25 =	simm.s32 $0x1B8E;
	s24 =	sld [smem:$0x3FFE];
	[sflag:s23] =	ssyncadd.s32 $0xFFFFFFFF  }
0xab: {  	s26 =	simm.s32 $execute0_lowered;
	[smem:$0x3FD2] =	sst s25  }
0xac: {  	s5 =	sshll.u32 s26, $0x1;
	_ =	strace $0x8000004C;
	[dreg:$0x1] =	wrdreg $0xFFFFFFFF  }
0xad: {  	s28 =	simm.s32 $_size_execute0_lowered;
	s3 =	sadd.s32 s3, s5;
	[dreg:$0x0] =	wrdreg $0x0  }
0xae: {  	s5 =	sshll.u32 s28, $0x1;
	[dreg:$0x2] =	wrdreg s3  }
0xaf: {  	[dreg:$0x3] =	wrdreg s5  }
0xb0: {  	[dreg:$0x4] =	wrdreg $0xC0  }
0xb1: {  	_ =	task [dreg:s7], $0x5FFFF  }
0xb2: {  	[dreg:$0x1] =	wrdreg $0xFFFFFFFF  }
0xb3: {  	[dreg:$0x0] =	wrdreg $0x60  }
0xb4: {  	[dreg:$0x2] =	wrdreg s16  }
0xb5: {  	[dreg:$0x3] =	wrdreg s24  }
0xb6: {  	[dreg:$0x4] =	wrdreg $0x9  }
0xb7: {  	_ =	task.clear_ibuf [dreg:s7], $0x5FFFF;
	_ =	strace $0x9000004C  }
0xb8: {  	s29 =	simm.s32 $0x9;
	_ =	strace $0x8000004E  }
0xb9: {  	_ =	swait.ge [sflag:s29], $0x1  }
0xba: {  	[sflag:s29] =	ssyncadd.s32 $0xFFFFFFFF  }
0xbb: {  	_ =	strace $0x9000004E  }
0xbc: {  	_ =	sfence  }
0xbd: {  	s30 =	sld [smem:$0x0];
	_ =	sdelay $0x2  }
0xbe: {  	s31 =	sshll.u32 s1, $0xD;
	s1 =	sshrl.u32 s1, $0x2  }
0xbf: {  	s3 =	sand.u32 $0x4000, s31;
	s1 =	sadd.s32 s1, s30  }
0xc0: {  	s0 =	sor.u32 s3, s0;
	s1 =	sshll.u32 s1, $0x11  }
0xc1: {  	s0 =	sor.u32 s1, s0  }
0xc2: {  	s0 =	sadd.s32 $0x8F2B, s0  }
0xc3: {  	[sflag:s0] =	ssyncadd.remote.s32 $0x1  }
0xc4: {  	_ =	sfence.sel $0xFFFF  }
0xc5: {  	[dreg:$0x0] =	wrdreg $0xFFFFFFFF;
	(pc) =	sbr.abs _section_cstart, $3  }
0xc6: {  	[dreg:$0x1] =	wrdreg $0xFFFFFFFF  }
0xc7: {  	_ =	task.clear_ibuf [dreg:s7], $0x2FFFF;
	_ =	strace $0x9FFFFFFF  }
0xc8: {  	(tm) =	ssettm $0x7FFFFFFF  }
0xc9: {  	_ =	shalt  }
tec
execute0_lowered:
.L_overlay_start_1:
0x0: {  	(tag) =	ssettag $0x1  }
0x1: {  	s1 =	srdreg.scid;
	s0 =	stileid.u32  }
0x2: {  	s6 =	sand.u32 $0x1, s1;
	s30 =	sshll.u32 s0, $0x1  }
0x3: {  	s2 =	rddreg [dreg:$0x0];
	s7 =	sor.u32 s6, s30  }
0x4: {  	s8 =	rddreg [dreg:$0x1];
	s3 =	simm.s32 $0x0;
	s4 =	smul.u32 $0x60, s7  }
0x5: {  	s5 =	simm.s32 $0x3;
	[smem:$0x7FF] =	sst s3  }
0x6: {  	s1 =	rddreg [dreg:$0x2];
	_ =	strace $0x8000004D;
	s4 =	sadd.s32 s4, s8  }
0x7: {  	s10 =	ssub.s32 $0x2, s6;
	s9 =	smul.u32 $0x3000, s7;
	s4 =	sadd.s32 $0xC1C00, s4  }
0x8: {  	[tilespmem:s3], [sflag:$0x3] =	stream.linear.gather [hbm4b:s4+s3], $0x300, $0x38;
	[tilespmem:$0x18300] =	vst v63  }
0x9: {  	s6 =	simm.s32 $0x300;
	s31 =	sshrl.u32 s10, $0x1;
	_ =	swait.ge [sflag:s5], $0x300  }
0xa: {  	s8 =	sadd.s32 s9, s8;
	s9 =	ssub.s32 s10, s31;
	[sflag:s5] =	ssyncset.done $0x0  }
0xb: {  	s7 =	simm.s32 $0x1;
	s10 =	smax.u32 s9, $0x1;
	[sflag:s5] =	ssyncadd.s32 $0xFFFFFD00  }
0xc: {  	[tilespmem:s6], [sflag:$0x1] =	stream.indirect.gather [hbm4b:s2+s6], $0x80, s3, s6, $0xb8;
	[tilespmem:$0x18300] =	vst v63  }
0xd: {  	p0 =	sne.s32 s10, $0x1;
	_ =	swait.ge [sflag:s7], $0x18000  }
.Ltmp0:
0xe: {  	[sflag:s7] =	ssyncset.done $0x0;
	(pc) =	sbr.rel @!p0 .LBB2_2-.Ltmp0, $4  }
0xf: {  	s8 =	sadd.s32 $0xE00, s8;
	s9 =	simm.s32 $0x2;
	[sflag:s7] =	ssyncadd.s32 $0xFFFE8000  }
0x10: {  	[hbm4b:s8+s3] =	stream.linear.scatter [tilespmem:s6], [sflag:$0x2], $0x18000, $0x38;
	[tilespmem:$0x18300] =	vst v63  }
0x11: {  	_ =	swait.ge [sflag:s9], $0x18000  }
0x12: {  	s10 =	sadd.s32 $0xFFFFFFFF, s10;
	[sflag:s9] =	ssyncset.done $0x0  }
.LBB2_1:
0x13: {  	p0 =	sne.s32 s10, $0x1;
	s10 =	sadd.s32 $0xFFFFFFFF, s10;
	[sflag:s9] =	ssyncadd.s32 $0xFFFE8000  }
0x14: {  	[tilespmem:s3], [sflag:$0x3] =	stream.linear.gather [hbm4b:s4+s3], $0x300, $0x38;
	[tilespmem:$0x18300] =	vst v63  }
0x15: {  	_ =	swait.ge [sflag:s5], $0x300  }
0x16: {  	[sflag:s5] =	ssyncset.done $0x0  }
0x17: {  	[sflag:s5] =	ssyncadd.s32 $0xFFFFFD00  }
0x18: {  	[tilespmem:s6], [sflag:$0x1] =	stream.indirect.gather [hbm4b:s2+s6], $0x80, s3, s6, $0xb8;
	[tilespmem:$0x18300] =	vst v63  }
0x19: {  	_ =	swait.ge [sflag:s7], $0x18000  }
.Ltmp1:
0x1a: {  	[sflag:s7] =	ssyncset.done $0x0;
	(pc) =	sbr.rel @p0 .LBB2_1-.Ltmp1, $4  }
0x1b: {  	[sflag:s7] =	ssyncadd.s32 $0xFFFE8000  }
0x1c: {  	[hbm4b:s8+s3] =	stream.linear.scatter [tilespmem:s6], [sflag:$0x2], $0x18000, $0x38;
	[tilespmem:$0x18300] =	vst v63  }
0x1d: {  	_ =	swait.ge [sflag:s9], $0x18000  }
0x1e: {  	[sflag:s9] =	ssyncset.done $0x0  }
.LBB2_2:
0x1f: {  	[sflag:s9] =	ssyncadd.s32 $0xFFFE8000  }
0x20: {  	_ =	sfence.sel $0x180000  }
0x21: {  	[bflag:$0x0] =	sbarrier.arrive $0xFFFF  }
0x22: {  	p0 =	sne.s32 s0, $0x0;
	_ =	strace $0x9000004D  }
0x23: {  	s0 =	sadd.s32 @!p0 $0x100000, s1;
	[bflag:$0x2] =	sbarrier.arrive $0xFFFF  }
0x24: {  	[sflag:s0] =	ssyncadd.tile.s32 @!p0 $0x1;
	_ =	shalt  }
.Lfunc_end2:
_tile_overlayer_lowered:
.L_overlay_start_2:
0x25: {  	(tag) =	ssettag $0x2  }
0x26: {  	s0 =	rddreg [dreg:$0x0];
	s2 =	stileid.u32  }
0x27: {  	s1 =	rddreg [dreg:$0x1];
	p0 =	sne.s32 s2, $0x0  }
0x28: {  	s3 =	rddreg [dreg:$0x2];
	[bflag:$0x3] =	sbarrier.arrive $0xFFFF;
	s2 =	simm.s32 @!p0 $0x1C03  }
0x29: {  	[timem:s3], [sflag:s2] =	dma.local @!p0 [hbm:s0], s1  }
0x2a: {  	s0 =	simm.s32 @!p0 $0x3  }
0x2b: {  	_ =	swait.ge @!p0 [sflag:s0], s1  }
0x2c: {  	s1 =	ssub.s32 @!p0 $0x0, s1;
	[sflag:s0] =	ssyncset.done @!p0 $0x0  }
0x2d: {  	[sflag:s0] =	ssyncadd.s32 @!p0 s1  }
0x2e: {  	[bflag:$0x3] =	sbarrier.arrive $0xFFFF  }
0x2f: {  	_ =	shalt  }

// kernel: kernel.7.cloned.1.call-start
scs
__scs_entry_jumppad:
0x0: {  	(pc) =	sbr.rel $0x88, $3  }
0x1: {  	(tag) =	ssettag $0x0;
	lr =	simm.s32 $0x1  }
0x2: {  	[smem:$0x3F92] =	sst lr;
	_ =	strace $0xD0000000  }
0x3: {  	_ = 	snop  }
0x4: {  	_ = 	snop  }
0x5: {  	_ = 	snop  }
0x6: {  	_ = 	snop  }
0x7: {  	_ = 	snop  }
__scs_overlays_trampoline_lowered:
0x8: {  	[smem:$0x3FA1] =	sst s0  }
0x9: {  	[smem:$0x3FA2] =	sst s1  }
0xa: {  	[smem:$0x3FA3] =	sst s2  }
0xb: {  	[smem:$0x3FA4] =	sst s3  }
0xc: {  	[smem:$0x3FA5] =	sst s4  }
0xd: {  	[smem:$0x3FA6] =	sst s5  }
0xe: {  	[smem:$0x3FA7] =	sst s6  }
0xf: {  	[smem:$0x3FA8] =	sst s7  }
0x10: {  	[smem:$0x3FA9] =	sst s8  }
0x11: {  	[smem:$0x3FAA] =	sst s9;
	s0 =	simm.s32 @!p0 $0x0  }
0x12: {  	s1 =	sld [smem:$0x3F90];
	s0 =	simm.s32 @p0 $0x1  }
0x13: {  	[smem:$0x3FAB] =	sst s0;
	s0 =	simm.s32 @!p1 $0x0  }
0x14: {  	s2 =	sld [smem:$0x3F8F];
	s0 =	simm.s32 @p1 $0x1  }
0x15: {  	[smem:$0x3FAC] =	sst s0;
	s0 =	simm.s32 @!p2 $0x0  }
0x16: {  	s3 =	sld [smem:$0x3FDB];
	s0 =	simm.s32 @p2 $0x1  }
0x17: {  	s4 =	simm.s32 $0x1BF5;
	[smem:$0x3FAE] =	sst s0  }
0x18: {  	s0 =	sld [smem:$0x3F91];
	_ =	swait.ge [sflag:s4], $0x0  }
0x19: {  	s7 =	sld [smem:$0x3F92]  }
0x1a: {  	s8 =	sadd.s32 $0xFFFFE003, lr  }
0x1b: {  	s9 =	sadd.s32 $0xFFFFFEF7, lr;
	s5 =	simm.s32 $0xFFFFFFFF;
	p2 =	slt.u32 s8, $0xFFFFF086  }
0x1c: {  	p1 =	slt.u32 s9, $0xF7A;
	s5 =	simm.s32 @!p2 $0x0  }
0x1d: {  	s5 =	simm.s32 @p1 $0x1;
	p0 =	seq.s32 s7, s2  }
0x1e: {  	s7 =	smul.u32 @!p0 $0xF7A, s2;
	p2 =	seq.s32 @!p0 s5, $0x0  }
0x1f: {  	s9 =	smul.u32 $0xF7A, s1;
	s8 =	simm.s32 @!p0 $0x1BF5;
	p2 =	por !p2, p0  }
0x20: {  	[sflag:s8] =	ssyncset.s32 @!p0 $0xFFFFF086;
	s6 =	sadd.s32 @!p0 s3, s7;
	s7 =	simm.s32 @!p0 $0x108  }
0x21: {  	s3 =	sadd.s32 s3, s9;
	s6 =	sadd.s32 @!p0 $0x88, s6;
	s7 =	simm.s32 @p2 $0x1082  }
0x22: {  	[simem:s7], [sflag:s8] =	dma.local @!p0 [hbm:s6], $0xF7A  }
0x23: {  	s9 =	sor.u32 $0xD0000000, s2;
	s6 =	simm.s32 $0x108;
	_ =	swait.ge @!p0 [sflag:s8], $0x0  }
0x24: {  	s3 =	sadd.s32 $0x88, s3;
	s6 =	simm.s32 @!p1 $0x1082;
	[sflag:s4] =	ssyncset.s32 $0xFFFFF086  }
0x25: {  	[simem:s6], [sflag:s4] =	dma.local [hbm:s3], $0xF7A  }
0x26: {  	[smem:$0x3F92] =	sst s1;
	(tag) =	ssettag s2;
	_ =	strace s9  }
0x27: {  	s1 =	sld [smem:$0x3FA2]  }
0x28: {  	s2 =	sld [smem:$0x3FA3]  }
0x29: {  	s4 =	sld [smem:$0x3FA5]  }
0x2a: {  	p0 =	seq.s32 s5, $0x0;
	s5 =	sld [smem:$0x3FA6]  }
0x2b: {  	s6 =	sld [smem:$0x3FA7]  }
0x2c: {  	s7 =	sld [smem:$0x3FA8]  }
0x2d: {  	s3 =	simm.s32 $0x108;
	s8 =	sld [smem:$0x3FA9]  }
0x2e: {  	s3 =	simm.s32 @!p0 $0x1082;
	s9 =	sld [smem:$0x3FAA]  }
0x2f: {  	lr =	sadd.s32 s0, s3;
	s0 =	sld [smem:$0x3FA1]  }
0x30: {  	s3 =	sld [smem:$0x3FA4]  }
0x31: {  	[smem:$0x3FAD] =	sst s10  }
0x32: {  	s10 =	sld [smem:$0x3FAB];
	_ =	sdelay $0x3  }
0x33: {  	p0 =	seq.s32 s10, $0x1;
	s10 =	sld [smem:$0x3FAD];
	_ =	sdelay $0x3  }
0x34: {  	[smem:$0x3FAD] =	sst s10  }
0x35: {  	s10 =	sld [smem:$0x3FAC];
	_ =	sdelay $0x3  }
0x36: {  	p1 =	seq.s32 s10, $0x1;
	s10 =	sld [smem:$0x3FAD];
	_ =	sdelay $0x3  }
0x37: {  	[smem:$0x3FAD] =	sst s10  }
0x38: {  	s10 =	sld [smem:$0x3FAE]  }
0x39: {  	_ = 	snop;
	(pc) =	sbr.ind lr, $3  }
0x3a: {  	_ = 	snop  }
0x3b: {  	_ = 	snop  }
0x3c: {  	p2 =	seq.s32 s10, $0x1;
	s10 =	sld [smem:$0x3FAD]  }
0x3d: {  	_ =	shalt  }
0x3e: {  	_ =	shalt  }
0x3f: {  	_ =	shalt  }
0x40: {  	_ =	shalt  }
0x41: {  	_ =	shalt  }
0x42: {  	_ =	shalt  }
0x43: {  	_ =	shalt  }
0x44: {  	_ =	shalt  }
0x45: {  	_ =	shalt  }
0x46: {  	_ =	shalt  }
0x47: {  	_ =	shalt  }
0x48: {  	_ =	shalt  }
0x49: {  	_ =	shalt  }
0x4a: {  	_ =	shalt  }
0x4b: {  	_ =	shalt  }
0x4c: {  	_ =	shalt  }
0x4d: {  	_ =	shalt  }
0x4e: {  	_ =	shalt  }
0x4f: {  	_ =	shalt  }
0x50: {  	_ =	shalt  }
0x51: {  	_ =	shalt  }
0x52: {  	_ =	shalt  }
0x53: {  	_ =	shalt  }
0x54: {  	_ =	shalt  }
0x55: {  	_ =	shalt  }
0x56: {  	_ =	shalt  }
0x57: {  	_ =	shalt  }
0x58: {  	_ =	shalt  }
0x59: {  	_ =	shalt  }
0x5a: {  	_ =	shalt  }
0x5b: {  	_ =	shalt  }
0x5c: {  	_ =	shalt  }
0x5d: {  	_ =	shalt  }
0x5e: {  	_ =	shalt  }
0x5f: {  	_ =	shalt  }
0x60: {  	_ =	shalt  }
0x61: {  	_ =	shalt  }
0x62: {  	_ =	shalt  }
0x63: {  	_ =	shalt  }
0x64: {  	_ =	shalt  }
0x65: {  	_ =	shalt  }
0x66: {  	_ =	shalt  }
0x67: {  	_ =	shalt  }
0x68: {  	_ =	shalt  }
0x69: {  	_ =	shalt  }
0x6a: {  	_ =	shalt  }
0x6b: {  	_ =	shalt  }
0x6c: {  	_ =	shalt  }
0x6d: {  	_ =	shalt  }
0x6e: {  	_ =	shalt  }
0x6f: {  	_ =	shalt  }
0x70: {  	_ =	shalt  }
0x71: {  	_ =	shalt  }
0x72: {  	_ =	shalt  }
0x73: {  	_ =	shalt  }
0x74: {  	_ =	shalt  }
0x75: {  	_ =	shalt  }
0x76: {  	_ =	shalt  }
0x77: {  	_ =	shalt  }
0x78: {  	_ =	shalt  }
0x79: {  	_ =	shalt  }
0x7a: {  	_ =	shalt  }
0x7b: {  	_ =	shalt  }
0x7c: {  	_ =	shalt  }
0x7d: {  	_ =	shalt  }
0x7e: {  	_ =	shalt  }
0x7f: {  	_ =	shalt  }
0x80: {  	_ =	shalt  }
0x81: {  	_ =	shalt  }
0x82: {  	_ =	shalt  }
0x83: {  	_ =	shalt  }
0x84: {  	_ =	shalt  }
0x85: {  	_ =	shalt  }
0x86: {  	_ =	shalt  }
0x87: {  	_ =	shalt  }
.Lfunc_end0:
.L_simem_size_0:
called_computation.1_lowered:
.L_overlay_start_0:
0x88: {  	s2 =	sld [smem:$0x3FD9]  }
0x89: {  	s3 =	sld [smem:$0x3FFE];
	_ =	sdelay $0x1  }
0x8a: {  	s1 =	srdreg.scid  }
0x8b: {  	s0 =	sand.u32 $0x1, s1  }
0x8c: {  	s14 =	sshll.u32 s0, $0xA;
	s2 =	sadd.s32 s3, s2  }
0x8d: {  	s2 =	sadd.s32 s2, s14  }
0x8e: {  	[smem:$0x3FB9] =	sst s2  }
0x8f: {  	_ = 	snop  }
0x90: {  	s2 =	sld [smem:$0x3FD0];
	_ =	sdelay $0x2  }
0x91: {  	s15 =	simm.s32 $0xA;
	s4 =	simm.s32 $0x10  }
0x92: {  	[smem:s4], [sflag:s15] =	dma.local [hbm:s2], $0x1  }
0x93: {  	_ =	swait.eq [sflag:s15], $0x1  }
0x94: {  	[sflag:s15] =	ssyncset.done $0x0  }
0x95: {  	[sflag:s15] =	ssyncadd.s32 $0xFFFFFFFF  }
0x96: {  	s16 =	sld [smem:$0x12];
	(tm) =	ssettm $0x1  }
0x97: {  	s17 =	sld [smem:$0x3FFB];
	_ =	sdelay $0x3  }
0x98: {  	_ =	strace s17  }
0x99: {  	s3 =	sld [smem:$0x3FFC];
	_ =	sdelay $0x3  }
0x9a: {  	_ =	strace s3  }
0x9b: {  	s3 =	sld [smem:$0x3FFD];
	_ =	sdelay $0x3  }
0x9c: {  	_ =	strace s3  }
0x9d: {  	_ =	strace $0x8FFFFFFF  }
0x9e: {  	s18 =	sld [smem:$0x3FDB];
	_ =	sdelay $0x1  }
0x9f: {  	s19 =	simm.s32 $_scs_section_size  }
0xa0: {  	s5 =	simm.s32 $_size__tile_overlayer_lowered;
	s6 =	simm.s32 $_tile_overlayer_lowered  }
0xa1: {  	s22 =	simm.s32 $0x1BFF;
	s21 =	sshll.u32 s6, $0x1;
	s3 =	sadd.s32 s19, s18  }
0xa2: {  	s7 =	simm.s32 $0x0;
	s20 =	sshll.u32 s5, $0x1;
	s5 =	sadd.s32 s21, s3  }
0xa3: {  	[timem:s7], [sflag:s22] =	dma.local [hbm:s5], s20  }
0xa4: {  	_ =	swait.ge [sflag:s22], s20  }
0xa5: {  	s4 =	ssub.s32 $0x0, s20;
	[sflag:s22] =	ssyncset.done $0x0  }
0xa6: {  	[sflag:s22] =	ssyncadd.s32 s4;
	_ =	sdelay $0x1  }
0xa7: {  	s23 =	simm.s32 $0x1B8B  }
0xa8: {  	_ =	swait.ge [sflag:s23], $0x1  }
0xa9: {  	[sflag:s23] =	ssyncset.done $0x0  }
0xaa: {  	s25 =	simm.s32 $0x1B8E;
	s24 =	sld [smem:$0x3FFE];
	[sflag:s23] =	ssyncadd.s32 $0xFFFFFFFF  }
0xab: {  	s26 =	simm.s32 $execute0_lowered;
	[smem:$0x3FD2] =	sst s25  }
0xac: {  	s5 =	sshll.u32 s26, $0x1;
	_ =	strace $0x80000049;
	[dreg:$0x1] =	wrdreg $0xFFFFFFFF  }
0xad: {  	s28 =	simm.s32 $_size_execute0_lowered;
	s3 =	sadd.s32 s3, s5;
	[dreg:$0x0] =	wrdreg $0x0  }
0xae: {  	s5 =	sshll.u32 s28, $0x1;
	[dreg:$0x2] =	wrdreg s3  }
0xaf: {  	[dreg:$0x3] =	wrdreg s5  }
0xb0: {  	[dreg:$0x4] =	wrdreg $0xC0  }
0xb1: {  	_ =	task [dreg:s7], $0x5FFFF  }
0xb2: {  	[dreg:$0x1] =	wrdreg $0xFFFFFFFF  }
0xb3: {  	[dreg:$0x0] =	wrdreg $0x60  }
0xb4: {  	[dreg:$0x2] =	wrdreg s24  }
0xb5: {  	[dreg:$0x3] =	wrdreg s16  }
0xb6: {  	[dreg:$0x4] =	wrdreg $0x9  }
0xb7: {  	_ =	task.clear_ibuf [dreg:s7], $0x5FFFF;
	_ =	strace $0x90000049  }
0xb8: {  	s29 =	simm.s32 $0x9;
	_ =	strace $0x8000004B  }
0xb9: {  	_ =	swait.ge [sflag:s29], $0x1  }
0xba: {  	[sflag:s29] =	ssyncadd.s32 $0xFFFFFFFF  }
0xbb: {  	_ =	strace $0x9000004B  }
0xbc: {  	_ =	sfence  }
0xbd: {  	s30 =	sld [smem:$0x0];
	_ =	sdelay $0x2  }
0xbe: {  	s31 =	sshll.u32 s1, $0xD;
	s1 =	sshrl.u32 s1, $0x2  }
0xbf: {  	s3 =	sand.u32 $0x4000, s31;
	s1 =	sadd.s32 s1, s30  }
0xc0: {  	s0 =	sor.u32 s3, s0;
	s1 =	sshll.u32 s1, $0x11  }
0xc1: {  	s0 =	sor.u32 s1, s0  }
0xc2: {  	s0 =	sadd.s32 $0x8F2B, s0  }
0xc3: {  	[sflag:s0] =	ssyncadd.remote.s32 $0x1  }
0xc4: {  	_ =	sfence.sel $0xFFFF  }
0xc5: {  	[dreg:$0x0] =	wrdreg $0xFFFFFFFF;
	(pc) =	sbr.abs _section_cstart, $3  }
0xc6: {  	[dreg:$0x1] =	wrdreg $0xFFFFFFFF  }
0xc7: {  	_ =	task.clear_ibuf [dreg:s7], $0x2FFFF;
	_ =	strace $0x9FFFFFFF  }
0xc8: {  	(tm) =	ssettm $0x7FFFFFFF  }
0xc9: {  	_ =	shalt  }
tec
execute0_lowered:
.L_overlay_start_1:
0x0: {  	(tag) =	ssettag $0x1  }
0x1: {  	s1 =	srdreg.scid;
	s2 =	stileid.u32  }
0x2: {  	s1 =	sand.u32 $0x1, s1;
	s2 =	sshll.u32 s2, $0x1  }
0x3: {  	s4 =	sor.u32 s1, s2  }
0x4: {  	s0 =	rddreg [dreg:$0x0];
	s5 =	smul.u32 $0x70, s4  }
0x5: {  	s3 =	rddreg [dreg:$0x1];
	s2 =	simm.s32 $0x0;
	s6 =	smul.u32 $0xE000, s4  }
0x6: {  	[smem:$0x7FF] =	sst s2  }
0x7: {  	s4 =	smul.u32 $0x70000, s4;
	s5 =	sadd.s32 s5, s0;
	s6 =	sadd.s32 s3, s6  }
0x8: {  	_ =	strace $0x8000004A;
	s5 =	sadd.s32 $0xC0E00, s5;
	[dreg:$0x1f] =	wrdreg s6  }
0x9: {  	s30 =	sadd.s32 $0x800, s6;
	[dreg:$0x3] =	wrdreg s5  }
0xa: {  	s4 =	sshrl.u32 s4, $0x3;
	s31 =	sadd.s32 $0x1000, s6;
	[dreg:$0x4] =	wrdreg s30  }
0xb: {  	s7 =	sadd.s32 $0x1800, s6;
	s3 =	sadd.s32 s3, s4;
	[dreg:$0x5] =	wrdreg s31  }
0xc: {  	[dreg:$0x6] =	wrdreg s7;
	s4 =	sadd.s32 $0x2000, s3  }
0xd: {  	s8 =	sadd.s32 $0x2800, s3;
	[dreg:$0x7] =	wrdreg s4  }
0xe: {  	s9 =	sadd.s32 $0x3000, s3;
	[dreg:$0x8] =	wrdreg s8  }
0xf: {  	s10 =	sadd.s32 $0x3800, s3;
	[dreg:$0x9] =	wrdreg s9  }
0x10: {  	s11 =	sadd.s32 $0x4000, s3;
	[dreg:$0xa] =	wrdreg s10  }
0x11: {  	s12 =	sadd.s32 $0x4800, s3;
	[dreg:$0xb] =	wrdreg s11  }
0x12: {  	s13 =	sadd.s32 $0x5000, s3;
	[dreg:$0xc] =	wrdreg s12  }
0x13: {  	s14 =	sadd.s32 $0x5800, s3;
	[dreg:$0xd] =	wrdreg s13  }
0x14: {  	s15 =	sadd.s32 $0x6000, s3;
	[dreg:$0xe] =	wrdreg s14  }
0x15: {  	s16 =	sadd.s32 $0x6800, s3;
	[dreg:$0xf] =	wrdreg s15  }
0x16: {  	s17 =	sadd.s32 $0x7000, s3;
	[dreg:$0x10] =	wrdreg s16  }
0x17: {  	s18 =	sadd.s32 $0x7800, s3;
	[dreg:$0x11] =	wrdreg s17  }
0x18: {  	s19 =	sadd.s32 $0x8000, s3;
	[dreg:$0x12] =	wrdreg s18  }
0x19: {  	s20 =	sadd.s32 $0x8800, s3;
	[dreg:$0x13] =	wrdreg s19  }
0x1a: {  	s21 =	sadd.s32 $0x9000, s3;
	[dreg:$0x14] =	wrdreg s20  }
0x1b: {  	s22 =	sadd.s32 $0x9800, s3;
	[dreg:$0x15] =	wrdreg s21  }
0x1c: {  	s23 =	sadd.s32 $0xA000, s3;
	[dreg:$0x16] =	wrdreg s22  }
0x1d: {  	s24 =	sadd.s32 $0xA800, s3;
	[dreg:$0x17] =	wrdreg s23  }
0x1e: {  	s25 =	sadd.s32 $0xB000, s3;
	[dreg:$0x18] =	wrdreg s24  }
0x1f: {  	s26 =	sadd.s32 $0xB800, s3;
	[dreg:$0x19] =	wrdreg s25  }
0x20: {  	s1 =	ssub.s32 $0x2, s1;
	s28 =	sadd.s32 $0xC000, s3;
	[dreg:$0x1a] =	wrdreg s26  }
0x21: {  	s29 =	sadd.s32 $0xC800, s3;
	s30 =	sadd.s32 $0xD000, s3;
	[dreg:$0x1b] =	wrdreg s28  }
0x22: {  	s31 =	sshrl.u32 s1, $0x1;
	s3 =	sadd.s32 $0xD800, s3;
	[dreg:$0x1c] =	wrdreg s29  }
0x23: {  	s5 =	sadd.s32 $0xF00, s0;
	s4 =	sadd.s32 $0xE00, s0;
	[dreg:$0x1d] =	wrdreg s30  }
0x24: {  	s1 =	ssub.s32 s1, s31;
	[dreg:$0x1e] =	wrdreg s3;
	s3 =	simm.s32 $0x380  }
0x25: {  	s16 =	simm.s32 $0x4380;
	s24 =	simm.s32 $0x8380;
	s0 =	simm.s32 $0xC380  }
0x26: {  	v2 =	vlaneseq.u32;
	s14 =	simm.s32 $0x1;
	s15 =	simm.s32 $0x5;
	s17 =	simm.s32 $0x2  }
0x27: {  	vm0 =	vmmov $0xffff;
	v1 =	vshrl.u32 v2, $0x3;
	s18 =	simm.s32 $0x6;
	s19 =	simm.s32 $0x3;
	s20 =	simm.s32 $0x7  }
0x28: {  	v0 =	vand.u32 $0x7, v2;
	v2 =	vor.u32 $0x8, v2;
	v1 =	vmul.u32 $0x8, v1;
	s21 =	simm.s32 $0x4;
	s22 =	simm.s32 $0x8;
	s6 =	smax.u32 s1, $0x1  }
.LBB2_1:
0x29: {  	s23 =	rddreg [dreg:$0x3];
	s13 =	simm.s32 $0x9  }
0x2a: {  	[tilespmem:s2], [sflag:$0x9] =	stream.linear.gather [hbm4b:s23+s2], $0x380, $0x38;
	[tilespmem:$0x10380] =	vst v63  }
0x2b: {  	_ =	swait.ge [sflag:s13], $0x380  }
0x2c: {  	[sflag:s13] =	ssyncset.done $0x0  }
0x2d: {  	[sflag:s13] =	ssyncadd.s32 $0xFFFFFC80  }
0x2e: {  	v3 =	vld [tilespmem:$0x0];
	_ =	sdelay $0x4  }
0x2f: {  	v4 =	vshll.u32 v3, $0x2  }
0x30: {  	v3 =	vand.u32 $0x7, v3;
	v4 =	vand.u32 $0xFFFFFFE0, v4  }
0x31: {  	v3 =	vor.u32 v3, v4  }
0x32: {  	v4 =	vperm.xlane v3, v0;
	_ =	sdelay $0x1  }
0x33: {  	v4 =	vadd.s32 v1, v4;
	_ =	sdelay $0x1  }
0x34: {  	v3 =	vperm.xlane v3, v2;
	_ =	sdelay $0x1  }
0x35: {  	v3 =	vadd.s32 v1, v3  }
0x36: {  	[tilespmem:s3], [sflag:$0x1] =	stream.indirect_vreg.gather [hbm4b:s4+s2], $0x80, v4, vm0, $0xb8;
	[tilespmem:$0x10380] =	vst v63  }
0x37: {  	s1 =	simm.s32 $0xB80  }
0x38: {  	[tilespmem:s1], [sflag:$0x1] =	stream.indirect_vreg.gather [hbm4b:s5+s2], $0x80, v4, vm0, $0xb8;
	[tilespmem:$0x10380] =	vst v63  }
0x39: {  	s25 =	simm.s32 $0x1380  }
0x3a: {  	[tilespmem:s25], [sflag:$0x1] =	stream.indirect_vreg.gather [hbm4b:s4+s2], $0x80, v3, vm0, $0xb8;
	[tilespmem:$0x10380] =	vst v63  }
0x3b: {  	s26 =	simm.s32 $0x1B80  }
0x3c: {  	[tilespmem:s26], [sflag:$0x1] =	stream.indirect_vreg.gather [hbm4b:s5+s2], $0x80, v3, vm0, $0xb8;
	[tilespmem:$0x10380] =	vst v63  }
0x3d: {  	v3 =	vld [tilespmem:$0x10];
	_ =	sdelay $0x4  }
0x3e: {  	v9 =	vshll.u32 v3, $0x2  }
0x3f: {  	v3 =	vand.u32 $0x7, v3;
	v4 =	vand.u32 $0xFFFFFFE0, v9  }
0x40: {  	v3 =	vor.u32 v3, v4  }
0x41: {  	v4 =	vperm.xlane v3, v0;
	_ =	sdelay $0x1  }
0x42: {  	v4 =	vadd.s32 v1, v4;
	_ =	sdelay $0x1  }
0x43: {  	v3 =	vperm.xlane v3, v2;
	_ =	sdelay $0x1  }
0x44: {  	s28 =	simm.s32 $0x2380;
	v3 =	vadd.s32 v1, v3  }
0x45: {  	[tilespmem:s28], [sflag:$0x1] =	stream.indirect_vreg.gather [hbm4b:s4+s2], $0x80, v4, vm0, $0xb8;
	[tilespmem:$0x10380] =	vst v63  }
0x46: {  	s29 =	simm.s32 $0x2B80  }
0x47: {  	[tilespmem:s29], [sflag:$0x1] =	stream.indirect_vreg.gather [hbm4b:s5+s2], $0x80, v4, vm0, $0xb8;
	[tilespmem:$0x10380] =	vst v63  }
0x48: {  	s30 =	simm.s32 $0x3380  }
0x49: {  	[tilespmem:s30], [sflag:$0x1] =	stream.indirect_vreg.gather [hbm4b:s4+s2], $0x80, v3, vm0, $0xb8;
	[tilespmem:$0x10380] =	vst v63  }
0x4a: {  	s7 =	simm.s32 $0x3B80  }
0x4b: {  	[tilespmem:s7], [sflag:$0x1] =	stream.indirect_vreg.gather [hbm4b:s5+s2], $0x80, v3, vm0, $0xb8;
	[tilespmem:$0x10380] =	vst v63  }
0x4c: {  	v3 =	vld [tilespmem:$0x20];
	_ =	sdelay $0x4  }
0x4d: {  	v10 =	vshll.u32 v3, $0x2  }
0x4e: {  	v3 =	vand.u32 $0x7, v3;
	v4 =	vand.u32 $0xFFFFFFE0, v10  }
0x4f: {  	v3 =	vor.u32 v3, v4  }
0x50: {  	v4 =	vperm.xlane v3, v0;
	_ =	sdelay $0x1  }
0x51: {  	v4 =	vadd.s32 v1, v4;
	_ =	sdelay $0x1  }
0x52: {  	v3 =	vperm.xlane v3, v2;
	_ =	sdelay $0x1  }
0x53: {  	v3 =	vadd.s32 v1, v3  }
0x54: {  	[tilespmem:s16], [sflag:$0x2] =	stream.indirect_vreg.gather [hbm4b:s4+s2], $0x80, v4, vm0, $0xb8;
	[tilespmem:$0x10380] =	vst v63  }
0x55: {  	s8 =	simm.s32 $0x4B80  }
0x56: {  	[tilespmem:s8], [sflag:$0x2] =	stream.indirect_vreg.gather [hbm4b:s5+s2], $0x80, v4, vm0, $0xb8;
	[tilespmem:$0x10380] =	vst v63  }
0x57: {  	s9 =	simm.s32 $0x5380  }
0x58: {  	[tilespmem:s9], [sflag:$0x2] =	stream.indirect_vreg.gather [hbm4b:s4+s2], $0x80, v3, vm0, $0xb8;
	[tilespmem:$0x10380] =	vst v63  }
0x59: {  	s11 =	simm.s32 $0x5B80  }
0x5a: {  	[tilespmem:s11], [sflag:$0x2] =	stream.indirect_vreg.gather [hbm4b:s5+s2], $0x80, v3, vm0, $0xb8;
	[tilespmem:$0x10380] =	vst v63  }
0x5b: {  	v3 =	vld [tilespmem:$0x30];
	_ =	sdelay $0x4  }
0x5c: {  	v11 =	vshll.u32 v3, $0x2  }
0x5d: {  	v3 =	vand.u32 $0x7, v3;
	v4 =	vand.u32 $0xFFFFFFE0, v11  }
0x5e: {  	v3 =	vor.u32 v3, v4  }
0x5f: {  	v4 =	vperm.xlane v3, v0;
	_ =	sdelay $0x1  }
0x60: {  	v4 =	vadd.s32 v1, v4;
	_ =	sdelay $0x1  }
0x61: {  	v3 =	vperm.xlane v3, v2;
	_ =	sdelay $0x1  }
0x62: {  	s12 =	simm.s32 $0x6380;
	v3 =	vadd.s32 v1, v3  }
0x63: {  	[tilespmem:s12], [sflag:$0x2] =	stream.indirect_vreg.gather [hbm4b:s4+s2], $0x80, v4, vm0, $0xb8;
	[tilespmem:$0x10380] =	vst v63  }
0x64: {  	s23 =	simm.s32 $0x6B80  }
0x65: {  	[tilespmem:s23], [sflag:$0x2] =	stream.indirect_vreg.gather [hbm4b:s5+s2], $0x80, v4, vm0, $0xb8;
	[tilespmem:$0x10380] =	vst v63  }
0x66: {  	s25 =	simm.s32 $0x7380  }
0x67: {  	[tilespmem:s25], [sflag:$0x2] =	stream.indirect_vreg.gather [hbm4b:s4+s2], $0x80, v3, vm0, $0xb8;
	[tilespmem:$0x10380] =	vst v63  }
0x68: {  	s30 =	simm.s32 $0x7B80  }
0x69: {  	[tilespmem:s30], [sflag:$0x2] =	stream.indirect_vreg.gather [hbm4b:s5+s2], $0x80, v3, vm0, $0xb8;
	[tilespmem:$0x10380] =	vst v63  }
0x6a: {  	v3 =	vld [tilespmem:$0x40];
	_ =	sdelay $0x4  }
0x6b: {  	v12 =	vshll.u32 v3, $0x2  }
0x6c: {  	v3 =	vand.u32 $0x7, v3;
	v4 =	vand.u32 $0xFFFFFFE0, v12  }
0x6d: {  	v3 =	vor.u32 v3, v4  }
0x6e: {  	v4 =	vperm.xlane v3, v0;
	_ =	sdelay $0x1  }
0x6f: {  	v4 =	vadd.s32 v1, v4;
	_ =	sdelay $0x1  }
0x70: {  	v3 =	vperm.xlane v3, v2;
	_ =	sdelay $0x1  }
0x71: {  	v3 =	vadd.s32 v1, v3  }
0x72: {  	[tilespmem:s24], [sflag:$0x3] =	stream.indirect_vreg.gather [hbm4b:s4+s2], $0x80, v4, vm0, $0xb8;
	[tilespmem:$0x10380] =	vst v63  }
0x73: {  	s7 =	simm.s32 $0x8B80  }
0x74: {  	[tilespmem:s7], [sflag:$0x3] =	stream.indirect_vreg.gather [hbm4b:s5+s2], $0x80, v4, vm0, $0xb8;
	[tilespmem:$0x10380] =	vst v63  }
0x75: {  	s9 =	simm.s32 $0x9380  }
0x76: {  	[tilespmem:s9], [sflag:$0x3] =	stream.indirect_vreg.gather [hbm4b:s4+s2], $0x80, v3, vm0, $0xb8;
	[tilespmem:$0x10380] =	vst v63  }
0x77: {  	s11 =	simm.s32 $0x9B80  }
0x78: {  	[tilespmem:s11], [sflag:$0x3] =	stream.indirect_vreg.gather [hbm4b:s5+s2], $0x80, v3, vm0, $0xb8;
	[tilespmem:$0x10380] =	vst v63  }
0x79: {  	v3 =	vld [tilespmem:$0x50];
	_ =	sdelay $0x4  }
0x7a: {  	v13 =	vshll.u32 v3, $0x2  }
0x7b: {  	v3 =	vand.u32 $0x7, v3;
	v4 =	vand.u32 $0xFFFFFFE0, v13  }
0x7c: {  	v3 =	vor.u32 v3, v4  }
0x7d: {  	v4 =	vperm.xlane v3, v0;
	_ =	sdelay $0x1  }
0x7e: {  	v4 =	vadd.s32 v1, v4;
	_ =	sdelay $0x1  }
0x7f: {  	v3 =	vperm.xlane v3, v2;
	_ =	sdelay $0x1  }
0x80: {  	s12 =	simm.s32 $0xA380;
	v3 =	vadd.s32 v1, v3  }
0x81: {  	[tilespmem:s12], [sflag:$0x3] =	stream.indirect_vreg.gather [hbm4b:s4+s2], $0x80, v4, vm0, $0xb8;
	[tilespmem:$0x10380] =	vst v63  }
0x82: {  	s23 =	simm.s32 $0xAB80  }
0x83: {  	[tilespmem:s23], [sflag:$0x3] =	stream.indirect_vreg.gather [hbm4b:s5+s2], $0x80, v4, vm0, $0xb8;
	[tilespmem:$0x10380] =	vst v63  }
0x84: {  	s30 =	simm.s32 $0xB380  }
0x85: {  	[tilespmem:s30], [sflag:$0x3] =	stream.indirect_vreg.gather [hbm4b:s4+s2], $0x80, v3, vm0, $0xb8;
	[tilespmem:$0x10380] =	vst v63  }
0x86: {  	s7 =	simm.s32 $0xBB80  }
0x87: {  	[tilespmem:s7], [sflag:$0x3] =	stream.indirect_vreg.gather [hbm4b:s5+s2], $0x80, v3, vm0, $0xb8;
	[tilespmem:$0x10380] =	vst v63  }
0x88: {  	v3 =	vld [tilespmem:$0x60];
	_ =	sdelay $0x4  }
0x89: {  	v14 =	vshll.u32 v3, $0x2  }
0x8a: {  	v3 =	vand.u32 $0x7, v3;
	v4 =	vand.u32 $0xFFFFFFE0, v14  }
0x8b: {  	v3 =	vor.u32 v3, v4  }
0x8c: {  	v4 =	vperm.xlane v3, v0;
	_ =	sdelay $0x1  }
0x8d: {  	v4 =	vadd.s32 v1, v4;
	_ =	sdelay $0x1  }
0x8e: {  	v3 =	vperm.xlane v3, v2;
	_ =	sdelay $0x1  }
0x8f: {  	v3 =	vadd.s32 v1, v3  }
0x90: {  	[tilespmem:s0], [sflag:$0x4] =	stream.indirect_vreg.gather [hbm4b:s4+s2], $0x80, v4, vm0, $0xb8;
	[tilespmem:$0x10380] =	vst v63  }
0x91: {  	s9 =	simm.s32 $0xCB80  }
0x92: {  	[tilespmem:s9], [sflag:$0x4] =	stream.indirect_vreg.gather [hbm4b:s5+s2], $0x80, v4, vm0, $0xb8;
	[tilespmem:$0x10380] =	vst v63  }
0x93: {  	s11 =	simm.s32 $0xD380  }
0x94: {  	[tilespmem:s11], [sflag:$0x4] =	stream.indirect_vreg.gather [hbm4b:s4+s2], $0x80, v3, vm0, $0xb8;
	[tilespmem:$0x10380] =	vst v63  }
0x95: {  	s12 =	simm.s32 $0xDB80  }
0x96: {  	[tilespmem:s12], [sflag:$0x4] =	stream.indirect_vreg.gather [hbm4b:s5+s2], $0x80, v3, vm0, $0xb8;
	[tilespmem:$0x10380] =	vst v63  }
0x97: {  	v3 =	vld [tilespmem:$0x70];
	_ =	sdelay $0x4  }
0x98: {  	v15 =	vshll.u32 v3, $0x2  }
0x99: {  	v3 =	vand.u32 $0x7, v3;
	v4 =	vand.u32 $0xFFFFFFE0, v15  }
0x9a: {  	v3 =	vor.u32 v3, v4  }
0x9b: {  	v4 =	vperm.xlane v3, v0;
	_ =	sdelay $0x1  }
0x9c: {  	v4 =	vadd.s32 v1, v4;
	_ =	sdelay $0x1  }
0x9d: {  	v3 =	vperm.xlane v3, v2;
	_ =	sdelay $0x1  }
0x9e: {  	s30 =	simm.s32 $0xE380;
	v3 =	vadd.s32 v1, v3  }
0x9f: {  	[tilespmem:s30], [sflag:$0x4] =	stream.indirect_vreg.gather [hbm4b:s4+s2], $0x80, v4, vm0, $0xb8;
	[tilespmem:$0x10380] =	vst v63  }
0xa0: {  	s9 =	simm.s32 $0xEB80  }
0xa1: {  	[tilespmem:s9], [sflag:$0x4] =	stream.indirect_vreg.gather [hbm4b:s5+s2], $0x80, v4, vm0, $0xb8;
	[tilespmem:$0x10380] =	vst v63  }
0xa2: {  	s11 =	simm.s32 $0xF380  }
0xa3: {  	[tilespmem:s11], [sflag:$0x4] =	stream.indirect_vreg.gather [hbm4b:s4+s2], $0x80, v3, vm0, $0xb8;
	[tilespmem:$0x10380] =	vst v63  }
0xa4: {  	s12 =	simm.s32 $0xFB80  }
0xa5: {  	[tilespmem:s12], [sflag:$0x4] =	stream.indirect_vreg.gather [hbm4b:s5+s2], $0x80, v3, vm0, $0xb8;
	[tilespmem:$0x10380] =	vst v63  }
0xa6: {  	_ =	swait.ge [sflag:s14], $0x4000  }
0xa7: {  	[sflag:s14] =	ssyncset.done $0x0  }
0xa8: {  	s30 =	rddreg [dreg:$0x1f];
	[sflag:s14] =	ssyncadd.s32 $0xFFFFC000  }
0xa9: {  	[hbm4b:s30+s2] =	stream.linear.scatter [tilespmem:s3], [sflag:$0x5], $0x4000, $0x38;
	[tilespmem:$0x10380] =	vst v63  }
0xaa: {  	_ =	swait.ge [sflag:s15], $0x4000  }
0xab: {  	[sflag:s15] =	ssyncset.done $0x0  }
0xac: {  	[sflag:s15] =	ssyncadd.s32 $0xFFFFC000  }
0xad: {  	v3 =	vld [tilespmem:$0x80];
	_ =	sdelay $0x4  }
0xae: {  	v16 =	vshll.u32 v3, $0x2  }
0xaf: {  	v3 =	vand.u32 $0x7, v3;
	v4 =	vand.u32 $0xFFFFFFE0, v16  }
0xb0: {  	v3 =	vor.u32 v3, v4  }
0xb1: {  	v4 =	vperm.xlane v3, v0;
	_ =	sdelay $0x1  }
0xb2: {  	v4 =	vadd.s32 v1, v4;
	_ =	sdelay $0x1  }
0xb3: {  	v3 =	vperm.xlane v3, v2;
	_ =	sdelay $0x1  }
0xb4: {  	v3 =	vadd.s32 v1, v3  }
0xb5: {  	[tilespmem:s3], [sflag:$0x1] =	stream.indirect_vreg.gather [hbm4b:s4+s2], $0x80, v4, vm0, $0xb8;
	[tilespmem:$0x10380] =	vst v63  }
0xb6: {  	s31 =	simm.s32 $0xB80  }
0xb7: {  	[tilespmem:s31], [sflag:$0x1] =	stream.indirect_vreg.gather [hbm4b:s5+s2], $0x80, v4, vm0, $0xb8;
	[tilespmem:$0x10380] =	vst v63  }
0xb8: {  	s9 =	simm.s32 $0x1380  }
0xb9: {  	[tilespmem:s9], [sflag:$0x1] =	stream.indirect_vreg.gather [hbm4b:s4+s2], $0x80, v3, vm0, $0xb8;
	[tilespmem:$0x10380] =	vst v63  }
0xba: {  	s10 =	simm.s32 $0x1B80  }
0xbb: {  	[tilespmem:s10], [sflag:$0x1] =	stream.indirect_vreg.gather [hbm4b:s5+s2], $0x80, v3, vm0, $0xb8;
	[tilespmem:$0x10380] =	vst v63  }
0xbc: {  	v3 =	vld [tilespmem:$0x90];
	_ =	sdelay $0x4  }
0xbd: {  	v17 =	vshll.u32 v3, $0x2  }
0xbe: {  	v3 =	vand.u32 $0x7, v3;
	v4 =	vand.u32 $0xFFFFFFE0, v17  }
0xbf: {  	v3 =	vor.u32 v3, v4  }
0xc0: {  	v4 =	vperm.xlane v3, v0;
	_ =	sdelay $0x1  }
0xc1: {  	v4 =	vadd.s32 v1, v4;
	_ =	sdelay $0x1  }
0xc2: {  	v3 =	vperm.xlane v3, v2;
	_ =	sdelay $0x1  }
0xc3: {  	s10 =	simm.s32 $0x2380;
	v3 =	vadd.s32 v1, v3  }
0xc4: {  	[tilespmem:s10], [sflag:$0x1] =	stream.indirect_vreg.gather [hbm4b:s4+s2], $0x80, v4, vm0, $0xb8;
	[tilespmem:$0x10380] =	vst v63  }
0xc5: {  	s11 =	simm.s32 $0x2B80  }
0xc6: {  	[tilespmem:s11], [sflag:$0x1] =	stream.indirect_vreg.gather [hbm4b:s5+s2], $0x80, v4, vm0, $0xb8;
	[tilespmem:$0x10380] =	vst v63  }
0xc7: {  	s12 =	simm.s32 $0x3380  }
0xc8: {  	[tilespmem:s12], [sflag:$0x1] =	stream.indirect_vreg.gather [hbm4b:s4+s2], $0x80, v3, vm0, $0xb8;
	[tilespmem:$0x10380] =	vst v63  }
0xc9: {  	s30 =	simm.s32 $0x3B80  }
0xca: {  	[tilespmem:s30], [sflag:$0x1] =	stream.indirect_vreg.gather [hbm4b:s5+s2], $0x80, v3, vm0, $0xb8;
	[tilespmem:$0x10380] =	vst v63  }
0xcb: {  	_ =	swait.ge [sflag:s17], $0x4000  }
0xcc: {  	[sflag:s17] =	ssyncset.done $0x0  }
0xcd: {  	s31 =	rddreg [dreg:$0x4];
	[sflag:s17] =	ssyncadd.s32 $0xFFFFC000  }
0xce: {  	[hbm4b:s31+s2] =	stream.linear.scatter [tilespmem:s16], [sflag:$0x6], $0x4000, $0x38;
	[tilespmem:$0x10380] =	vst v63  }
0xcf: {  	_ =	swait.ge [sflag:s18], $0x4000  }
0xd0: {  	[sflag:s18] =	ssyncset.done $0x0  }
0xd1: {  	[sflag:s18] =	ssyncadd.s32 $0xFFFFC000  }
0xd2: {  	v3 =	vld [tilespmem:$0xA0];
	_ =	sdelay $0x4  }
0xd3: {  	v18 =	vshll.u32 v3, $0x2  }
0xd4: {  	v3 =	vand.u32 $0x7, v3;
	v4 =	vand.u32 $0xFFFFFFE0, v18  }
0xd5: {  	v3 =	vor.u32 v3, v4  }
0xd6: {  	v4 =	vperm.xlane v3, v0;
	_ =	sdelay $0x1  }
0xd7: {  	v4 =	vadd.s32 v1, v4;
	_ =	sdelay $0x1  }
0xd8: {  	v3 =	vperm.xlane v3, v2;
	_ =	sdelay $0x1  }
0xd9: {  	v3 =	vadd.s32 v1, v3  }
0xda: {  	[tilespmem:s16], [sflag:$0x2] =	stream.indirect_vreg.gather [hbm4b:s4+s2], $0x80, v4, vm0, $0xb8;
	[tilespmem:$0x10380] =	vst v63  }
0xdb: {  	s8 =	simm.s32 $0x4B80  }
0xdc: {  	[tilespmem:s8], [sflag:$0x2] =	stream.indirect_vreg.gather [hbm4b:s5+s2], $0x80, v4, vm0, $0xb8;
	[tilespmem:$0x10380] =	vst v63  }
0xdd: {  	s13 =	simm.s32 $0x5380  }
0xde: {  	[tilespmem:s13], [sflag:$0x2] =	stream.indirect_vreg.gather [hbm4b:s4+s2], $0x80, v3, vm0, $0xb8;
	[tilespmem:$0x10380] =	vst v63  }
0xdf: {  	s29 =	simm.s32 $0x5B80  }
0xe0: {  	[tilespmem:s29], [sflag:$0x2] =	stream.indirect_vreg.gather [hbm4b:s5+s2], $0x80, v3, vm0, $0xb8;
	[tilespmem:$0x10380] =	vst v63  }
0xe1: {  	v3 =	vld [tilespmem:$0xB0];
	_ =	sdelay $0x4  }
0xe2: {  	v19 =	vshll.u32 v3, $0x2  }
0xe3: {  	v3 =	vand.u32 $0x7, v3;
	v4 =	vand.u32 $0xFFFFFFE0, v19  }
0xe4: {  	v3 =	vor.u32 v3, v4  }
0xe5: {  	v4 =	vperm.xlane v3, v0;
	_ =	sdelay $0x1  }
0xe6: {  	v4 =	vadd.s32 v1, v4;
	_ =	sdelay $0x1  }
0xe7: {  	v3 =	vperm.xlane v3, v2;
	_ =	sdelay $0x1  }
0xe8: {  	s26 =	simm.s32 $0x6380;
	v3 =	vadd.s32 v1, v3  }
0xe9: {  	[tilespmem:s26], [sflag:$0x2] =	stream.indirect_vreg.gather [hbm4b:s4+s2], $0x80, v4, vm0, $0xb8;
	[tilespmem:$0x10380] =	vst v63  }
0xea: {  	s28 =	simm.s32 $0x6B80  }
0xeb: {  	[tilespmem:s28], [sflag:$0x2] =	stream.indirect_vreg.gather [hbm4b:s5+s2], $0x80, v4, vm0, $0xb8;
	[tilespmem:$0x10380] =	vst v63  }
0xec: {  	s29 =	simm.s32 $0x7380  }
0xed: {  	[tilespmem:s29], [sflag:$0x2] =	stream.indirect_vreg.gather [hbm4b:s4+s2], $0x80, v3, vm0, $0xb8;
	[tilespmem:$0x10380] =	vst v63  }
0xee: {  	s31 =	simm.s32 $0x7B80  }
0xef: {  	[tilespmem:s31], [sflag:$0x2] =	stream.indirect_vreg.gather [hbm4b:s5+s2], $0x80, v3, vm0, $0xb8;
	[tilespmem:$0x10380] =	vst v63  }
0xf0: {  	_ =	swait.ge [sflag:s19], $0x4000  }
0xf1: {  	[sflag:s19] =	ssyncset.done $0x0  }
0xf2: {  	s28 =	rddreg [dreg:$0x5];
	[sflag:s19] =	ssyncadd.s32 $0xFFFFC000  }
0xf3: {  	[hbm4b:s28+s2] =	stream.linear.scatter [tilespmem:s24], [sflag:$0x7], $0x4000, $0x38;
	[tilespmem:$0x10380] =	vst v63  }
0xf4: {  	_ =	swait.ge [sflag:s20], $0x4000  }
0xf5: {  	[sflag:s20] =	ssyncset.done $0x0  }
0xf6: {  	[sflag:s20] =	ssyncadd.s32 $0xFFFFC000  }
0xf7: {  	v3 =	vld [tilespmem:$0xC0];
	_ =	sdelay $0x4  }
0xf8: {  	v20 =	vshll.u32 v3, $0x2  }
0xf9: {  	v3 =	vand.u32 $0x7, v3;
	v4 =	vand.u32 $0xFFFFFFE0, v20  }
0xfa: {  	v3 =	vor.u32 v3, v4  }
0xfb: {  	v4 =	vperm.xlane v3, v0;
	_ =	sdelay $0x1  }
0xfc: {  	v4 =	vadd.s32 v1, v4;
	_ =	sdelay $0x1  }
0xfd: {  	v3 =	vperm.xlane v3, v2;
	_ =	sdelay $0x1  }
0xfe: {  	v3 =	vadd.s32 v1, v3  }
0xff: {  	[tilespmem:s24], [sflag:$0x3] =	stream.indirect_vreg.gather [hbm4b:s4+s2], $0x80, v4, vm0, $0xb8;
	[tilespmem:$0x10380] =	vst v63  }
0x100: {  	s8 =	simm.s32 $0x8B80  }
0x101: {  	[tilespmem:s8], [sflag:$0x3] =	stream.indirect_vreg.gather [hbm4b:s5+s2], $0x80, v4, vm0, $0xb8;
	[tilespmem:$0x10380] =	vst v63  }
0x102: {  	s13 =	simm.s32 $0x9380  }
0x103: {  	[tilespmem:s13], [sflag:$0x3] =	stream.indirect_vreg.gather [hbm4b:s4+s2], $0x80, v3, vm0, $0xb8;
	[tilespmem:$0x10380] =	vst v63  }
0x104: {  	s25 =	simm.s32 $0x9B80  }
0x105: {  	[tilespmem:s25], [sflag:$0x3] =	stream.indirect_vreg.gather [hbm4b:s5+s2], $0x80, v3, vm0, $0xb8;
	[tilespmem:$0x10380] =	vst v63  }
0x106: {  	v3 =	vld [tilespmem:$0xD0];
	_ =	sdelay $0x4  }
0x107: {  	v21 =	vshll.u32 v3, $0x2  }
0x108: {  	v3 =	vand.u32 $0x7, v3;
	v4 =	vand.u32 $0xFFFFFFE0, v21  }
0x109: {  	v3 =	vor.u32 v3, v4  }
0x10a: {  	v4 =	vperm.xlane v3, v0;
	_ =	sdelay $0x1  }
0x10b: {  	v4 =	vadd.s32 v1, v4;
	_ =	sdelay $0x1  }
0x10c: {  	v3 =	vperm.xlane v3, v2;
	_ =	sdelay $0x1  }
0x10d: {  	s25 =	simm.s32 $0xA380;
	v3 =	vadd.s32 v1, v3  }
0x10e: {  	[tilespmem:s25], [sflag:$0x3] =	stream.indirect_vreg.gather [hbm4b:s4+s2], $0x80, v4, vm0, $0xb8;
	[tilespmem:$0x10380] =	vst v63  }
0x10f: {  	s26 =	simm.s32 $0xAB80  }
0x110: {  	[tilespmem:s26], [sflag:$0x3] =	stream.indirect_vreg.gather [hbm4b:s5+s2], $0x80, v4, vm0, $0xb8;
	[tilespmem:$0x10380] =	vst v63  }
0x111: {  	s28 =	simm.s32 $0xB380  }
0x112: {  	[tilespmem:s28], [sflag:$0x3] =	stream.indirect_vreg.gather [hbm4b:s4+s2], $0x80, v3, vm0, $0xb8;
	[tilespmem:$0x10380] =	vst v63  }
0x113: {  	s1 =	simm.s32 $0xBB80  }
0x114: {  	[tilespmem:s1], [sflag:$0x3] =	stream.indirect_vreg.gather [hbm4b:s5+s2], $0x80, v3, vm0, $0xb8;
	[tilespmem:$0x10380] =	vst v63  }
0x115: {  	_ =	swait.ge [sflag:s21], $0x4000  }
0x116: {  	[sflag:s21] =	ssyncset.done $0x0  }
0x117: {  	s1 =	rddreg [dreg:$0x6];
	[sflag:s21] =	ssyncadd.s32 $0xFFFFC000  }
0x118: {  	[hbm4b:s1+s2] =	stream.linear.scatter [tilespmem:s0], [sflag:$0x8], $0x4000, $0x38;
	[tilespmem:$0x10380] =	vst v63  }
0x119: {  	_ =	swait.ge [sflag:s22], $0x4000  }
0x11a: {  	[sflag:s22] =	ssyncset.done $0x0  }
0x11b: {  	[sflag:s22] =	ssyncadd.s32 $0xFFFFC000  }
0x11c: {  	v3 =	vld [tilespmem:$0xE0];
	_ =	sdelay $0x4  }
0x11d: {  	v22 =	vshll.u32 v3, $0x2  }
0x11e: {  	v3 =	vand.u32 $0x7, v3;
	v4 =	vand.u32 $0xFFFFFFE0, v22  }
0x11f: {  	v3 =	vor.u32 v3, v4  }
0x120: {  	v4 =	vperm.xlane v3, v0;
	_ =	sdelay $0x1  }
0x121: {  	v4 =	vadd.s32 v1, v4;
	_ =	sdelay $0x1  }
0x122: {  	v3 =	vperm.xlane v3, v2;
	_ =	sdelay $0x1  }
0x123: {  	v3 =	vadd.s32 v1, v3  }
0x124: {  	[tilespmem:s0], [sflag:$0x4] =	stream.indirect_vreg.gather [hbm4b:s4+s2], $0x80, v4, vm0, $0xb8;
	[tilespmem:$0x10380] =	vst v63  }
0x125: {  	s23 =	simm.s32 $0xCB80  }
0x126: {  	[tilespmem:s23], [sflag:$0x4] =	stream.indirect_vreg.gather [hbm4b:s5+s2], $0x80, v4, vm0, $0xb8;
	[tilespmem:$0x10380] =	vst v63  }
0x127: {  	s23 =	simm.s32 $0xD380  }
0x128: {  	[tilespmem:s23], [sflag:$0x4] =	stream.indirect_vreg.gather [hbm4b:s4+s2], $0x80, v3, vm0, $0xb8;
	[tilespmem:$0x10380] =	vst v63  }
0x129: {  	s7 =	simm.s32 $0xDB80  }
0x12a: {  	[tilespmem:s7], [sflag:$0x4] =	stream.indirect_vreg.gather [hbm4b:s5+s2], $0x80, v3, vm0, $0xb8;
	[tilespmem:$0x10380] =	vst v63  }
0x12b: {  	v3 =	vld [tilespmem:$0xF0];
	_ =	sdelay $0x4  }
0x12c: {  	v23 =	vshll.u32 v3, $0x2  }
0x12d: {  	v3 =	vand.u32 $0x7, v3;
	v4 =	vand.u32 $0xFFFFFFE0, v23  }
0x12e: {  	v3 =	vor.u32 v3, v4  }
0x12f: {  	v4 =	vperm.xlane v3, v0;
	_ =	sdelay $0x1  }
0x130: {  	v4 =	vadd.s32 v1, v4;
	_ =	sdelay $0x1  }
0x131: {  	v3 =	vperm.xlane v3, v2;
	_ =	sdelay $0x1  }
0x132: {  	s23 =	simm.s32 $0xE380;
	v3 =	vadd.s32 v1, v3  }
0x133: {  	[tilespmem:s23], [sflag:$0x4] =	stream.indirect_vreg.gather [hbm4b:s4+s2], $0x80, v4, vm0, $0xb8;
	[tilespmem:$0x10380] =	vst v63  }
0x134: {  	s23 =	simm.s32 $0xEB80  }
0x135: {  	[tilespmem:s23], [sflag:$0x4] =	stream.indirect_vreg.gather [hbm4b:s5+s2], $0x80, v4, vm0, $0xb8;
	[tilespmem:$0x10380] =	vst v63  }
0x136: {  	s23 =	simm.s32 $0xF380  }
0x137: {  	[tilespmem:s23], [sflag:$0x4] =	stream.indirect_vreg.gather [hbm4b:s4+s2], $0x80, v3, vm0, $0xb8;
	[tilespmem:$0x10380] =	vst v63  }
0x138: {  	s23 =	simm.s32 $0xFB80  }
0x139: {  	[tilespmem:s23], [sflag:$0x4] =	stream.indirect_vreg.gather [hbm4b:s5+s2], $0x80, v3, vm0, $0xb8;
	[tilespmem:$0x10380] =	vst v63  }
0x13a: {  	_ =	swait.ge [sflag:s14], $0x4000  }
0x13b: {  	[sflag:s14] =	ssyncset.done $0x0  }
0x13c: {  	s23 =	rddreg [dreg:$0x7];
	[sflag:s14] =	ssyncadd.s32 $0xFFFFC000  }
0x13d: {  	[hbm4b:s23+s2] =	stream.linear.scatter [tilespmem:s3], [sflag:$0x5], $0x4000, $0x38;
	[tilespmem:$0x10380] =	vst v63  }
0x13e: {  	_ =	swait.ge [sflag:s15], $0x4000  }
0x13f: {  	[sflag:s15] =	ssyncset.done $0x0  }
0x140: {  	[sflag:s15] =	ssyncadd.s32 $0xFFFFC000  }
0x141: {  	v3 =	vld [tilespmem:$0x100];
	_ =	sdelay $0x4  }
0x142: {  	v24 =	vshll.u32 v3, $0x2  }
0x143: {  	v3 =	vand.u32 $0x7, v3;
	v4 =	vand.u32 $0xFFFFFFE0, v24  }
0x144: {  	v3 =	vor.u32 v3, v4  }
0x145: {  	v4 =	vperm.xlane v3, v0;
	_ =	sdelay $0x1  }
0x146: {  	v4 =	vadd.s32 v1, v4;
	_ =	sdelay $0x1  }
0x147: {  	v3 =	vperm.xlane v3, v2;
	_ =	sdelay $0x1  }
0x148: {  	v3 =	vadd.s32 v1, v3  }
0x149: {  	[tilespmem:s3], [sflag:$0x1] =	stream.indirect_vreg.gather [hbm4b:s4+s2], $0x80, v4, vm0, $0xb8;
	[tilespmem:$0x10380] =	vst v63  }
0x14a: {  	s23 =	simm.s32 $0xB80  }
0x14b: {  	[tilespmem:s23], [sflag:$0x1] =	stream.indirect_vreg.gather [hbm4b:s5+s2], $0x80, v4, vm0, $0xb8;
	[tilespmem:$0x10380] =	vst v63  }
0x14c: {  	_ = 	snop  }
0x14d: {  	[tilespmem:s9], [sflag:$0x1] =	stream.indirect_vreg.gather [hbm4b:s4+s2], $0x80, v3, vm0, $0xb8;
	[tilespmem:$0x10380] =	vst v63  }
0x14e: {  	s23 =	simm.s32 $0x1B80  }
0x14f: {  	[tilespmem:s23], [sflag:$0x1] =	stream.indirect_vreg.gather [hbm4b:s5+s2], $0x80, v3, vm0, $0xb8;
	[tilespmem:$0x10380] =	vst v63  }
0x150: {  	v3 =	vld [tilespmem:$0x110];
	_ =	sdelay $0x4  }
0x151: {  	v25 =	vshll.u32 v3, $0x2  }
0x152: {  	v3 =	vand.u32 $0x7, v3;
	v4 =	vand.u32 $0xFFFFFFE0, v25  }
0x153: {  	v3 =	vor.u32 v3, v4  }
0x154: {  	v4 =	vperm.xlane v3, v0;
	_ =	sdelay $0x1  }
0x155: {  	v4 =	vadd.s32 v1, v4;
	_ =	sdelay $0x1  }
0x156: {  	v3 =	vperm.xlane v3, v2;
	_ =	sdelay $0x1  }
0x157: {  	v3 =	vadd.s32 v1, v3  }
0x158: {  	[tilespmem:s10], [sflag:$0x1] =	stream.indirect_vreg.gather [hbm4b:s4+s2], $0x80, v4, vm0, $0xb8;
	[tilespmem:$0x10380] =	vst v63  }
0x159: {  	_ = 	snop  }
0x15a: {  	[tilespmem:s11], [sflag:$0x1] =	stream.indirect_vreg.gather [hbm4b:s5+s2], $0x80, v4, vm0, $0xb8;
	[tilespmem:$0x10380] =	vst v63  }
0x15b: {  	_ = 	snop  }
0x15c: {  	[tilespmem:s12], [sflag:$0x1] =	stream.indirect_vreg.gather [hbm4b:s4+s2], $0x80, v3, vm0, $0xb8;
	[tilespmem:$0x10380] =	vst v63  }
0x15d: {  	_ = 	snop  }
0x15e: {  	[tilespmem:s30], [sflag:$0x1] =	stream.indirect_vreg.gather [hbm4b:s5+s2], $0x80, v3, vm0, $0xb8;
	[tilespmem:$0x10380] =	vst v63  }
0x15f: {  	_ =	swait.ge [sflag:s17], $0x4000  }
0x160: {  	[sflag:s17] =	ssyncset.done $0x0  }
0x161: {  	s11 =	rddreg [dreg:$0x8];
	[sflag:s17] =	ssyncadd.s32 $0xFFFFC000  }
0x162: {  	[hbm4b:s11+s2] =	stream.linear.scatter [tilespmem:s16], [sflag:$0x6], $0x4000, $0x38;
	[tilespmem:$0x10380] =	vst v63  }
0x163: {  	_ =	swait.ge [sflag:s18], $0x4000  }
0x164: {  	[sflag:s18] =	ssyncset.done $0x0  }
0x165: {  	[sflag:s18] =	ssyncadd.s32 $0xFFFFC000  }
0x166: {  	v3 =	vld [tilespmem:$0x120];
	_ =	sdelay $0x4  }
0x167: {  	v26 =	vshll.u32 v3, $0x2  }
0x168: {  	v3 =	vand.u32 $0x7, v3;
	v4 =	vand.u32 $0xFFFFFFE0, v26  }
0x169: {  	v3 =	vor.u32 v3, v4  }
0x16a: {  	v4 =	vperm.xlane v3, v0;
	_ =	sdelay $0x1  }
0x16b: {  	v4 =	vadd.s32 v1, v4;
	_ =	sdelay $0x1  }
0x16c: {  	v3 =	vperm.xlane v3, v2;
	_ =	sdelay $0x1  }
0x16d: {  	v3 =	vadd.s32 v1, v3  }
0x16e: {  	[tilespmem:s16], [sflag:$0x2] =	stream.indirect_vreg.gather [hbm4b:s4+s2], $0x80, v4, vm0, $0xb8;
	[tilespmem:$0x10380] =	vst v63  }
0x16f: {  	s12 =	simm.s32 $0x4B80  }
0x170: {  	[tilespmem:s12], [sflag:$0x2] =	stream.indirect_vreg.gather [hbm4b:s5+s2], $0x80, v4, vm0, $0xb8;
	[tilespmem:$0x10380] =	vst v63  }
0x171: {  	s23 =	simm.s32 $0x5380  }
0x172: {  	[tilespmem:s23], [sflag:$0x2] =	stream.indirect_vreg.gather [hbm4b:s4+s2], $0x80, v3, vm0, $0xb8;
	[tilespmem:$0x10380] =	vst v63  }
0x173: {  	s11 =	simm.s32 $0x5B80  }
0x174: {  	[tilespmem:s11], [sflag:$0x2] =	stream.indirect_vreg.gather [hbm4b:s5+s2], $0x80, v3, vm0, $0xb8;
	[tilespmem:$0x10380] =	vst v63  }
0x175: {  	v3 =	vld [tilespmem:$0x130];
	_ =	sdelay $0x4  }
0x176: {  	v27 =	vshll.u32 v3, $0x2  }
0x177: {  	v3 =	vand.u32 $0x7, v3;
	v4 =	vand.u32 $0xFFFFFFE0, v27  }
0x178: {  	v3 =	vor.u32 v3, v4  }
0x179: {  	v4 =	vperm.xlane v3, v0;
	_ =	sdelay $0x1  }
0x17a: {  	v4 =	vadd.s32 v1, v4;
	_ =	sdelay $0x1  }
0x17b: {  	v3 =	vperm.xlane v3, v2;
	_ =	sdelay $0x1  }
0x17c: {  	s12 =	simm.s32 $0x6380;
	v3 =	vadd.s32 v1, v3  }
0x17d: {  	[tilespmem:s12], [sflag:$0x2] =	stream.indirect_vreg.gather [hbm4b:s4+s2], $0x80, v4, vm0, $0xb8;
	[tilespmem:$0x10380] =	vst v63  }
0x17e: {  	s23 =	simm.s32 $0x6B80  }
0x17f: {  	[tilespmem:s23], [sflag:$0x2] =	stream.indirect_vreg.gather [hbm4b:s5+s2], $0x80, v4, vm0, $0xb8;
	[tilespmem:$0x10380] =	vst v63  }
0x180: {  	_ = 	snop  }
0x181: {  	[tilespmem:s29], [sflag:$0x2] =	stream.indirect_vreg.gather [hbm4b:s4+s2], $0x80, v3, vm0, $0xb8;
	[tilespmem:$0x10380] =	vst v63  }
0x182: {  	_ = 	snop  }
0x183: {  	[tilespmem:s31], [sflag:$0x2] =	stream.indirect_vreg.gather [hbm4b:s5+s2], $0x80, v3, vm0, $0xb8;
	[tilespmem:$0x10380] =	vst v63  }
0x184: {  	_ =	swait.ge [sflag:s19], $0x4000  }
0x185: {  	[sflag:s19] =	ssyncset.done $0x0  }
0x186: {  	s11 =	rddreg [dreg:$0x9];
	[sflag:s19] =	ssyncadd.s32 $0xFFFFC000  }
0x187: {  	[hbm4b:s11+s2] =	stream.linear.scatter [tilespmem:s24], [sflag:$0x7], $0x4000, $0x38;
	[tilespmem:$0x10380] =	vst v63  }
0x188: {  	_ =	swait.ge [sflag:s20], $0x4000  }
0x189: {  	[sflag:s20] =	ssyncset.done $0x0  }
0x18a: {  	[sflag:s20] =	ssyncadd.s32 $0xFFFFC000  }
0x18b: {  	v3 =	vld [tilespmem:$0x140];
	_ =	sdelay $0x4  }
0x18c: {  	v28 =	vshll.u32 v3, $0x2  }
0x18d: {  	v3 =	vand.u32 $0x7, v3;
	v4 =	vand.u32 $0xFFFFFFE0, v28  }
0x18e: {  	v3 =	vor.u32 v3, v4  }
0x18f: {  	v4 =	vperm.xlane v3, v0;
	_ =	sdelay $0x1  }
0x190: {  	v4 =	vadd.s32 v1, v4;
	_ =	sdelay $0x1  }
0x191: {  	v3 =	vperm.xlane v3, v2;
	_ =	sdelay $0x1  }
0x192: {  	v3 =	vadd.s32 v1, v3  }
0x193: {  	[tilespmem:s24], [sflag:$0x3] =	stream.indirect_vreg.gather [hbm4b:s4+s2], $0x80, v4, vm0, $0xb8;
	[tilespmem:$0x10380] =	vst v63  }
0x194: {  	_ = 	snop  }
0x195: {  	[tilespmem:s8], [sflag:$0x3] =	stream.indirect_vreg.gather [hbm4b:s5+s2], $0x80, v4, vm0, $0xb8;
	[tilespmem:$0x10380] =	vst v63  }
0x196: {  	_ = 	snop  }
0x197: {  	[tilespmem:s13], [sflag:$0x3] =	stream.indirect_vreg.gather [hbm4b:s4+s2], $0x80, v3, vm0, $0xb8;
	[tilespmem:$0x10380] =	vst v63  }
0x198: {  	s23 =	simm.s32 $0x9B80  }
0x199: {  	[tilespmem:s23], [sflag:$0x3] =	stream.indirect_vreg.gather [hbm4b:s5+s2], $0x80, v3, vm0, $0xb8;
	[tilespmem:$0x10380] =	vst v63  }
0x19a: {  	v3 =	vld [tilespmem:$0x150];
	_ =	sdelay $0x4  }
0x19b: {  	v29 =	vshll.u32 v3, $0x2  }
0x19c: {  	v3 =	vand.u32 $0x7, v3;
	v4 =	vand.u32 $0xFFFFFFE0, v29  }
0x19d: {  	v3 =	vor.u32 v3, v4  }
0x19e: {  	v4 =	vperm.xlane v3, v0;
	_ =	sdelay $0x1  }
0x19f: {  	v4 =	vadd.s32 v1, v4;
	_ =	sdelay $0x1  }
0x1a0: {  	v3 =	vperm.xlane v3, v2;
	_ =	sdelay $0x1  }
0x1a1: {  	v3 =	vadd.s32 v1, v3  }
0x1a2: {  	[tilespmem:s25], [sflag:$0x3] =	stream.indirect_vreg.gather [hbm4b:s4+s2], $0x80, v4, vm0, $0xb8;
	[tilespmem:$0x10380] =	vst v63  }
0x1a3: {  	_ = 	snop  }
0x1a4: {  	[tilespmem:s26], [sflag:$0x3] =	stream.indirect_vreg.gather [hbm4b:s5+s2], $0x80, v4, vm0, $0xb8;
	[tilespmem:$0x10380] =	vst v63  }
0x1a5: {  	_ = 	snop  }
0x1a6: {  	[tilespmem:s28], [sflag:$0x3] =	stream.indirect_vreg.gather [hbm4b:s4+s2], $0x80, v3, vm0, $0xb8;
	[tilespmem:$0x10380] =	vst v63  }
0x1a7: {  	s28 =	simm.s32 $0xBB80  }
0x1a8: {  	[tilespmem:s28], [sflag:$0x3] =	stream.indirect_vreg.gather [hbm4b:s5+s2], $0x80, v3, vm0, $0xb8;
	[tilespmem:$0x10380] =	vst v63  }
0x1a9: {  	_ =	swait.ge [sflag:s21], $0x4000  }
0x1aa: {  	[sflag:s21] =	ssyncset.done $0x0  }
0x1ab: {  	s25 =	rddreg [dreg:$0xa];
	[sflag:s21] =	ssyncadd.s32 $0xFFFFC000  }
0x1ac: {  	[hbm4b:s25+s2] =	stream.linear.scatter [tilespmem:s0], [sflag:$0x8], $0x4000, $0x38;
	[tilespmem:$0x10380] =	vst v63  }
0x1ad: {  	_ =	swait.ge [sflag:s22], $0x4000  }
0x1ae: {  	[sflag:s22] =	ssyncset.done $0x0  }
0x1af: {  	[sflag:s22] =	ssyncadd.s32 $0xFFFFC000  }
0x1b0: {  	v3 =	vld [tilespmem:$0x160];
	_ =	sdelay $0x4  }
0x1b1: {  	v30 =	vshll.u32 v3, $0x2  }
0x1b2: {  	v3 =	vand.u32 $0x7, v3;
	v4 =	vand.u32 $0xFFFFFFE0, v30  }
0x1b3: {  	v3 =	vor.u32 v3, v4  }
0x1b4: {  	v4 =	vperm.xlane v3, v0;
	_ =	sdelay $0x1  }
0x1b5: {  	v4 =	vadd.s32 v1, v4;
	_ =	sdelay $0x1  }
0x1b6: {  	v3 =	vperm.xlane v3, v2;
	_ =	sdelay $0x1  }
0x1b7: {  	v3 =	vadd.s32 v1, v3  }
0x1b8: {  	[tilespmem:s0], [sflag:$0x4] =	stream.indirect_vreg.gather [hbm4b:s4+s2], $0x80, v4, vm0, $0xb8;
	[tilespmem:$0x10380] =	vst v63  }
0x1b9: {  	s1 =	simm.s32 $0xCB80  }
0x1ba: {  	[tilespmem:s1], [sflag:$0x4] =	stream.indirect_vreg.gather [hbm4b:s5+s2], $0x80, v4, vm0, $0xb8;
	[tilespmem:$0x10380] =	vst v63  }
0x1bb: {  	s26 =	simm.s32 $0xD380  }
0x1bc: {  	[tilespmem:s26], [sflag:$0x4] =	stream.indirect_vreg.gather [hbm4b:s4+s2], $0x80, v3, vm0, $0xb8;
	[tilespmem:$0x10380] =	vst v63  }
0x1bd: {  	s28 =	simm.s32 $0xDB80  }
0x1be: {  	[tilespmem:s28], [sflag:$0x4] =	stream.indirect_vreg.gather [hbm4b:s5+s2], $0x80, v3, vm0, $0xb8;
	[tilespmem:$0x10380] =	vst v63  }
0x1bf: {  	v3 =	vld [tilespmem:$0x170];
	_ =	sdelay $0x4  }
0x1c0: {  	v31 =	vshll.u32 v3, $0x2  }
0x1c1: {  	v3 =	vand.u32 $0x7, v3;
	v4 =	vand.u32 $0xFFFFFFE0, v31  }
0x1c2: {  	v3 =	vor.u32 v3, v4  }
0x1c3: {  	v4 =	vperm.xlane v3, v0;
	_ =	sdelay $0x1  }
0x1c4: {  	v4 =	vadd.s32 v1, v4;
	_ =	sdelay $0x1  }
0x1c5: {  	v3 =	vperm.xlane v3, v2;
	_ =	sdelay $0x1  }
0x1c6: {  	s7 =	simm.s32 $0xE380;
	v3 =	vadd.s32 v1, v3  }
0x1c7: {  	[tilespmem:s7], [sflag:$0x4] =	stream.indirect_vreg.gather [hbm4b:s4+s2], $0x80, v4, vm0, $0xb8;
	[tilespmem:$0x10380] =	vst v63  }
0x1c8: {  	s26 =	simm.s32 $0xEB80  }
0x1c9: {  	[tilespmem:s26], [sflag:$0x4] =	stream.indirect_vreg.gather [hbm4b:s5+s2], $0x80, v4, vm0, $0xb8;
	[tilespmem:$0x10380] =	vst v63  }
0x1ca: {  	s28 =	simm.s32 $0xF380  }
0x1cb: {  	[tilespmem:s28], [sflag:$0x4] =	stream.indirect_vreg.gather [hbm4b:s4+s2], $0x80, v3, vm0, $0xb8;
	[tilespmem:$0x10380] =	vst v63  }
0x1cc: {  	s23 =	simm.s32 $0xFB80  }
0x1cd: {  	[tilespmem:s23], [sflag:$0x4] =	stream.indirect_vreg.gather [hbm4b:s5+s2], $0x80, v3, vm0, $0xb8;
	[tilespmem:$0x10380] =	vst v63  }
0x1ce: {  	_ =	swait.ge [sflag:s14], $0x4000  }
0x1cf: {  	[sflag:s14] =	ssyncset.done $0x0  }
0x1d0: {  	s23 =	rddreg [dreg:$0xb];
	[sflag:s14] =	ssyncadd.s32 $0xFFFFC000  }
0x1d1: {  	[hbm4b:s23+s2] =	stream.linear.scatter [tilespmem:s3], [sflag:$0x5], $0x4000, $0x38;
	[tilespmem:$0x10380] =	vst v63  }
0x1d2: {  	_ =	swait.ge [sflag:s15], $0x4000  }
0x1d3: {  	[sflag:s15] =	ssyncset.done $0x0  }
0x1d4: {  	[sflag:s15] =	ssyncadd.s32 $0xFFFFC000  }
0x1d5: {  	v3 =	vld [tilespmem:$0x180];
	_ =	sdelay $0x4  }
0x1d6: {  	v32 =	vshll.u32 v3, $0x2  }
0x1d7: {  	v3 =	vand.u32 $0x7, v3;
	v4 =	vand.u32 $0xFFFFFFE0, v32  }
0x1d8: {  	v3 =	vor.u32 v3, v4  }
0x1d9: {  	v4 =	vperm.xlane v3, v0;
	_ =	sdelay $0x1  }
0x1da: {  	v4 =	vadd.s32 v1, v4;
	_ =	sdelay $0x1  }
0x1db: {  	v3 =	vperm.xlane v3, v2;
	_ =	sdelay $0x1  }
0x1dc: {  	v3 =	vadd.s32 v1, v3  }
0x1dd: {  	[tilespmem:s3], [sflag:$0x1] =	stream.indirect_vreg.gather [hbm4b:s4+s2], $0x80, v4, vm0, $0xb8;
	[tilespmem:$0x10380] =	vst v63  }
0x1de: {  	s23 =	simm.s32 $0xB80  }
0x1df: {  	[tilespmem:s23], [sflag:$0x1] =	stream.indirect_vreg.gather [hbm4b:s5+s2], $0x80, v4, vm0, $0xb8;
	[tilespmem:$0x10380] =	vst v63  }
0x1e0: {  	s9 =	simm.s32 $0x1380  }
0x1e1: {  	[tilespmem:s9], [sflag:$0x1] =	stream.indirect_vreg.gather [hbm4b:s4+s2], $0x80, v3, vm0, $0xb8;
	[tilespmem:$0x10380] =	vst v63  }
0x1e2: {  	s23 =	simm.s32 $0x1B80  }
0x1e3: {  	[tilespmem:s23], [sflag:$0x1] =	stream.indirect_vreg.gather [hbm4b:s5+s2], $0x80, v3, vm0, $0xb8;
	[tilespmem:$0x10380] =	vst v63  }
0x1e4: {  	v3 =	vld [tilespmem:$0x190];
	_ =	sdelay $0x4  }
0x1e5: {  	v33 =	vshll.u32 v3, $0x2  }
0x1e6: {  	v3 =	vand.u32 $0x7, v3;
	v4 =	vand.u32 $0xFFFFFFE0, v33  }
0x1e7: {  	v3 =	vor.u32 v3, v4  }
0x1e8: {  	v4 =	vperm.xlane v3, v0;
	_ =	sdelay $0x1  }
0x1e9: {  	v4 =	vadd.s32 v1, v4;
	_ =	sdelay $0x1  }
0x1ea: {  	v3 =	vperm.xlane v3, v2;
	_ =	sdelay $0x1  }
0x1eb: {  	s23 =	simm.s32 $0x2380;
	v3 =	vadd.s32 v1, v3  }
0x1ec: {  	[tilespmem:s23], [sflag:$0x1] =	stream.indirect_vreg.gather [hbm4b:s4+s2], $0x80, v4, vm0, $0xb8;
	[tilespmem:$0x10380] =	vst v63  }
0x1ed: {  	s23 =	simm.s32 $0x2B80  }
0x1ee: {  	[tilespmem:s23], [sflag:$0x1] =	stream.indirect_vreg.gather [hbm4b:s5+s2], $0x80, v4, vm0, $0xb8;
	[tilespmem:$0x10380] =	vst v63  }
0x1ef: {  	s23 =	simm.s32 $0x3380  }
0x1f0: {  	[tilespmem:s23], [sflag:$0x1] =	stream.indirect_vreg.gather [hbm4b:s4+s2], $0x80, v3, vm0, $0xb8;
	[tilespmem:$0x10380] =	vst v63  }
0x1f1: {  	s30 =	simm.s32 $0x3B80  }
0x1f2: {  	[tilespmem:s30], [sflag:$0x1] =	stream.indirect_vreg.gather [hbm4b:s5+s2], $0x80, v3, vm0, $0xb8;
	[tilespmem:$0x10380] =	vst v63  }
0x1f3: {  	_ =	swait.ge [sflag:s17], $0x4000  }
0x1f4: {  	[sflag:s17] =	ssyncset.done $0x0  }
0x1f5: {  	s23 =	rddreg [dreg:$0xc];
	[sflag:s17] =	ssyncadd.s32 $0xFFFFC000  }
0x1f6: {  	[hbm4b:s23+s2] =	stream.linear.scatter [tilespmem:s16], [sflag:$0x6], $0x4000, $0x38;
	[tilespmem:$0x10380] =	vst v63  }
0x1f7: {  	_ =	swait.ge [sflag:s18], $0x4000  }
0x1f8: {  	[sflag:s18] =	ssyncset.done $0x0  }
0x1f9: {  	[sflag:s18] =	ssyncadd.s32 $0xFFFFC000  }
0x1fa: {  	v3 =	vld [tilespmem:$0x1A0];
	_ =	sdelay $0x4  }
0x1fb: {  	v34 =	vshll.u32 v3, $0x2  }
0x1fc: {  	v3 =	vand.u32 $0x7, v3;
	v4 =	vand.u32 $0xFFFFFFE0, v34  }
0x1fd: {  	v3 =	vor.u32 v3, v4  }
0x1fe: {  	v4 =	vperm.xlane v3, v0;
	_ =	sdelay $0x1  }
0x1ff: {  	v4 =	vadd.s32 v1, v4;
	_ =	sdelay $0x1  }
0x200: {  	v3 =	vperm.xlane v3, v2;
	_ =	sdelay $0x1  }
0x201: {  	v3 =	vadd.s32 v1, v3  }
0x202: {  	[tilespmem:s16], [sflag:$0x2] =	stream.indirect_vreg.gather [hbm4b:s4+s2], $0x80, v4, vm0, $0xb8;
	[tilespmem:$0x10380] =	vst v63  }
0x203: {  	s23 =	simm.s32 $0x4B80  }
0x204: {  	[tilespmem:s23], [sflag:$0x2] =	stream.indirect_vreg.gather [hbm4b:s5+s2], $0x80, v4, vm0, $0xb8;
	[tilespmem:$0x10380] =	vst v63  }
0x205: {  	s23 =	simm.s32 $0x5380  }
0x206: {  	[tilespmem:s23], [sflag:$0x2] =	stream.indirect_vreg.gather [hbm4b:s4+s2], $0x80, v3, vm0, $0xb8;
	[tilespmem:$0x10380] =	vst v63  }
0x207: {  	s23 =	simm.s32 $0x5B80  }
0x208: {  	[tilespmem:s23], [sflag:$0x2] =	stream.indirect_vreg.gather [hbm4b:s5+s2], $0x80, v3, vm0, $0xb8;
	[tilespmem:$0x10380] =	vst v63  }
0x209: {  	v3 =	vld [tilespmem:$0x1B0];
	_ =	sdelay $0x4  }
0x20a: {  	v35 =	vshll.u32 v3, $0x2  }
0x20b: {  	v3 =	vand.u32 $0x7, v3;
	v4 =	vand.u32 $0xFFFFFFE0, v35  }
0x20c: {  	v3 =	vor.u32 v3, v4  }
0x20d: {  	v4 =	vperm.xlane v3, v0;
	_ =	sdelay $0x1  }
0x20e: {  	v4 =	vadd.s32 v1, v4;
	_ =	sdelay $0x1  }
0x20f: {  	v3 =	vperm.xlane v3, v2;
	_ =	sdelay $0x1  }
0x210: {  	s23 =	simm.s32 $0x6380;
	v3 =	vadd.s32 v1, v3  }
0x211: {  	[tilespmem:s23], [sflag:$0x2] =	stream.indirect_vreg.gather [hbm4b:s4+s2], $0x80, v4, vm0, $0xb8;
	[tilespmem:$0x10380] =	vst v63  }
0x212: {  	s23 =	simm.s32 $0x6B80  }
0x213: {  	[tilespmem:s23], [sflag:$0x2] =	stream.indirect_vreg.gather [hbm4b:s5+s2], $0x80, v4, vm0, $0xb8;
	[tilespmem:$0x10380] =	vst v63  }
0x214: {  	s12 =	simm.s32 $0x7380  }
0x215: {  	[tilespmem:s12], [sflag:$0x2] =	stream.indirect_vreg.gather [hbm4b:s4+s2], $0x80, v3, vm0, $0xb8;
	[tilespmem:$0x10380] =	vst v63  }
0x216: {  	s31 =	simm.s32 $0x7B80  }
0x217: {  	[tilespmem:s31], [sflag:$0x2] =	stream.indirect_vreg.gather [hbm4b:s5+s2], $0x80, v3, vm0, $0xb8;
	[tilespmem:$0x10380] =	vst v63  }
0x218: {  	_ =	swait.ge [sflag:s19], $0x4000  }
0x219: {  	[sflag:s19] =	ssyncset.done $0x0  }
0x21a: {  	s31 =	rddreg [dreg:$0xd];
	[sflag:s19] =	ssyncadd.s32 $0xFFFFC000  }
0x21b: {  	[hbm4b:s31+s2] =	stream.linear.scatter [tilespmem:s24], [sflag:$0x7], $0x4000, $0x38;
	[tilespmem:$0x10380] =	vst v63  }
0x21c: {  	_ =	swait.ge [sflag:s20], $0x4000  }
0x21d: {  	[sflag:s20] =	ssyncset.done $0x0  }
0x21e: {  	[sflag:s20] =	ssyncadd.s32 $0xFFFFC000  }
0x21f: {  	v3 =	vld [tilespmem:$0x1C0];
	_ =	sdelay $0x4  }
0x220: {  	v36 =	vshll.u32 v3, $0x2  }
0x221: {  	v3 =	vand.u32 $0x7, v3;
	v4 =	vand.u32 $0xFFFFFFE0, v36  }
0x222: {  	v3 =	vor.u32 v3, v4  }
0x223: {  	v4 =	vperm.xlane v3, v0;
	_ =	sdelay $0x1  }
0x224: {  	v4 =	vadd.s32 v1, v4;
	_ =	sdelay $0x1  }
0x225: {  	v3 =	vperm.xlane v3, v2;
	_ =	sdelay $0x1  }
0x226: {  	v3 =	vadd.s32 v1, v3  }
0x227: {  	[tilespmem:s24], [sflag:$0x3] =	stream.indirect_vreg.gather [hbm4b:s4+s2], $0x80, v4, vm0, $0xb8;
	[tilespmem:$0x10380] =	vst v63  }
0x228: {  	s29 =	simm.s32 $0x8B80  }
0x229: {  	[tilespmem:s29], [sflag:$0x3] =	stream.indirect_vreg.gather [hbm4b:s5+s2], $0x80, v4, vm0, $0xb8;
	[tilespmem:$0x10380] =	vst v63  }
0x22a: {  	s10 =	simm.s32 $0x9380  }
0x22b: {  	[tilespmem:s10], [sflag:$0x3] =	stream.indirect_vreg.gather [hbm4b:s4+s2], $0x80, v3, vm0, $0xb8;
	[tilespmem:$0x10380] =	vst v63  }
0x22c: {  	s23 =	simm.s32 $0x9B80  }
0x22d: {  	[tilespmem:s23], [sflag:$0x3] =	stream.indirect_vreg.gather [hbm4b:s5+s2], $0x80, v3, vm0, $0xb8;
	[tilespmem:$0x10380] =	vst v63  }
0x22e: {  	v3 =	vld [tilespmem:$0x1D0];
	_ =	sdelay $0x4  }
0x22f: {  	v37 =	vshll.u32 v3, $0x2  }
0x230: {  	v3 =	vand.u32 $0x7, v3;
	v4 =	vand.u32 $0xFFFFFFE0, v37  }
0x231: {  	v3 =	vor.u32 v3, v4  }
0x232: {  	v4 =	vperm.xlane v3, v0;
	_ =	sdelay $0x1  }
0x233: {  	v4 =	vadd.s32 v1, v4;
	_ =	sdelay $0x1  }
0x234: {  	v3 =	vperm.xlane v3, v2;
	_ =	sdelay $0x1  }
0x235: {  	s8 =	simm.s32 $0xA380;
	v3 =	vadd.s32 v1, v3  }
0x236: {  	[tilespmem:s8], [sflag:$0x3] =	stream.indirect_vreg.gather [hbm4b:s4+s2], $0x80, v4, vm0, $0xb8;
	[tilespmem:$0x10380] =	vst v63  }
0x237: {  	s11 =	simm.s32 $0xAB80  }
0x238: {  	[tilespmem:s11], [sflag:$0x3] =	stream.indirect_vreg.gather [hbm4b:s5+s2], $0x80, v4, vm0, $0xb8;
	[tilespmem:$0x10380] =	vst v63  }
0x239: {  	s13 =	simm.s32 $0xB380  }
0x23a: {  	[tilespmem:s13], [sflag:$0x3] =	stream.indirect_vreg.gather [hbm4b:s4+s2], $0x80, v3, vm0, $0xb8;
	[tilespmem:$0x10380] =	vst v63  }
0x23b: {  	s23 =	simm.s32 $0xBB80  }
0x23c: {  	[tilespmem:s23], [sflag:$0x3] =	stream.indirect_vreg.gather [hbm4b:s5+s2], $0x80, v3, vm0, $0xb8;
	[tilespmem:$0x10380] =	vst v63  }
0x23d: {  	_ =	swait.ge [sflag:s21], $0x4000  }
0x23e: {  	[sflag:s21] =	ssyncset.done $0x0  }
0x23f: {  	s13 =	rddreg [dreg:$0xe];
	[sflag:s21] =	ssyncadd.s32 $0xFFFFC000  }
0x240: {  	[hbm4b:s13+s2] =	stream.linear.scatter [tilespmem:s0], [sflag:$0x8], $0x4000, $0x38;
	[tilespmem:$0x10380] =	vst v63  }
0x241: {  	_ =	swait.ge [sflag:s22], $0x4000  }
0x242: {  	[sflag:s22] =	ssyncset.done $0x0  }
0x243: {  	[sflag:s22] =	ssyncadd.s32 $0xFFFFC000  }
0x244: {  	v3 =	vld [tilespmem:$0x1E0];
	_ =	sdelay $0x4  }
0x245: {  	v38 =	vshll.u32 v3, $0x2  }
0x246: {  	v3 =	vand.u32 $0x7, v3;
	v4 =	vand.u32 $0xFFFFFFE0, v38  }
0x247: {  	v3 =	vor.u32 v3, v4  }
0x248: {  	v4 =	vperm.xlane v3, v0;
	_ =	sdelay $0x1  }
0x249: {  	v4 =	vadd.s32 v1, v4;
	_ =	sdelay $0x1  }
0x24a: {  	v3 =	vperm.xlane v3, v2;
	_ =	sdelay $0x1  }
0x24b: {  	v3 =	vadd.s32 v1, v3  }
0x24c: {  	[tilespmem:s0], [sflag:$0x4] =	stream.indirect_vreg.gather [hbm4b:s4+s2], $0x80, v4, vm0, $0xb8;
	[tilespmem:$0x10380] =	vst v63  }
0x24d: {  	s1 =	simm.s32 $0xCB80  }
0x24e: {  	[tilespmem:s1], [sflag:$0x4] =	stream.indirect_vreg.gather [hbm4b:s5+s2], $0x80, v4, vm0, $0xb8;
	[tilespmem:$0x10380] =	vst v63  }
0x24f: {  	s25 =	simm.s32 $0xD380  }
0x250: {  	[tilespmem:s25], [sflag:$0x4] =	stream.indirect_vreg.gather [hbm4b:s4+s2], $0x80, v3, vm0, $0xb8;
	[tilespmem:$0x10380] =	vst v63  }
0x251: {  	s25 =	simm.s32 $0xDB80  }
0x252: {  	[tilespmem:s25], [sflag:$0x4] =	stream.indirect_vreg.gather [hbm4b:s5+s2], $0x80, v3, vm0, $0xb8;
	[tilespmem:$0x10380] =	vst v63  }
0x253: {  	v3 =	vld [tilespmem:$0x1F0];
	_ =	sdelay $0x4  }
0x254: {  	v39 =	vshll.u32 v3, $0x2  }
0x255: {  	v3 =	vand.u32 $0x7, v3;
	v4 =	vand.u32 $0xFFFFFFE0, v39  }
0x256: {  	v3 =	vor.u32 v3, v4  }
0x257: {  	v4 =	vperm.xlane v3, v0;
	_ =	sdelay $0x1  }
0x258: {  	v4 =	vadd.s32 v1, v4;
	_ =	sdelay $0x1  }
0x259: {  	v3 =	vperm.xlane v3, v2;
	_ =	sdelay $0x1  }
0x25a: {  	s7 =	simm.s32 $0xE380;
	v3 =	vadd.s32 v1, v3  }
0x25b: {  	[tilespmem:s7], [sflag:$0x4] =	stream.indirect_vreg.gather [hbm4b:s4+s2], $0x80, v4, vm0, $0xb8;
	[tilespmem:$0x10380] =	vst v63  }
0x25c: {  	s26 =	simm.s32 $0xEB80  }
0x25d: {  	[tilespmem:s26], [sflag:$0x4] =	stream.indirect_vreg.gather [hbm4b:s5+s2], $0x80, v4, vm0, $0xb8;
	[tilespmem:$0x10380] =	vst v63  }
0x25e: {  	s28 =	simm.s32 $0xF380  }
0x25f: {  	[tilespmem:s28], [sflag:$0x4] =	stream.indirect_vreg.gather [hbm4b:s4+s2], $0x80, v3, vm0, $0xb8;
	[tilespmem:$0x10380] =	vst v63  }
0x260: {  	s28 =	simm.s32 $0xFB80  }
0x261: {  	[tilespmem:s28], [sflag:$0x4] =	stream.indirect_vreg.gather [hbm4b:s5+s2], $0x80, v3, vm0, $0xb8;
	[tilespmem:$0x10380] =	vst v63  }
0x262: {  	_ =	swait.ge [sflag:s14], $0x4000  }
0x263: {  	[sflag:s14] =	ssyncset.done $0x0  }
0x264: {  	s23 =	rddreg [dreg:$0xf];
	[sflag:s14] =	ssyncadd.s32 $0xFFFFC000  }
0x265: {  	[hbm4b:s23+s2] =	stream.linear.scatter [tilespmem:s3], [sflag:$0x5], $0x4000, $0x38;
	[tilespmem:$0x10380] =	vst v63  }
0x266: {  	_ =	swait.ge [sflag:s15], $0x4000  }
0x267: {  	[sflag:s15] =	ssyncset.done $0x0  }
0x268: {  	[sflag:s15] =	ssyncadd.s32 $0xFFFFC000  }
0x269: {  	v3 =	vld [tilespmem:$0x200];
	_ =	sdelay $0x4  }
0x26a: {  	v40 =	vshll.u32 v3, $0x2  }
0x26b: {  	v3 =	vand.u32 $0x7, v3;
	v4 =	vand.u32 $0xFFFFFFE0, v40  }
0x26c: {  	v3 =	vor.u32 v3, v4  }
0x26d: {  	v4 =	vperm.xlane v3, v0;
	_ =	sdelay $0x1  }
0x26e: {  	v4 =	vadd.s32 v1, v4;
	_ =	sdelay $0x1  }
0x26f: {  	v3 =	vperm.xlane v3, v2;
	_ =	sdelay $0x1  }
0x270: {  	v3 =	vadd.s32 v1, v3  }
0x271: {  	[tilespmem:s3], [sflag:$0x1] =	stream.indirect_vreg.gather [hbm4b:s4+s2], $0x80, v4, vm0, $0xb8;
	[tilespmem:$0x10380] =	vst v63  }
0x272: {  	s23 =	simm.s32 $0xB80  }
0x273: {  	[tilespmem:s23], [sflag:$0x1] =	stream.indirect_vreg.gather [hbm4b:s5+s2], $0x80, v4, vm0, $0xb8;
	[tilespmem:$0x10380] =	vst v63  }
0x274: {  	s9 =	simm.s32 $0x1380  }
0x275: {  	[tilespmem:s9], [sflag:$0x1] =	stream.indirect_vreg.gather [hbm4b:s4+s2], $0x80, v3, vm0, $0xb8;
	[tilespmem:$0x10380] =	vst v63  }
0x276: {  	s23 =	simm.s32 $0x1B80  }
0x277: {  	[tilespmem:s23], [sflag:$0x1] =	stream.indirect_vreg.gather [hbm4b:s5+s2], $0x80, v3, vm0, $0xb8;
	[tilespmem:$0x10380] =	vst v63  }
0x278: {  	v3 =	vld [tilespmem:$0x210];
	_ =	sdelay $0x4  }
0x279: {  	v41 =	vshll.u32 v3, $0x2  }
0x27a: {  	v3 =	vand.u32 $0x7, v3;
	v4 =	vand.u32 $0xFFFFFFE0, v41  }
0x27b: {  	v3 =	vor.u32 v3, v4  }
0x27c: {  	v4 =	vperm.xlane v3, v0;
	_ =	sdelay $0x1  }
0x27d: {  	v4 =	vadd.s32 v1, v4;
	_ =	sdelay $0x1  }
0x27e: {  	v3 =	vperm.xlane v3, v2;
	_ =	sdelay $0x1  }
0x27f: {  	s23 =	simm.s32 $0x2380;
	v3 =	vadd.s32 v1, v3  }
0x280: {  	[tilespmem:s23], [sflag:$0x1] =	stream.indirect_vreg.gather [hbm4b:s4+s2], $0x80, v4, vm0, $0xb8;
	[tilespmem:$0x10380] =	vst v63  }
0x281: {  	s23 =	simm.s32 $0x2B80  }
0x282: {  	[tilespmem:s23], [sflag:$0x1] =	stream.indirect_vreg.gather [hbm4b:s5+s2], $0x80, v4, vm0, $0xb8;
	[tilespmem:$0x10380] =	vst v63  }
0x283: {  	s23 =	simm.s32 $0x3380  }
0x284: {  	[tilespmem:s23], [sflag:$0x1] =	stream.indirect_vreg.gather [hbm4b:s4+s2], $0x80, v3, vm0, $0xb8;
	[tilespmem:$0x10380] =	vst v63  }
0x285: {  	s30 =	simm.s32 $0x3B80  }
0x286: {  	[tilespmem:s30], [sflag:$0x1] =	stream.indirect_vreg.gather [hbm4b:s5+s2], $0x80, v3, vm0, $0xb8;
	[tilespmem:$0x10380] =	vst v63  }
0x287: {  	_ =	swait.ge [sflag:s17], $0x4000  }
0x288: {  	[sflag:s17] =	ssyncset.done $0x0  }
0x289: {  	s30 =	rddreg [dreg:$0x10];
	[sflag:s17] =	ssyncadd.s32 $0xFFFFC000  }
0x28a: {  	[hbm4b:s30+s2] =	stream.linear.scatter [tilespmem:s16], [sflag:$0x6], $0x4000, $0x38;
	[tilespmem:$0x10380] =	vst v63  }
0x28b: {  	_ =	swait.ge [sflag:s18], $0x4000  }
0x28c: {  	[sflag:s18] =	ssyncset.done $0x0  }
0x28d: {  	[sflag:s18] =	ssyncadd.s32 $0xFFFFC000  }
0x28e: {  	v3 =	vld [tilespmem:$0x220];
	_ =	sdelay $0x4  }
0x28f: {  	v42 =	vshll.u32 v3, $0x2  }
0x290: {  	v3 =	vand.u32 $0x7, v3;
	v4 =	vand.u32 $0xFFFFFFE0, v42  }
0x291: {  	v3 =	vor.u32 v3, v4  }
0x292: {  	v4 =	vperm.xlane v3, v0;
	_ =	sdelay $0x1  }
0x293: {  	v4 =	vadd.s32 v1, v4;
	_ =	sdelay $0x1  }
0x294: {  	v3 =	vperm.xlane v3, v2;
	_ =	sdelay $0x1  }
0x295: {  	v3 =	vadd.s32 v1, v3  }
0x296: {  	[tilespmem:s16], [sflag:$0x2] =	stream.indirect_vreg.gather [hbm4b:s4+s2], $0x80, v4, vm0, $0xb8;
	[tilespmem:$0x10380] =	vst v63  }
0x297: {  	s30 =	simm.s32 $0x4B80  }
0x298: {  	[tilespmem:s30], [sflag:$0x2] =	stream.indirect_vreg.gather [hbm4b:s5+s2], $0x80, v4, vm0, $0xb8;
	[tilespmem:$0x10380] =	vst v63  }
0x299: {  	s30 =	simm.s32 $0x5380  }
0x29a: {  	[tilespmem:s30], [sflag:$0x2] =	stream.indirect_vreg.gather [hbm4b:s4+s2], $0x80, v3, vm0, $0xb8;
	[tilespmem:$0x10380] =	vst v63  }
0x29b: {  	s30 =	simm.s32 $0x5B80  }
0x29c: {  	[tilespmem:s30], [sflag:$0x2] =	stream.indirect_vreg.gather [hbm4b:s5+s2], $0x80, v3, vm0, $0xb8;
	[tilespmem:$0x10380] =	vst v63  }
0x29d: {  	v3 =	vld [tilespmem:$0x230];
	_ =	sdelay $0x4  }
0x29e: {  	v43 =	vshll.u32 v3, $0x2  }
0x29f: {  	v3 =	vand.u32 $0x7, v3;
	v4 =	vand.u32 $0xFFFFFFE0, v43  }
0x2a0: {  	v3 =	vor.u32 v3, v4  }
0x2a1: {  	v4 =	vperm.xlane v3, v0;
	_ =	sdelay $0x1  }
0x2a2: {  	v4 =	vadd.s32 v1, v4;
	_ =	sdelay $0x1  }
0x2a3: {  	v3 =	vperm.xlane v3, v2;
	_ =	sdelay $0x1  }
0x2a4: {  	s30 =	simm.s32 $0x6380;
	v3 =	vadd.s32 v1, v3  }
0x2a5: {  	[tilespmem:s30], [sflag:$0x2] =	stream.indirect_vreg.gather [hbm4b:s4+s2], $0x80, v4, vm0, $0xb8;
	[tilespmem:$0x10380] =	vst v63  }
0x2a6: {  	s30 =	simm.s32 $0x6B80  }
0x2a7: {  	[tilespmem:s30], [sflag:$0x2] =	stream.indirect_vreg.gather [hbm4b:s5+s2], $0x80, v4, vm0, $0xb8;
	[tilespmem:$0x10380] =	vst v63  }
0x2a8: {  	s12 =	simm.s32 $0x7380  }
0x2a9: {  	[tilespmem:s12], [sflag:$0x2] =	stream.indirect_vreg.gather [hbm4b:s4+s2], $0x80, v3, vm0, $0xb8;
	[tilespmem:$0x10380] =	vst v63  }
0x2aa: {  	s23 =	simm.s32 $0x7B80  }
0x2ab: {  	[tilespmem:s23], [sflag:$0x2] =	stream.indirect_vreg.gather [hbm4b:s5+s2], $0x80, v3, vm0, $0xb8;
	[tilespmem:$0x10380] =	vst v63  }
0x2ac: {  	_ =	swait.ge [sflag:s19], $0x4000  }
0x2ad: {  	[sflag:s19] =	ssyncset.done $0x0  }
0x2ae: {  	s12 =	rddreg [dreg:$0x11];
	[sflag:s19] =	ssyncadd.s32 $0xFFFFC000  }
0x2af: {  	[hbm4b:s12+s2] =	stream.linear.scatter [tilespmem:s24], [sflag:$0x7], $0x4000, $0x38;
	[tilespmem:$0x10380] =	vst v63  }
0x2b0: {  	_ =	swait.ge [sflag:s20], $0x4000  }
0x2b1: {  	[sflag:s20] =	ssyncset.done $0x0  }
0x2b2: {  	[sflag:s20] =	ssyncadd.s32 $0xFFFFC000  }
0x2b3: {  	v3 =	vld [tilespmem:$0x240];
	_ =	sdelay $0x4  }
0x2b4: {  	v44 =	vshll.u32 v3, $0x2  }
0x2b5: {  	v3 =	vand.u32 $0x7, v3;
	v4 =	vand.u32 $0xFFFFFFE0, v44  }
0x2b6: {  	v3 =	vor.u32 v3, v4  }
0x2b7: {  	v4 =	vperm.xlane v3, v0;
	_ =	sdelay $0x1  }
0x2b8: {  	v4 =	vadd.s32 v1, v4;
	_ =	sdelay $0x1  }
0x2b9: {  	v3 =	vperm.xlane v3, v2;
	_ =	sdelay $0x1  }
0x2ba: {  	v3 =	vadd.s32 v1, v3  }
0x2bb: {  	[tilespmem:s24], [sflag:$0x3] =	stream.indirect_vreg.gather [hbm4b:s4+s2], $0x80, v4, vm0, $0xb8;
	[tilespmem:$0x10380] =	vst v63  }
0x2bc: {  	s29 =	simm.s32 $0x8B80  }
0x2bd: {  	[tilespmem:s29], [sflag:$0x3] =	stream.indirect_vreg.gather [hbm4b:s5+s2], $0x80, v4, vm0, $0xb8;
	[tilespmem:$0x10380] =	vst v63  }
0x2be: {  	s31 =	simm.s32 $0x9380  }
0x2bf: {  	[tilespmem:s31], [sflag:$0x3] =	stream.indirect_vreg.gather [hbm4b:s4+s2], $0x80, v3, vm0, $0xb8;
	[tilespmem:$0x10380] =	vst v63  }
0x2c0: {  	s23 =	simm.s32 $0x9B80  }
0x2c1: {  	[tilespmem:s23], [sflag:$0x3] =	stream.indirect_vreg.gather [hbm4b:s5+s2], $0x80, v3, vm0, $0xb8;
	[tilespmem:$0x10380] =	vst v63  }
0x2c2: {  	v3 =	vld [tilespmem:$0x250];
	_ =	sdelay $0x4  }
0x2c3: {  	v45 =	vshll.u32 v3, $0x2  }
0x2c4: {  	v3 =	vand.u32 $0x7, v3;
	v4 =	vand.u32 $0xFFFFFFE0, v45  }
0x2c5: {  	v3 =	vor.u32 v3, v4  }
0x2c6: {  	v4 =	vperm.xlane v3, v0;
	_ =	sdelay $0x1  }
0x2c7: {  	v4 =	vadd.s32 v1, v4;
	_ =	sdelay $0x1  }
0x2c8: {  	v3 =	vperm.xlane v3, v2;
	_ =	sdelay $0x1  }
0x2c9: {  	s8 =	simm.s32 $0xA380;
	v3 =	vadd.s32 v1, v3  }
0x2ca: {  	[tilespmem:s8], [sflag:$0x3] =	stream.indirect_vreg.gather [hbm4b:s4+s2], $0x80, v4, vm0, $0xb8;
	[tilespmem:$0x10380] =	vst v63  }
0x2cb: {  	s10 =	simm.s32 $0xAB80  }
0x2cc: {  	[tilespmem:s10], [sflag:$0x3] =	stream.indirect_vreg.gather [hbm4b:s5+s2], $0x80, v4, vm0, $0xb8;
	[tilespmem:$0x10380] =	vst v63  }
0x2cd: {  	s11 =	simm.s32 $0xB380  }
0x2ce: {  	[tilespmem:s11], [sflag:$0x3] =	stream.indirect_vreg.gather [hbm4b:s4+s2], $0x80, v3, vm0, $0xb8;
	[tilespmem:$0x10380] =	vst v63  }
0x2cf: {  	s23 =	simm.s32 $0xBB80  }
0x2d0: {  	[tilespmem:s23], [sflag:$0x3] =	stream.indirect_vreg.gather [hbm4b:s5+s2], $0x80, v3, vm0, $0xb8;
	[tilespmem:$0x10380] =	vst v63  }
0x2d1: {  	_ =	swait.ge [sflag:s21], $0x4000  }
0x2d2: {  	[sflag:s21] =	ssyncset.done $0x0  }
0x2d3: {  	s12 =	rddreg [dreg:$0x12];
	[sflag:s21] =	ssyncadd.s32 $0xFFFFC000  }
0x2d4: {  	[hbm4b:s12+s2] =	stream.linear.scatter [tilespmem:s0], [sflag:$0x8], $0x4000, $0x38;
	[tilespmem:$0x10380] =	vst v63  }
0x2d5: {  	_ =	swait.ge [sflag:s22], $0x4000  }
0x2d6: {  	[sflag:s22] =	ssyncset.done $0x0  }
0x2d7: {  	[sflag:s22] =	ssyncadd.s32 $0xFFFFC000  }
0x2d8: {  	v3 =	vld [tilespmem:$0x260];
	_ =	sdelay $0x4  }
0x2d9: {  	v46 =	vshll.u32 v3, $0x2  }
0x2da: {  	v3 =	vand.u32 $0x7, v3;
	v4 =	vand.u32 $0xFFFFFFE0, v46  }
0x2db: {  	v3 =	vor.u32 v3, v4  }
0x2dc: {  	v4 =	vperm.xlane v3, v0;
	_ =	sdelay $0x1  }
0x2dd: {  	v4 =	vadd.s32 v1, v4;
	_ =	sdelay $0x1  }
0x2de: {  	v3 =	vperm.xlane v3, v2;
	_ =	sdelay $0x1  }
0x2df: {  	v3 =	vadd.s32 v1, v3  }
0x2e0: {  	[tilespmem:s0], [sflag:$0x4] =	stream.indirect_vreg.gather [hbm4b:s4+s2], $0x80, v4, vm0, $0xb8;
	[tilespmem:$0x10380] =	vst v63  }
0x2e1: {  	s1 =	simm.s32 $0xCB80  }
0x2e2: {  	[tilespmem:s1], [sflag:$0x4] =	stream.indirect_vreg.gather [hbm4b:s5+s2], $0x80, v4, vm0, $0xb8;
	[tilespmem:$0x10380] =	vst v63  }
0x2e3: {  	s13 =	simm.s32 $0xD380  }
0x2e4: {  	[tilespmem:s13], [sflag:$0x4] =	stream.indirect_vreg.gather [hbm4b:s4+s2], $0x80, v3, vm0, $0xb8;
	[tilespmem:$0x10380] =	vst v63  }
0x2e5: {  	s23 =	simm.s32 $0xDB80  }
0x2e6: {  	[tilespmem:s23], [sflag:$0x4] =	stream.indirect_vreg.gather [hbm4b:s5+s2], $0x80, v3, vm0, $0xb8;
	[tilespmem:$0x10380] =	vst v63  }
0x2e7: {  	v3 =	vld [tilespmem:$0x270];
	_ =	sdelay $0x4  }
0x2e8: {  	v47 =	vshll.u32 v3, $0x2  }
0x2e9: {  	v3 =	vand.u32 $0x7, v3;
	v4 =	vand.u32 $0xFFFFFFE0, v47  }
0x2ea: {  	v3 =	vor.u32 v3, v4  }
0x2eb: {  	v4 =	vperm.xlane v3, v0;
	_ =	sdelay $0x1  }
0x2ec: {  	v4 =	vadd.s32 v1, v4;
	_ =	sdelay $0x1  }
0x2ed: {  	v3 =	vperm.xlane v3, v2;
	_ =	sdelay $0x1  }
0x2ee: {  	s7 =	simm.s32 $0xE380;
	v3 =	vadd.s32 v1, v3  }
0x2ef: {  	[tilespmem:s7], [sflag:$0x4] =	stream.indirect_vreg.gather [hbm4b:s4+s2], $0x80, v4, vm0, $0xb8;
	[tilespmem:$0x10380] =	vst v63  }
0x2f0: {  	s25 =	simm.s32 $0xEB80  }
0x2f1: {  	[tilespmem:s25], [sflag:$0x4] =	stream.indirect_vreg.gather [hbm4b:s5+s2], $0x80, v4, vm0, $0xb8;
	[tilespmem:$0x10380] =	vst v63  }
0x2f2: {  	s26 =	simm.s32 $0xF380  }
0x2f3: {  	[tilespmem:s26], [sflag:$0x4] =	stream.indirect_vreg.gather [hbm4b:s4+s2], $0x80, v3, vm0, $0xb8;
	[tilespmem:$0x10380] =	vst v63  }
0x2f4: {  	s28 =	simm.s32 $0xFB80  }
0x2f5: {  	[tilespmem:s28], [sflag:$0x4] =	stream.indirect_vreg.gather [hbm4b:s5+s2], $0x80, v3, vm0, $0xb8;
	[tilespmem:$0x10380] =	vst v63  }
0x2f6: {  	_ =	swait.ge [sflag:s14], $0x4000  }
0x2f7: {  	[sflag:s14] =	ssyncset.done $0x0  }
0x2f8: {  	s1 =	rddreg [dreg:$0x13];
	[sflag:s14] =	ssyncadd.s32 $0xFFFFC000  }
0x2f9: {  	[hbm4b:s1+s2] =	stream.linear.scatter [tilespmem:s3], [sflag:$0x5], $0x4000, $0x38;
	[tilespmem:$0x10380] =	vst v63  }
0x2fa: {  	_ =	swait.ge [sflag:s15], $0x4000  }
0x2fb: {  	[sflag:s15] =	ssyncset.done $0x0  }
0x2fc: {  	[sflag:s15] =	ssyncadd.s32 $0xFFFFC000  }
0x2fd: {  	v3 =	vld [tilespmem:$0x280];
	_ =	sdelay $0x4  }
0x2fe: {  	v48 =	vshll.u32 v3, $0x2  }
0x2ff: {  	v3 =	vand.u32 $0x7, v3;
	v4 =	vand.u32 $0xFFFFFFE0, v48  }
0x300: {  	v3 =	vor.u32 v3, v4  }
0x301: {  	v4 =	vperm.xlane v3, v0;
	_ =	sdelay $0x1  }
0x302: {  	v4 =	vadd.s32 v1, v4;
	_ =	sdelay $0x1  }
0x303: {  	v3 =	vperm.xlane v3, v2;
	_ =	sdelay $0x1  }
0x304: {  	v3 =	vadd.s32 v1, v3  }
0x305: {  	[tilespmem:s3], [sflag:$0x1] =	stream.indirect_vreg.gather [hbm4b:s4+s2], $0x80, v4, vm0, $0xb8;
	[tilespmem:$0x10380] =	vst v63  }
0x306: {  	s7 =	simm.s32 $0xB80  }
0x307: {  	[tilespmem:s7], [sflag:$0x1] =	stream.indirect_vreg.gather [hbm4b:s5+s2], $0x80, v4, vm0, $0xb8;
	[tilespmem:$0x10380] =	vst v63  }
0x308: {  	s9 =	simm.s32 $0x1380  }
0x309: {  	[tilespmem:s9], [sflag:$0x1] =	stream.indirect_vreg.gather [hbm4b:s4+s2], $0x80, v3, vm0, $0xb8;
	[tilespmem:$0x10380] =	vst v63  }
0x30a: {  	s12 =	simm.s32 $0x1B80  }
0x30b: {  	[tilespmem:s12], [sflag:$0x1] =	stream.indirect_vreg.gather [hbm4b:s5+s2], $0x80, v3, vm0, $0xb8;
	[tilespmem:$0x10380] =	vst v63  }
0x30c: {  	v3 =	vld [tilespmem:$0x290];
	_ =	sdelay $0x4  }
0x30d: {  	v49 =	vshll.u32 v3, $0x2  }
0x30e: {  	v3 =	vand.u32 $0x7, v3;
	v4 =	vand.u32 $0xFFFFFFE0, v49  }
0x30f: {  	v3 =	vor.u32 v3, v4  }
0x310: {  	v4 =	vperm.xlane v3, v0;
	_ =	sdelay $0x1  }
0x311: {  	v4 =	vadd.s32 v1, v4;
	_ =	sdelay $0x1  }
0x312: {  	v3 =	vperm.xlane v3, v2;
	_ =	sdelay $0x1  }
0x313: {  	s13 =	simm.s32 $0x2380;
	v3 =	vadd.s32 v1, v3  }
0x314: {  	[tilespmem:s13], [sflag:$0x1] =	stream.indirect_vreg.gather [hbm4b:s4+s2], $0x80, v4, vm0, $0xb8;
	[tilespmem:$0x10380] =	vst v63  }
0x315: {  	s23 =	simm.s32 $0x2B80  }
0x316: {  	[tilespmem:s23], [sflag:$0x1] =	stream.indirect_vreg.gather [hbm4b:s5+s2], $0x80, v4, vm0, $0xb8;
	[tilespmem:$0x10380] =	vst v63  }
0x317: {  	s25 =	simm.s32 $0x3380  }
0x318: {  	[tilespmem:s25], [sflag:$0x1] =	stream.indirect_vreg.gather [hbm4b:s4+s2], $0x80, v3, vm0, $0xb8;
	[tilespmem:$0x10380] =	vst v63  }
0x319: {  	s26 =	simm.s32 $0x3B80  }
0x31a: {  	[tilespmem:s26], [sflag:$0x1] =	stream.indirect_vreg.gather [hbm4b:s5+s2], $0x80, v3, vm0, $0xb8;
	[tilespmem:$0x10380] =	vst v63  }
0x31b: {  	_ =	swait.ge [sflag:s17], $0x4000  }
0x31c: {  	[sflag:s17] =	ssyncset.done $0x0  }
0x31d: {  	s13 =	rddreg [dreg:$0x14];
	[sflag:s17] =	ssyncadd.s32 $0xFFFFC000  }
0x31e: {  	[hbm4b:s13+s2] =	stream.linear.scatter [tilespmem:s16], [sflag:$0x6], $0x4000, $0x38;
	[tilespmem:$0x10380] =	vst v63  }
0x31f: {  	_ =	swait.ge [sflag:s18], $0x4000  }
0x320: {  	[sflag:s18] =	ssyncset.done $0x0  }
0x321: {  	[sflag:s18] =	ssyncadd.s32 $0xFFFFC000  }
0x322: {  	v3 =	vld [tilespmem:$0x2A0];
	_ =	sdelay $0x4  }
0x323: {  	v50 =	vshll.u32 v3, $0x2  }
0x324: {  	v3 =	vand.u32 $0x7, v3;
	v4 =	vand.u32 $0xFFFFFFE0, v50  }
0x325: {  	v3 =	vor.u32 v3, v4  }
0x326: {  	v4 =	vperm.xlane v3, v0;
	_ =	sdelay $0x1  }
0x327: {  	v4 =	vadd.s32 v1, v4;
	_ =	sdelay $0x1  }
0x328: {  	v3 =	vperm.xlane v3, v2;
	_ =	sdelay $0x1  }
0x329: {  	v3 =	vadd.s32 v1, v3  }
0x32a: {  	[tilespmem:s16], [sflag:$0x2] =	stream.indirect_vreg.gather [hbm4b:s4+s2], $0x80, v4, vm0, $0xb8;
	[tilespmem:$0x10380] =	vst v63  }
0x32b: {  	s23 =	simm.s32 $0x4B80  }
0x32c: {  	[tilespmem:s23], [sflag:$0x2] =	stream.indirect_vreg.gather [hbm4b:s5+s2], $0x80, v4, vm0, $0xb8;
	[tilespmem:$0x10380] =	vst v63  }
0x32d: {  	s26 =	simm.s32 $0x5380  }
0x32e: {  	[tilespmem:s26], [sflag:$0x2] =	stream.indirect_vreg.gather [hbm4b:s4+s2], $0x80, v3, vm0, $0xb8;
	[tilespmem:$0x10380] =	vst v63  }
0x32f: {  	s13 =	simm.s32 $0x5B80  }
0x330: {  	[tilespmem:s13], [sflag:$0x2] =	stream.indirect_vreg.gather [hbm4b:s5+s2], $0x80, v3, vm0, $0xb8;
	[tilespmem:$0x10380] =	vst v63  }
0x331: {  	v3 =	vld [tilespmem:$0x2B0];
	_ =	sdelay $0x4  }
0x332: {  	v51 =	vshll.u32 v3, $0x2  }
0x333: {  	v3 =	vand.u32 $0x7, v3;
	v4 =	vand.u32 $0xFFFFFFE0, v51  }
0x334: {  	v3 =	vor.u32 v3, v4  }
0x335: {  	v4 =	vperm.xlane v3, v0;
	_ =	sdelay $0x1  }
0x336: {  	v4 =	vadd.s32 v1, v4;
	_ =	sdelay $0x1  }
0x337: {  	v3 =	vperm.xlane v3, v2;
	_ =	sdelay $0x1  }
0x338: {  	s23 =	simm.s32 $0x6380;
	v3 =	vadd.s32 v1, v3  }
0x339: {  	[tilespmem:s23], [sflag:$0x2] =	stream.indirect_vreg.gather [hbm4b:s4+s2], $0x80, v4, vm0, $0xb8;
	[tilespmem:$0x10380] =	vst v63  }
0x33a: {  	s26 =	simm.s32 $0x6B80  }
0x33b: {  	[tilespmem:s26], [sflag:$0x2] =	stream.indirect_vreg.gather [hbm4b:s5+s2], $0x80, v4, vm0, $0xb8;
	[tilespmem:$0x10380] =	vst v63  }
0x33c: {  	s30 =	simm.s32 $0x7380  }
0x33d: {  	[tilespmem:s30], [sflag:$0x2] =	stream.indirect_vreg.gather [hbm4b:s4+s2], $0x80, v3, vm0, $0xb8;
	[tilespmem:$0x10380] =	vst v63  }
0x33e: {  	s30 =	simm.s32 $0x7B80  }
0x33f: {  	[tilespmem:s30], [sflag:$0x2] =	stream.indirect_vreg.gather [hbm4b:s5+s2], $0x80, v3, vm0, $0xb8;
	[tilespmem:$0x10380] =	vst v63  }
0x340: {  	_ =	swait.ge [sflag:s19], $0x4000  }
0x341: {  	[sflag:s19] =	ssyncset.done $0x0  }
0x342: {  	s9 =	rddreg [dreg:$0x15];
	[sflag:s19] =	ssyncadd.s32 $0xFFFFC000  }
0x343: {  	[hbm4b:s9+s2] =	stream.linear.scatter [tilespmem:s24], [sflag:$0x7], $0x4000, $0x38;
	[tilespmem:$0x10380] =	vst v63  }
0x344: {  	_ =	swait.ge [sflag:s20], $0x4000  }
0x345: {  	[sflag:s20] =	ssyncset.done $0x0  }
0x346: {  	[sflag:s20] =	ssyncadd.s32 $0xFFFFC000  }
0x347: {  	v3 =	vld [tilespmem:$0x2C0];
	_ =	sdelay $0x4  }
0x348: {  	v52 =	vshll.u32 v3, $0x2  }
0x349: {  	v3 =	vand.u32 $0x7, v3;
	v4 =	vand.u32 $0xFFFFFFE0, v52  }
0x34a: {  	v3 =	vor.u32 v3, v4  }
0x34b: {  	v4 =	vperm.xlane v3, v0;
	_ =	sdelay $0x1  }
0x34c: {  	v4 =	vadd.s32 v1, v4;
	_ =	sdelay $0x1  }
0x34d: {  	v3 =	vperm.xlane v3, v2;
	_ =	sdelay $0x1  }
0x34e: {  	v3 =	vadd.s32 v1, v3  }
0x34f: {  	[tilespmem:s24], [sflag:$0x3] =	stream.indirect_vreg.gather [hbm4b:s4+s2], $0x80, v4, vm0, $0xb8;
	[tilespmem:$0x10380] =	vst v63  }
0x350: {  	s29 =	simm.s32 $0x8B80  }
0x351: {  	[tilespmem:s29], [sflag:$0x3] =	stream.indirect_vreg.gather [hbm4b:s5+s2], $0x80, v4, vm0, $0xb8;
	[tilespmem:$0x10380] =	vst v63  }
0x352: {  	s31 =	simm.s32 $0x9380  }
0x353: {  	[tilespmem:s31], [sflag:$0x3] =	stream.indirect_vreg.gather [hbm4b:s4+s2], $0x80, v3, vm0, $0xb8;
	[tilespmem:$0x10380] =	vst v63  }
0x354: {  	s23 =	simm.s32 $0x9B80  }
0x355: {  	[tilespmem:s23], [sflag:$0x3] =	stream.indirect_vreg.gather [hbm4b:s5+s2], $0x80, v3, vm0, $0xb8;
	[tilespmem:$0x10380] =	vst v63  }
0x356: {  	v3 =	vld [tilespmem:$0x2D0];
	_ =	sdelay $0x4  }
0x357: {  	v53 =	vshll.u32 v3, $0x2  }
0x358: {  	v3 =	vand.u32 $0x7, v3;
	v4 =	vand.u32 $0xFFFFFFE0, v53  }
0x359: {  	v3 =	vor.u32 v3, v4  }
0x35a: {  	v4 =	vperm.xlane v3, v0;
	_ =	sdelay $0x1  }
0x35b: {  	v4 =	vadd.s32 v1, v4;
	_ =	sdelay $0x1  }
0x35c: {  	v3 =	vperm.xlane v3, v2;
	_ =	sdelay $0x1  }
0x35d: {  	s8 =	simm.s32 $0xA380;
	v3 =	vadd.s32 v1, v3  }
0x35e: {  	[tilespmem:s8], [sflag:$0x3] =	stream.indirect_vreg.gather [hbm4b:s4+s2], $0x80, v4, vm0, $0xb8;
	[tilespmem:$0x10380] =	vst v63  }
0x35f: {  	s10 =	simm.s32 $0xAB80  }
0x360: {  	[tilespmem:s10], [sflag:$0x3] =	stream.indirect_vreg.gather [hbm4b:s5+s2], $0x80, v4, vm0, $0xb8;
	[tilespmem:$0x10380] =	vst v63  }
0x361: {  	s11 =	simm.s32 $0xB380  }
0x362: {  	[tilespmem:s11], [sflag:$0x3] =	stream.indirect_vreg.gather [hbm4b:s4+s2], $0x80, v3, vm0, $0xb8;
	[tilespmem:$0x10380] =	vst v63  }
0x363: {  	s31 =	simm.s32 $0xBB80  }
0x364: {  	[tilespmem:s31], [sflag:$0x3] =	stream.indirect_vreg.gather [hbm4b:s5+s2], $0x80, v3, vm0, $0xb8;
	[tilespmem:$0x10380] =	vst v63  }
0x365: {  	_ =	swait.ge [sflag:s21], $0x4000  }
0x366: {  	[sflag:s21] =	ssyncset.done $0x0  }
0x367: {  	s11 =	rddreg [dreg:$0x16];
	[sflag:s21] =	ssyncadd.s32 $0xFFFFC000  }
0x368: {  	[hbm4b:s11+s2] =	stream.linear.scatter [tilespmem:s0], [sflag:$0x8], $0x4000, $0x38;
	[tilespmem:$0x10380] =	vst v63  }
0x369: {  	_ =	swait.ge [sflag:s22], $0x4000  }
0x36a: {  	[sflag:s22] =	ssyncset.done $0x0  }
0x36b: {  	[sflag:s22] =	ssyncadd.s32 $0xFFFFC000  }
0x36c: {  	v3 =	vld [tilespmem:$0x2E0];
	_ =	sdelay $0x4  }
0x36d: {  	v54 =	vshll.u32 v3, $0x2  }
0x36e: {  	v3 =	vand.u32 $0x7, v3;
	v4 =	vand.u32 $0xFFFFFFE0, v54  }
0x36f: {  	v3 =	vor.u32 v3, v4  }
0x370: {  	v4 =	vperm.xlane v3, v0;
	_ =	sdelay $0x1  }
0x371: {  	v4 =	vadd.s32 v1, v4;
	_ =	sdelay $0x1  }
0x372: {  	v3 =	vperm.xlane v3, v2;
	_ =	sdelay $0x1  }
0x373: {  	v3 =	vadd.s32 v1, v3  }
0x374: {  	[tilespmem:s0], [sflag:$0x4] =	stream.indirect_vreg.gather [hbm4b:s4+s2], $0x80, v4, vm0, $0xb8;
	[tilespmem:$0x10380] =	vst v63  }
0x375: {  	s23 =	simm.s32 $0xCB80  }
0x376: {  	[tilespmem:s23], [sflag:$0x4] =	stream.indirect_vreg.gather [hbm4b:s5+s2], $0x80, v4, vm0, $0xb8;
	[tilespmem:$0x10380] =	vst v63  }
0x377: {  	s31 =	simm.s32 $0xD380  }
0x378: {  	[tilespmem:s31], [sflag:$0x4] =	stream.indirect_vreg.gather [hbm4b:s4+s2], $0x80, v3, vm0, $0xb8;
	[tilespmem:$0x10380] =	vst v63  }
0x379: {  	s23 =	simm.s32 $0xDB80  }
0x37a: {  	[tilespmem:s23], [sflag:$0x4] =	stream.indirect_vreg.gather [hbm4b:s5+s2], $0x80, v3, vm0, $0xb8;
	[tilespmem:$0x10380] =	vst v63  }
0x37b: {  	v3 =	vld [tilespmem:$0x2F0];
	_ =	sdelay $0x4  }
0x37c: {  	v55 =	vshll.u32 v3, $0x2  }
0x37d: {  	v3 =	vand.u32 $0x7, v3;
	v4 =	vand.u32 $0xFFFFFFE0, v55  }
0x37e: {  	v3 =	vor.u32 v3, v4  }
0x37f: {  	v4 =	vperm.xlane v3, v0;
	_ =	sdelay $0x1  }
0x380: {  	v4 =	vadd.s32 v1, v4;
	_ =	sdelay $0x1  }
0x381: {  	v3 =	vperm.xlane v3, v2;
	_ =	sdelay $0x1  }
0x382: {  	s23 =	simm.s32 $0xE380;
	v3 =	vadd.s32 v1, v3  }
0x383: {  	[tilespmem:s23], [sflag:$0x4] =	stream.indirect_vreg.gather [hbm4b:s4+s2], $0x80, v4, vm0, $0xb8;
	[tilespmem:$0x10380] =	vst v63  }
0x384: {  	s23 =	simm.s32 $0xEB80  }
0x385: {  	[tilespmem:s23], [sflag:$0x4] =	stream.indirect_vreg.gather [hbm4b:s5+s2], $0x80, v4, vm0, $0xb8;
	[tilespmem:$0x10380] =	vst v63  }
0x386: {  	s23 =	simm.s32 $0xF380  }
0x387: {  	[tilespmem:s23], [sflag:$0x4] =	stream.indirect_vreg.gather [hbm4b:s4+s2], $0x80, v3, vm0, $0xb8;
	[tilespmem:$0x10380] =	vst v63  }
0x388: {  	s23 =	simm.s32 $0xFB80  }
0x389: {  	[tilespmem:s23], [sflag:$0x4] =	stream.indirect_vreg.gather [hbm4b:s5+s2], $0x80, v3, vm0, $0xb8;
	[tilespmem:$0x10380] =	vst v63  }
0x38a: {  	_ =	swait.ge [sflag:s14], $0x4000  }
0x38b: {  	[sflag:s14] =	ssyncset.done $0x0  }
0x38c: {  	s23 =	rddreg [dreg:$0x17];
	[sflag:s14] =	ssyncadd.s32 $0xFFFFC000  }
0x38d: {  	[hbm4b:s23+s2] =	stream.linear.scatter [tilespmem:s3], [sflag:$0x5], $0x4000, $0x38;
	[tilespmem:$0x10380] =	vst v63  }
0x38e: {  	_ =	swait.ge [sflag:s15], $0x4000  }
0x38f: {  	[sflag:s15] =	ssyncset.done $0x0  }
0x390: {  	[sflag:s15] =	ssyncadd.s32 $0xFFFFC000  }
0x391: {  	v3 =	vld [tilespmem:$0x300];
	_ =	sdelay $0x4  }
0x392: {  	v56 =	vshll.u32 v3, $0x2  }
0x393: {  	v3 =	vand.u32 $0x7, v3;
	v4 =	vand.u32 $0xFFFFFFE0, v56  }
0x394: {  	v3 =	vor.u32 v3, v4  }
0x395: {  	v4 =	vperm.xlane v3, v0;
	_ =	sdelay $0x1  }
0x396: {  	v4 =	vadd.s32 v1, v4;
	_ =	sdelay $0x1  }
0x397: {  	v3 =	vperm.xlane v3, v2;
	_ =	sdelay $0x1  }
0x398: {  	v3 =	vadd.s32 v1, v3  }
0x399: {  	[tilespmem:s3], [sflag:$0x1] =	stream.indirect_vreg.gather [hbm4b:s4+s2], $0x80, v4, vm0, $0xb8;
	[tilespmem:$0x10380] =	vst v63  }
0x39a: {  	s23 =	simm.s32 $0xB80  }
0x39b: {  	[tilespmem:s23], [sflag:$0x1] =	stream.indirect_vreg.gather [hbm4b:s5+s2], $0x80, v4, vm0, $0xb8;
	[tilespmem:$0x10380] =	vst v63  }
0x39c: {  	s28 =	simm.s32 $0x1380  }
0x39d: {  	[tilespmem:s28], [sflag:$0x1] =	stream.indirect_vreg.gather [hbm4b:s4+s2], $0x80, v3, vm0, $0xb8;
	[tilespmem:$0x10380] =	vst v63  }
0x39e: {  	s28 =	simm.s32 $0x1B80  }
0x39f: {  	[tilespmem:s28], [sflag:$0x1] =	stream.indirect_vreg.gather [hbm4b:s5+s2], $0x80, v3, vm0, $0xb8;
	[tilespmem:$0x10380] =	vst v63  }
0x3a0: {  	v3 =	vld [tilespmem:$0x310];
	_ =	sdelay $0x4  }
0x3a1: {  	v57 =	vshll.u32 v3, $0x2  }
0x3a2: {  	v3 =	vand.u32 $0x7, v3;
	v4 =	vand.u32 $0xFFFFFFE0, v57  }
0x3a3: {  	v3 =	vor.u32 v3, v4  }
0x3a4: {  	v4 =	vperm.xlane v3, v0;
	_ =	sdelay $0x1  }
0x3a5: {  	v4 =	vadd.s32 v1, v4;
	_ =	sdelay $0x1  }
0x3a6: {  	v3 =	vperm.xlane v3, v2;
	_ =	sdelay $0x1  }
0x3a7: {  	s1 =	simm.s32 $0x2380;
	v3 =	vadd.s32 v1, v3  }
0x3a8: {  	[tilespmem:s1], [sflag:$0x1] =	stream.indirect_vreg.gather [hbm4b:s4+s2], $0x80, v4, vm0, $0xb8;
	[tilespmem:$0x10380] =	vst v63  }
0x3a9: {  	s7 =	simm.s32 $0x2B80  }
0x3aa: {  	[tilespmem:s7], [sflag:$0x1] =	stream.indirect_vreg.gather [hbm4b:s5+s2], $0x80, v4, vm0, $0xb8;
	[tilespmem:$0x10380] =	vst v63  }
0x3ab: {  	s12 =	simm.s32 $0x3380  }
0x3ac: {  	[tilespmem:s12], [sflag:$0x1] =	stream.indirect_vreg.gather [hbm4b:s4+s2], $0x80, v3, vm0, $0xb8;
	[tilespmem:$0x10380] =	vst v63  }
0x3ad: {  	s25 =	simm.s32 $0x3B80  }
0x3ae: {  	[tilespmem:s25], [sflag:$0x1] =	stream.indirect_vreg.gather [hbm4b:s5+s2], $0x80, v3, vm0, $0xb8;
	[tilespmem:$0x10380] =	vst v63  }
0x3af: {  	_ =	swait.ge [sflag:s17], $0x4000  }
0x3b0: {  	[sflag:s17] =	ssyncset.done $0x0  }
0x3b1: {  	s1 =	rddreg [dreg:$0x18];
	[sflag:s17] =	ssyncadd.s32 $0xFFFFC000  }
0x3b2: {  	[hbm4b:s1+s2] =	stream.linear.scatter [tilespmem:s16], [sflag:$0x6], $0x4000, $0x38;
	[tilespmem:$0x10380] =	vst v63  }
0x3b3: {  	_ =	swait.ge [sflag:s18], $0x4000  }
0x3b4: {  	[sflag:s18] =	ssyncset.done $0x0  }
0x3b5: {  	[sflag:s18] =	ssyncadd.s32 $0xFFFFC000  }
0x3b6: {  	v3 =	vld [tilespmem:$0x320];
	_ =	sdelay $0x4  }
0x3b7: {  	v58 =	vshll.u32 v3, $0x2  }
0x3b8: {  	v3 =	vand.u32 $0x7, v3;
	v4 =	vand.u32 $0xFFFFFFE0, v58  }
0x3b9: {  	v3 =	vor.u32 v3, v4  }
0x3ba: {  	v4 =	vperm.xlane v3, v0;
	_ =	sdelay $0x1  }
0x3bb: {  	v4 =	vadd.s32 v1, v4;
	_ =	sdelay $0x1  }
0x3bc: {  	v3 =	vperm.xlane v3, v2;
	_ =	sdelay $0x1  }
0x3bd: {  	v3 =	vadd.s32 v1, v3  }
0x3be: {  	[tilespmem:s16], [sflag:$0x2] =	stream.indirect_vreg.gather [hbm4b:s4+s2], $0x80, v4, vm0, $0xb8;
	[tilespmem:$0x10380] =	vst v63  }
0x3bf: {  	s7 =	simm.s32 $0x4B80  }
0x3c0: {  	[tilespmem:s7], [sflag:$0x2] =	stream.indirect_vreg.gather [hbm4b:s5+s2], $0x80, v4, vm0, $0xb8;
	[tilespmem:$0x10380] =	vst v63  }
0x3c1: {  	s12 =	simm.s32 $0x5380  }
0x3c2: {  	[tilespmem:s12], [sflag:$0x2] =	stream.indirect_vreg.gather [hbm4b:s4+s2], $0x80, v3, vm0, $0xb8;
	[tilespmem:$0x10380] =	vst v63  }
0x3c3: {  	s23 =	simm.s32 $0x5B80  }
0x3c4: {  	[tilespmem:s23], [sflag:$0x2] =	stream.indirect_vreg.gather [hbm4b:s5+s2], $0x80, v3, vm0, $0xb8;
	[tilespmem:$0x10380] =	vst v63  }
0x3c5: {  	v3 =	vld [tilespmem:$0x330];
	_ =	sdelay $0x4  }
0x3c6: {  	v59 =	vshll.u32 v3, $0x2  }
0x3c7: {  	v3 =	vand.u32 $0x7, v3;
	v4 =	vand.u32 $0xFFFFFFE0, v59  }
0x3c8: {  	v3 =	vor.u32 v3, v4  }
0x3c9: {  	v4 =	vperm.xlane v3, v0;
	_ =	sdelay $0x1  }
0x3ca: {  	v4 =	vadd.s32 v1, v4;
	_ =	sdelay $0x1  }
0x3cb: {  	v3 =	vperm.xlane v3, v2;
	_ =	sdelay $0x1  }
0x3cc: {  	s25 =	simm.s32 $0x6380;
	v3 =	vadd.s32 v1, v3  }
0x3cd: {  	[tilespmem:s25], [sflag:$0x2] =	stream.indirect_vreg.gather [hbm4b:s4+s2], $0x80, v4, vm0, $0xb8;
	[tilespmem:$0x10380] =	vst v63  }
0x3ce: {  	s28 =	simm.s32 $0x6B80  }
0x3cf: {  	[tilespmem:s28], [sflag:$0x2] =	stream.indirect_vreg.gather [hbm4b:s5+s2], $0x80, v4, vm0, $0xb8;
	[tilespmem:$0x10380] =	vst v63  }
0x3d0: {  	s13 =	simm.s32 $0x7380  }
0x3d1: {  	[tilespmem:s13], [sflag:$0x2] =	stream.indirect_vreg.gather [hbm4b:s4+s2], $0x80, v3, vm0, $0xb8;
	[tilespmem:$0x10380] =	vst v63  }
0x3d2: {  	s26 =	simm.s32 $0x7B80  }
0x3d3: {  	[tilespmem:s26], [sflag:$0x2] =	stream.indirect_vreg.gather [hbm4b:s5+s2], $0x80, v3, vm0, $0xb8;
	[tilespmem:$0x10380] =	vst v63  }
0x3d4: {  	_ =	swait.ge [sflag:s19], $0x4000  }
0x3d5: {  	[sflag:s19] =	ssyncset.done $0x0  }
0x3d6: {  	s1 =	rddreg [dreg:$0x19];
	[sflag:s19] =	ssyncadd.s32 $0xFFFFC000  }
0x3d7: {  	[hbm4b:s1+s2] =	stream.linear.scatter [tilespmem:s24], [sflag:$0x7], $0x4000, $0x38;
	[tilespmem:$0x10380] =	vst v63  }
0x3d8: {  	_ =	swait.ge [sflag:s20], $0x4000  }
0x3d9: {  	[sflag:s20] =	ssyncset.done $0x0  }
0x3da: {  	[sflag:s20] =	ssyncadd.s32 $0xFFFFC000  }
0x3db: {  	v3 =	vld [tilespmem:$0x340];
	_ =	sdelay $0x4  }
0x3dc: {  	v60 =	vshll.u32 v3, $0x2  }
0x3dd: {  	v3 =	vand.u32 $0x7, v3;
	v4 =	vand.u32 $0xFFFFFFE0, v60  }
0x3de: {  	v3 =	vor.u32 v3, v4  }
0x3df: {  	v4 =	vperm.xlane v3, v0;
	_ =	sdelay $0x1  }
0x3e0: {  	v4 =	vadd.s32 v1, v4;
	_ =	sdelay $0x1  }
0x3e1: {  	v3 =	vperm.xlane v3, v2;
	_ =	sdelay $0x1  }
0x3e2: {  	v3 =	vadd.s32 v1, v3  }
0x3e3: {  	[tilespmem:s24], [sflag:$0x3] =	stream.indirect_vreg.gather [hbm4b:s4+s2], $0x80, v4, vm0, $0xb8;
	[tilespmem:$0x10380] =	vst v63  }
0x3e4: {  	s30 =	simm.s32 $0x8B80  }
0x3e5: {  	[tilespmem:s30], [sflag:$0x3] =	stream.indirect_vreg.gather [hbm4b:s5+s2], $0x80, v4, vm0, $0xb8;
	[tilespmem:$0x10380] =	vst v63  }
0x3e6: {  	s29 =	simm.s32 $0x9380  }
0x3e7: {  	[tilespmem:s29], [sflag:$0x3] =	stream.indirect_vreg.gather [hbm4b:s4+s2], $0x80, v3, vm0, $0xb8;
	[tilespmem:$0x10380] =	vst v63  }
0x3e8: {  	s7 =	simm.s32 $0x9B80  }
0x3e9: {  	[tilespmem:s7], [sflag:$0x3] =	stream.indirect_vreg.gather [hbm4b:s5+s2], $0x80, v3, vm0, $0xb8;
	[tilespmem:$0x10380] =	vst v63  }
0x3ea: {  	v3 =	vld [tilespmem:$0x350];
	_ =	sdelay $0x4  }
0x3eb: {  	v61 =	vshll.u32 v3, $0x2  }
0x3ec: {  	v3 =	vand.u32 $0x7, v3;
	v4 =	vand.u32 $0xFFFFFFE0, v61  }
0x3ed: {  	v3 =	vor.u32 v3, v4  }
0x3ee: {  	v4 =	vperm.xlane v3, v0;
	_ =	sdelay $0x1  }
0x3ef: {  	v4 =	vadd.s32 v1, v4;
	_ =	sdelay $0x1  }
0x3f0: {  	v3 =	vperm.xlane v3, v2;
	_ =	sdelay $0x1  }
0x3f1: {  	s9 =	simm.s32 $0xA380;
	v3 =	vadd.s32 v1, v3  }
0x3f2: {  	[tilespmem:s9], [sflag:$0x3] =	stream.indirect_vreg.gather [hbm4b:s4+s2], $0x80, v4, vm0, $0xb8;
	[tilespmem:$0x10380] =	vst v63  }
0x3f3: {  	s8 =	simm.s32 $0xAB80  }
0x3f4: {  	[tilespmem:s8], [sflag:$0x3] =	stream.indirect_vreg.gather [hbm4b:s5+s2], $0x80, v4, vm0, $0xb8;
	[tilespmem:$0x10380] =	vst v63  }
0x3f5: {  	s10 =	simm.s32 $0xB380  }
0x3f6: {  	[tilespmem:s10], [sflag:$0x3] =	stream.indirect_vreg.gather [hbm4b:s4+s2], $0x80, v3, vm0, $0xb8;
	[tilespmem:$0x10380] =	vst v63  }
0x3f7: {  	s9 =	simm.s32 $0xBB80  }
0x3f8: {  	[tilespmem:s9], [sflag:$0x3] =	stream.indirect_vreg.gather [hbm4b:s5+s2], $0x80, v3, vm0, $0xb8;
	[tilespmem:$0x10380] =	vst v63  }
0x3f9: {  	_ =	swait.ge [sflag:s21], $0x4000  }
0x3fa: {  	[sflag:s21] =	ssyncset.done $0x0  }
0x3fb: {  	s10 =	rddreg [dreg:$0x1a];
	[sflag:s21] =	ssyncadd.s32 $0xFFFFC000  }
0x3fc: {  	[hbm4b:s10+s2] =	stream.linear.scatter [tilespmem:s0], [sflag:$0x8], $0x4000, $0x38;
	[tilespmem:$0x10380] =	vst v63  }
0x3fd: {  	_ =	swait.ge [sflag:s22], $0x4000  }
0x3fe: {  	[sflag:s22] =	ssyncset.done $0x0  }
0x3ff: {  	[sflag:s22] =	ssyncadd.s32 $0xFFFFC000  }
0x400: {  	v3 =	vld [tilespmem:$0x360];
	_ =	sdelay $0x4  }
0x401: {  	v62 =	vshll.u32 v3, $0x2  }
0x402: {  	v3 =	vand.u32 $0x7, v3;
	v4 =	vand.u32 $0xFFFFFFE0, v62  }
0x403: {  	v3 =	vor.u32 v3, v4  }
0x404: {  	v4 =	vperm.xlane v3, v0;
	_ =	sdelay $0x1  }
0x405: {  	v4 =	vadd.s32 v1, v4;
	_ =	sdelay $0x1  }
0x406: {  	v3 =	vperm.xlane v3, v2;
	_ =	sdelay $0x1  }
0x407: {  	v3 =	vadd.s32 v1, v3  }
0x408: {  	[tilespmem:s0], [sflag:$0x4] =	stream.indirect_vreg.gather [hbm4b:s4+s2], $0x80, v4, vm0, $0xb8;
	[tilespmem:$0x10380] =	vst v63  }
0x409: {  	s11 =	simm.s32 $0xCB80  }
0x40a: {  	[tilespmem:s11], [sflag:$0x4] =	stream.indirect_vreg.gather [hbm4b:s5+s2], $0x80, v4, vm0, $0xb8;
	[tilespmem:$0x10380] =	vst v63  }
0x40b: {  	s31 =	simm.s32 $0xD380  }
0x40c: {  	[tilespmem:s31], [sflag:$0x4] =	stream.indirect_vreg.gather [hbm4b:s4+s2], $0x80, v3, vm0, $0xb8;
	[tilespmem:$0x10380] =	vst v63  }
0x40d: {  	s12 =	simm.s32 $0xDB80  }
0x40e: {  	[tilespmem:s12], [sflag:$0x4] =	stream.indirect_vreg.gather [hbm4b:s5+s2], $0x80, v3, vm0, $0xb8;
	[tilespmem:$0x10380] =	vst v63  }
0x40f: {  	v3 =	vld [tilespmem:$0x370];
	_ =	sdelay $0x4  }
0x410: {  	v63 =	vshll.u32 v3, $0x2  }
0x411: {  	v3 =	vand.u32 $0x7, v3;
	v4 =	vand.u32 $0xFFFFFFE0, v63  }
0x412: {  	v3 =	vor.u32 v3, v4  }
0x413: {  	v4 =	vperm.xlane v3, v0;
	_ =	sdelay $0x1  }
0x414: {  	v4 =	vadd.s32 v1, v4;
	_ =	sdelay $0x1  }
0x415: {  	v3 =	vperm.xlane v3, v2;
	_ =	sdelay $0x1  }
0x416: {  	s13 =	simm.s32 $0xE380;
	v3 =	vadd.s32 v1, v3  }
0x417: {  	[tilespmem:s13], [sflag:$0x4] =	stream.indirect_vreg.gather [hbm4b:s4+s2], $0x80, v4, vm0, $0xb8;
	[tilespmem:$0x10380] =	vst v63  }
0x418: {  	s23 =	simm.s32 $0xEB80  }
0x419: {  	[tilespmem:s23], [sflag:$0x4] =	stream.indirect_vreg.gather [hbm4b:s5+s2], $0x80, v4, vm0, $0xb8;
	[tilespmem:$0x10380] =	vst v63  }
0x41a: {  	s25 =	simm.s32 $0xF380  }
0x41b: {  	[tilespmem:s25], [sflag:$0x4] =	stream.indirect_vreg.gather [hbm4b:s4+s2], $0x80, v3, vm0, $0xb8;
	[tilespmem:$0x10380] =	vst v63  }
0x41c: {  	s26 =	simm.s32 $0xFB80  }
0x41d: {  	[tilespmem:s26], [sflag:$0x4] =	stream.indirect_vreg.gather [hbm4b:s5+s2], $0x80, v3, vm0, $0xb8;
	[tilespmem:$0x10380] =	vst v63  }
0x41e: {  	_ =	swait.ge [sflag:s14], $0x4000  }
0x41f: {  	[sflag:s14] =	ssyncset.done $0x0  }
0x420: {  	s28 =	rddreg [dreg:$0x1b];
	[sflag:s14] =	ssyncadd.s32 $0xFFFFC000  }
0x421: {  	[hbm4b:s28+s2] =	stream.linear.scatter [tilespmem:s3], [sflag:$0x5], $0x4000, $0x38;
	[tilespmem:$0x10380] =	vst v63  }
0x422: {  	_ =	swait.ge [sflag:s17], $0x4000  }
0x423: {  	[sflag:s17] =	ssyncset.done $0x0  }
0x424: {  	s29 =	rddreg [dreg:$0x1c];
	[sflag:s17] =	ssyncadd.s32 $0xFFFFC000  }
0x425: {  	[hbm4b:s29+s2] =	stream.linear.scatter [tilespmem:s16], [sflag:$0x6], $0x4000, $0x38;
	[tilespmem:$0x10380] =	vst v63  }
0x426: {  	_ =	swait.ge [sflag:s19], $0x4000  }
0x427: {  	[sflag:s19] =	ssyncset.done $0x0  }
0x428: {  	s30 =	rddreg [dreg:$0x1d];
	[sflag:s19] =	ssyncadd.s32 $0xFFFFC000  }
0x429: {  	[hbm4b:s30+s2] =	stream.linear.scatter [tilespmem:s24], [sflag:$0x7], $0x4000, $0x38;
	[tilespmem:$0x10380] =	vst v63  }
0x42a: {  	_ =	swait.ge [sflag:s21], $0x4000  }
0x42b: {  	[sflag:s21] =	ssyncset.done $0x0  }
0x42c: {  	s31 =	rddreg [dreg:$0x1e];
	[sflag:s21] =	ssyncadd.s32 $0xFFFFC000  }
0x42d: {  	[hbm4b:s31+s2] =	stream.linear.scatter [tilespmem:s0], [sflag:$0x8], $0x4000, $0x38;
	[tilespmem:$0x10380] =	vst v63  }
0x42e: {  	_ =	swait.ge [sflag:s15], $0x4000  }
0x42f: {  	[sflag:s15] =	ssyncset.done $0x0  }
0x430: {  	[sflag:s15] =	ssyncadd.s32 $0xFFFFC000  }
0x431: {  	_ =	swait.ge [sflag:s18], $0x4000  }
0x432: {  	[sflag:s18] =	ssyncset.done $0x0  }
0x433: {  	[sflag:s18] =	ssyncadd.s32 $0xFFFFC000  }
0x434: {  	p0 =	sne.s32 s6, $0x1;
	_ =	swait.ge [sflag:s20], $0x4000  }
.Ltmp0:
0x435: {  	[sflag:s20] =	ssyncset.done $0x0;
	(pc) =	sbr.rel @p0 .LBB2_1-.Ltmp0, $4  }
0x436: {  	[sflag:s20] =	ssyncadd.s32 $0xFFFFC000  }
0x437: {  	_ =	swait.ge [sflag:s22], $0x4000  }
0x438: {  	[sflag:s22] =	ssyncset.done $0x0  }
0x439: {  	s6 =	sadd.s32 $0xFFFFFFFF, s6;
	[sflag:s22] =	ssyncadd.s32 $0xFFFFC000  }
0x43a: {  	_ =	sfence.sel $0x180000  }
0x43b: {  	[bflag:$0x0] =	sbarrier.arrive $0xFFFF  }
0x43c: {  	_ =	strace $0x9000004A  }
0x43d: {  	s0 =	stileid.u32;
	[bflag:$0x2] =	sbarrier.arrive $0xFFFF  }
0x43e: {  	p0 =	sne.s32 s0, $0x0;
	s0 =	rddreg [dreg:$0x2]  }
0x43f: {  	s0 =	sadd.s32 @!p0 $0x100000, s0  }
0x440: {  	[sflag:s0] =	ssyncadd.tile.s32 @!p0 $0x1;
	_ =	shalt  }
.Lfunc_end2:
_tile_overlayer_lowered:
.L_overlay_start_2:
0x441: {  	(tag) =	ssettag $0x2  }
0x442: {  	s0 =	rddreg [dreg:$0x0];
	s2 =	stileid.u32  }
0x443: {  	s1 =	rddreg [dreg:$0x1];
	p0 =	sne.s32 s2, $0x0  }
0x444: {  	s3 =	rddreg [dreg:$0x2];
	[bflag:$0x3] =	sbarrier.arrive $0xFFFF;
	s2 =	simm.s32 @!p0 $0x1C09  }
0x445: {  	[timem:s3], [sflag:s2] =	dma.local @!p0 [hbm:s0], s1  }
0x446: {  	s0 =	simm.s32 @!p0 $0x9  }
0x447: {  	_ =	swait.ge @!p0 [sflag:s0], s1  }
0x448: {  	s1 =	ssub.s32 @!p0 $0x0, s1;
	[sflag:s0] =	ssyncset.done @!p0 $0x0  }
0x449: {  	[sflag:s0] =	ssyncadd.s32 @!p0 s1  }
0x44a: {  	[bflag:$0x3] =	sbarrier.arrive $0xFFFF  }
0x44b: {  	_ =	shalt  }

</sc_bundles>
